<compile_context>
chip_gen: v7x
topology: tpu7x:2x2x1
jax: 0.10.2.dev20260603
libtpu: 0.0.44.dev20260713+nightly
codegen_flags: <defaults>
</compile_context>

<pallas_src>
import functools

import jax
import jax.numpy as jnp
from jax import lax
from jax.experimental import pallas as pl
from jax.experimental.pallas import tpu as pltpu
from jax.experimental.pallas import tpu_sc as plsc

N_NODES = 10000
HALF = 5000
PAD_ROWS = 56
NPAD = N_NODES + 2 * PAD_ROWS
D = 128
E_TOT = 330000
EH = E_TOT // 2
K = 128
NTILES = 16
NB = 81
LS = NB * K * NTILES
EPT = NB * K
RPT = NPAD // NTILES
MMB = NPAD // 16


NBUF = 3


def _sc_round_body(g_in, rc_buf, parts,
                   rc0, rc1, rc2,
                   rows0, rows1, rows2,
                   acc, sem0, sem1, sem2, sem3, sem4, sem5):
    k = lax.axis_index("c")
    t = lax.axis_index("s")
    rc = (rc0, rc1, rc2)
    rows = (rows0, rows1, rows2)
    sem = (sem0, sem1, sem2)
    sems = (sem3, sem4, sem5)

    zv = jnp.zeros((16,), jnp.float32)

    def zrow(i, c):
        for j in range(D // 16):
            rows0[i, pl.ds(j * 16, 16)] = zv
        return c

    lax.fori_loop(0, K, zrow, 0)
    zoff = 0
    while zoff < RPT:
        zn = min(K, RPT - zoff)
        pltpu.sync_copy(rows0.at[pl.ds(0, zn)],
                        acc.at[pl.ds(t * RPT + zoff, zn)])
        zoff += zn
    plsc.subcore_barrier()

    pbase = (k * NTILES + t) * NB

    def start(pb, b):
        pltpu.sync_copy(rc_buf.at[pb], rc[b])
        pltpu.async_copy(g_in.at[rc[b].at[0]], rows[b], sem[b])

    for b in range(NBUF):
        start(pbase + b, b)

    def group(i, c):
        pb = pbase + NBUF * i
        for b in range(NBUF):
            pltpu.make_async_copy(g_in.at[rc[b].at[0]], rows[b], sem[b]).wait()
            pltpu.async_copy(rows[b], acc.at[rc[b].at[1]], sems[b], add=True)
        for b in range(NBUF):
            pltpu.make_async_copy(rows[b], acc.at[rc[b].at[1]], sems[b]).wait()

            @pl.when(i + 1 < NB // NBUF)
            def _():
                start(pb + b + NBUF, b)
        return c

    lax.fori_loop(0, NB // NBUF, group, 0)
    plsc.subcore_barrier()

    pltpu.sync_copy(acc.at[pl.ds(t * RPT, RPT)],
                    parts.at[pl.ds(k * NPAD + t * RPT, RPT)])


_sc_round = functools.partial(
    pl.kernel,
    out_type=jax.ShapeDtypeStruct((2 * NPAD, D), jnp.float32),
    mesh=plsc.VectorSubcoreMesh(core_axis_name="c", subcore_axis_name="s"),
    scratch_types=(
        [pltpu.VMEM((2, K), jnp.int32)] * 3
        + [pltpu.VMEM((K, D), jnp.float32)] * 3
        + [pltpu.VMEM_SHARED((NPAD, D), jnp.float32)]
        + [pltpu.SemaphoreType.DMA] * 6
    ),
)(_sc_round_body)


def _tc_comb_body(p0, p1, sb, ob):
    ob[...] = (p0[...] + p1[...]) * sb[...]


def _tc_comb(parts, sb):
    nblk = NPAD // MMB
    return pl.pallas_call(
        _tc_comb_body,
        grid=(nblk,),
        in_specs=[
            pl.BlockSpec((MMB, D), lambda i: (i, 0)),
            pl.BlockSpec((MMB, D), lambda i: (i + NPAD // MMB, 0)),
            pl.BlockSpec((MMB, D), lambda i: (i, 0)),
        ],
        out_specs=pl.BlockSpec((MMB, D), lambda i: (i, 0)),
        out_shape=jax.ShapeDtypeStruct((NPAD, D), jnp.float32),
    )(parts, parts, sb)


def _tc_a_body(xb, w1, b1, w2, b2, db, ob):
    h = jnp.dot(xb[...], w1[...], preferred_element_type=jnp.float32) + b1[...]
    h = jnp.maximum(h, 0.0)
    g = jnp.dot(h, w2[...], preferred_element_type=jnp.float32) + b2[...]
    ob[...] = g * db[...]


def _tc_b_body(hb, wc, bc, db, ob):
    z = jnp.dot(jnp.maximum(hb[...], 0.0), wc[...],
                preferred_element_type=jnp.float32) + bc[...]
    ob[...] = z * db[...]


def _tc_a(x_pad, w1, b1, w2, b2, dinv_b):
    return pl.pallas_call(
        _tc_a_body,
        grid=(NPAD // MMB,),
        in_specs=[
            pl.BlockSpec((MMB, D), lambda i: (i, 0)),
            pl.BlockSpec((D, D), lambda i: (0, 0)),
            pl.BlockSpec((1, D), lambda i: (0, 0)),
            pl.BlockSpec((D, D), lambda i: (0, 0)),
            pl.BlockSpec((1, D), lambda i: (0, 0)),
            pl.BlockSpec((MMB, D), lambda i: (i, 0)),
        ],
        out_specs=pl.BlockSpec((MMB, D), lambda i: (i, 0)),
        out_shape=jax.ShapeDtypeStruct((NPAD, D), jnp.float32),
    )(x_pad, w1, b1, w2, b2, dinv_b)


def _tc_b(h_pad, wc, bc, dinv_b):
    return pl.pallas_call(
        _tc_b_body,
        grid=(NPAD // MMB,),
        in_specs=[
            pl.BlockSpec((MMB, D), lambda i: (i, 0)),
            pl.BlockSpec((D, D), lambda i: (0, 0)),
            pl.BlockSpec((1, D), lambda i: (0, 0)),
            pl.BlockSpec((MMB, D), lambda i: (i, 0)),
        ],
        out_specs=pl.BlockSpec((MMB, D), lambda i: (i, 0)),
        out_shape=jax.ShapeDtypeStruct((NPAD, D), jnp.float32),
    )(h_pad, wc, bc, dinv_b)


def kernel(x, W1, b1, W2, b2, Wc, bc, edge_index, conv_time):
    ei = edge_index.astype(jnp.int32)
    ar = jnp.arange(N_NODES, dtype=jnp.int32)
    row = jnp.concatenate([ei[0], ar])
    col = jnp.concatenate([ei[1], ar])

    deg = jnp.zeros((N_NODES,), jnp.float32).at[col].add(1.0)
    dinv = jnp.where(deg > 0, lax.rsqrt(jnp.maximum(deg, 1e-12)), 0.0)
    dinv2 = dinv * dinv

    row_p = row + PAD_ROWS * (row >= HALF).astype(jnp.int32)
    col_p = col + PAD_ROWS * (col >= HALF).astype(jnp.int32)
    npad_e = LS - EH
    i_p = jnp.arange(npad_e, dtype=jnp.int32)
    fill_r = (i_p * 37) % 4096
    fill_c = HALF + (i_p % PAD_ROWS)
    row_buf = jnp.concatenate([row_p[:EH], fill_r, row_p[EH:], fill_r])
    col_buf = jnp.concatenate([col_p[:EH], fill_c, col_p[EH:], fill_c])
    rc_buf = jnp.stack([row_buf.reshape(-1, K), col_buf.reshape(-1, K)], axis=1)

    zpad = jnp.zeros((PAD_ROWS, D), jnp.float32)
    x_pad = jnp.concatenate([x[:HALF], zpad, x[HALF:], zpad])
    zp1 = jnp.zeros((PAD_ROWS,), jnp.float32)
    dinv_pad = jnp.concatenate([dinv[:HALF], zp1, dinv[HALF:], zp1])
    dinv2_pad = jnp.concatenate([dinv2[:HALF], zp1, dinv2[HALF:], zp1])
    dinv_b = jnp.broadcast_to(dinv_pad[:, None], (NPAD, D))
    dinv2_b = jnp.broadcast_to(dinv2_pad[:, None], (NPAD, D))

    g = _tc_a(x_pad, W1, b1.reshape(1, D), W2, b2.reshape(1, D), dinv_b)

    def round_(gg, sb):
        return _tc_comb(_sc_round(gg, rc_buf), sb)

    g = lax.fori_loop(0, conv_time - 1, lambda i, gg: round_(gg, dinv2_b), g)
    h = round_(g, dinv_b)

    ncls = Wc.shape[1]
    wc_pad = jnp.pad(Wc, ((0, 0), (0, D - ncls)))
    bc_pad = jnp.pad(bc, (0, D - ncls)).reshape(1, D)
    gc = _tc_b(h, wc_pad, bc_pad, dinv_b)
    outp = round_(gc, dinv_b)

    return jnp.concatenate([outp[:HALF, :ncls],
                            outp[HALF + PAD_ROWS:HALF + PAD_ROWS + HALF, :ncls]])

# --- scband reference (transcript-rebuilt; emitter-appended) ---
"""Pipeline reference for scband-model-81020263072217 (READ-ONLY COPY).

The authoritative reference and input builder live on the scoring server;
editing this copy changes nothing except your own understanding.
"""

import jax, jax.numpy as jnp
import numpy as np

N_NODES = 10000
N_EDGES = 320000
D_FEAT = 128
NHID = 128
N_CLASSES = 40


def setup_inputs(seed: int = 0) -> dict:
    key = jax.random.key(seed)
    ks = jax.random.split(key, 8)
    x = jax.random.normal(ks[0], (N_NODES, D_FEAT), dtype=jnp.float32)
    edge_index = jax.random.randint(ks[1], (2, N_EDGES), 0, N_NODES, dtype=jnp.int64)
    W1 = jax.random.normal(ks[2], (D_FEAT, NHID), dtype=jnp.float32) * (1.0 / np.sqrt(D_FEAT))
    b1 = jnp.zeros((NHID,), dtype=jnp.float32)
    W2 = jax.random.normal(ks[3], (NHID, NHID), dtype=jnp.float32) * (1.0 / np.sqrt(NHID))
    b2 = jnp.zeros((NHID,), dtype=jnp.float32)
    Wc = jax.random.normal(ks[4], (NHID, N_CLASSES), dtype=jnp.float32) * (1.0 / np.sqrt(NHID))
    bc = jnp.zeros((N_CLASSES,), dtype=jnp.float32)
    return {"x": x, "W1": W1, "b1": b1, "W2": W2, "b2": b2, "Wc": Wc, "bc": bc, "edge_index": edge_index, "conv_time": 30}


def _gcn_prep(edge_index, num_nodes):
    # add self-loops and compute symmetric GCN normalization
    row = edge_index[0]
    col = edge_index[1]
    loop = jnp.arange(num_nodes, dtype=edge_index.dtype)
    row = jnp.concatenate([row, loop])
    col = jnp.concatenate([col, loop])
    deg = jax.ops.segment_sum(jnp.ones_like(col, dtype=jnp.float32), col, num_segments=num_nodes)
    deg_inv_sqrt = jnp.where(deg > 0, jax.lax.rsqrt(jnp.maximum(deg, 1e-12)), 0.0)
    norm = deg_inv_sqrt[row] * deg_inv_sqrt[col]
    return row, col, norm


def _gcn_conv(x, W, b, row, col, norm, num_nodes, conv_time):
    # GCNConv with decoupled propagation (A2GNN-style): linear transform, then
    # conv_time rounds of normalized neighborhood aggregation (gather + scatter-add)
    h = x @ W + b

    def body(_, h):
        msg = h[row] * norm[:, None]
        return jax.ops.segment_sum(msg, col, num_segments=num_nodes)

    h = jax.lax.fori_loop(0, conv_time, body, h)
    return h


def reference(x, W1, b1, W2, b2, Wc, bc, edge_index, conv_time):
    num_nodes = x.shape[0]
    row, col, norm = _gcn_prep(edge_index, num_nodes)
    # feat_bottleneck
    h = _gcn_conv(x, W1, b1, row, col, norm, num_nodes, 0)
    h = jax.nn.relu(h)
    # dropout is identity in eval mode (training=False)
    h = _gcn_conv(h, W2, b2, row, col, norm, num_nodes, conv_time)
    h = jax.nn.relu(h)
    # feat_classifier (conv_time=1)
    out = _gcn_conv(h, Wc, bc, row, col, norm, num_nodes, 1)
    return out

if __name__ == "__main__":
    import jax
    _d = setup_inputs()
    print(jax.jit(kernel)(*tuple(_d.values())))

</pallas_src>

<mosaic_0001>
#map = affine_map<(d0, d1) -> (0, 0)>
#map1 = affine_map<(d0, d1) -> (0, 0, 0)>
module attributes {stable_mosaic.version = 14 : i64} {
  func.func @_sc_round_body(%arg0: i32, %arg1: i32, %arg2: memref<10112x128xf32, #tpu.memory_space<hbm>>, %arg3: memref<2592x2x128xi32, #tpu.memory_space<hbm>>, %arg4: memref<20224x128xf32, #tpu.memory_space<hbm>>, %arg5: memref<2x128xi32, #tpu.memory_space<vmem>>, %arg6: memref<2x128xi32, #tpu.memory_space<vmem>>, %arg7: memref<2x128xi32, #tpu.memory_space<vmem>>, %arg8: memref<128x128xf32, #tpu.memory_space<vmem>>, %arg9: memref<128x128xf32, #tpu.memory_space<vmem>>, %arg10: memref<128x128xf32, #tpu.memory_space<vmem>>, %arg11: memref<10112x128xf32, #tpu.memory_space<vmem_shared>>, %arg12: memref<!tpu.dma_semaphore, #tpu.memory_space<semaphore_mem>>, %arg13: memref<!tpu.dma_semaphore, #tpu.memory_space<semaphore_mem>>, %arg14: memref<!tpu.dma_semaphore, #tpu.memory_space<semaphore_mem>>, %arg15: memref<!tpu.dma_semaphore, #tpu.memory_space<semaphore_mem>>, %arg16: memref<!tpu.dma_semaphore, #tpu.memory_space<semaphore_mem>>, %arg17: memref<!tpu.dma_semaphore, #tpu.memory_space<semaphore_mem>>) attributes {dimension_semantics = [#tpu.dimension_semantics<core_parallel>, #tpu.dimension_semantics<subcore_parallel>], iteration_bounds = array<i64: 2, 16>, scalar_prefetch = 0 : i64, scratch_operands = 13 : i64, tpu.core_type = #tpu.core_type<sc_vector_subcore>, window_params = [{transform_indices = #map}, {transform_indices = #map1}, {transform_indices = #map}]} {
    %broadcast_in_dim3A = arith.constant 0.000000e+00 : f32
    %broadcast_in_dim3A_0 = vector.broadcast %broadcast_in_dim3A : f32 to vector<16xf32>
    %scan3A = arith.constant 0 : i32
    %scan3A_1 = arith.constant 0 : i32
    %scan3A_2 = arith.constant 128 : i32
    %scan3A_3 = arith.addi %scan3A_1, %scan3A_2 : i32
    %scan3A_4 = arith.constant 1 : i32
    scf.for %scan3A_69 = %scan3A_1 to %scan3A_3 step %scan3A_4  : i32 {
      %swap3A = arith.index_cast %scan3A_69 : i32 to index
      %swap3A_70 = arith.constant 0 : index
      %swap3A_71 = tpu.vector_load %arg8[%swap3A, %swap3A_70] {strides = array<i32>} : memref<128x128xf32, #tpu.memory_space<vmem>>, vector<1x16xf32>,
      %swap3A_72 = vector.shape_cast %swap3A_71 : vector<1x16xf32> to vector<16xf32>
      %swap3A_73 = vector.shape_cast %broadcast_in_dim3A_0 : vector<16xf32> to vector<1x16xf32>
      tpu.vector_store %arg8[%swap3A, %swap3A_70], %swap3A_73 {strides = array<i32>} : memref<128x128xf32, #tpu.memory_space<vmem>>, vector<1x16xf32>,
      %swap3A_74 = arith.index_cast %scan3A_69 : i32 to index
      %swap3A_75 = arith.constant 16 : index
      %swap3A_76 = tpu.vector_load %arg8[%swap3A_74, %swap3A_75] {strides = array<i32>} : memref<128x128xf32, #tpu.memory_space<vmem>>, vector<1x16xf32>,
      %swap3A_77 = vector.shape_cast %swap3A_76 : vector<1x16xf32> to vector<16xf32>
      %swap3A_78 = vector.shape_cast %broadcast_in_dim3A_0 : vector<16xf32> to vector<1x16xf32>
      tpu.vector_store %arg8[%swap3A_74, %swap3A_75], %swap3A_78 {strides = array<i32>} : memref<128x128xf32, #tpu.memory_space<vmem>>, vector<1x16xf32>,
      %swap3A_79 = arith.index_cast %scan3A_69 : i32 to index
      %swap3A_80 = arith.constant 32 : index
      %swap3A_81 = tpu.vector_load %arg8[%swap3A_79, %swap3A_80] {strides = array<i32>} : memref<128x128xf32, #tpu.memory_space<vmem>>, vector<1x16xf32>,
      %swap3A_82 = vector.shape_cast %swap3A_81 : vector<1x16xf32> to vector<16xf32>
      %swap3A_83 = vector.shape_cast %broadcast_in_dim3A_0 : vector<16xf32> to vector<1x16xf32>
      tpu.vector_store %arg8[%swap3A_79, %swap3A_80], %swap3A_83 {strides = array<i32>} : memref<128x128xf32, #tpu.memory_space<vmem>>, vector<1x16xf32>,
      %swap3A_84 = arith.index_cast %scan3A_69 : i32 to index
      %swap3A_85 = arith.constant 48 : index
      %swap3A_86 = tpu.vector_load %arg8[%swap3A_84, %swap3A_85] {strides = array<i32>} : memref<128x128xf32, #tpu.memory_space<vmem>>, vector<1x16xf32>,
      %swap3A_87 = vector.shape_cast %swap3A_86 : vector<1x16xf32> to vector<16xf32>
      %swap3A_88 = vector.shape_cast %broadcast_in_dim3A_0 : vector<16xf32> to vector<1x16xf32>
      tpu.vector_store %arg8[%swap3A_84, %swap3A_85], %swap3A_88 {strides = array<i32>} : memref<128x128xf32, #tpu.memory_space<vmem>>, vector<1x16xf32>,
      %swap3A_89 = arith.index_cast %scan3A_69 : i32 to index
      %swap3A_90 = arith.constant 64 : index
      %swap3A_91 = tpu.vector_load %arg8[%swap3A_89, %swap3A_90] {strides = array<i32>} : memref<128x128xf32, #tpu.memory_space<vmem>>, vector<1x16xf32>,
      %swap3A_92 = vector.shape_cast %swap3A_91 : vector<1x16xf32> to vector<16xf32>
      %swap3A_93 = vector.shape_cast %broadcast_in_dim3A_0 : vector<16xf32> to vector<1x16xf32>
      tpu.vector_store %arg8[%swap3A_89, %swap3A_90], %swap3A_93 {strides = array<i32>} : memref<128x128xf32, #tpu.memory_space<vmem>>, vector<1x16xf32>,
      %swap3A_94 = arith.index_cast %scan3A_69 : i32 to index
      %swap3A_95 = arith.constant 80 : index
      %swap3A_96 = tpu.vector_load %arg8[%swap3A_94, %swap3A_95] {strides = array<i32>} : memref<128x128xf32, #tpu.memory_space<vmem>>, vector<1x16xf32>,
      %swap3A_97 = vector.shape_cast %swap3A_96 : vector<1x16xf32> to vector<16xf32>
      %swap3A_98 = vector.shape_cast %broadcast_in_dim3A_0 : vector<16xf32> to vector<1x16xf32>
      tpu.vector_store %arg8[%swap3A_94, %swap3A_95], %swap3A_98 {strides = array<i32>} : memref<128x128xf32, #tpu.memory_space<vmem>>, vector<1x16xf32>,
      %swap3A_99 = arith.index_cast %scan3A_69 : i32 to index
      %swap3A_100 = arith.constant 96 : index
      %swap3A_101 = tpu.vector_load %arg8[%swap3A_99, %swap3A_100] {strides = array<i32>} : memref<128x128xf32, #tpu.memory_space<vmem>>, vector<1x16xf32>,
      %swap3A_102 = vector.shape_cast %swap3A_101 : vector<1x16xf32> to vector<16xf32>
      %swap3A_103 = vector.shape_cast %broadcast_in_dim3A_0 : vector<16xf32> to vector<1x16xf32>
      tpu.vector_store %arg8[%swap3A_99, %swap3A_100], %swap3A_103 {strides = array<i32>} : memref<128x128xf32, #tpu.memory_space<vmem>>, vector<1x16xf32>,
      %swap3A_104 = arith.index_cast %scan3A_69 : i32 to index
      %swap3A_105 = arith.constant 112 : index
      %swap3A_106 = tpu.vector_load %arg8[%swap3A_104, %swap3A_105] {strides = array<i32>} : memref<128x128xf32, #tpu.memory_space<vmem>>, vector<1x16xf32>,
      %swap3A_107 = vector.shape_cast %swap3A_106 : vector<1x16xf32> to vector<16xf32>
      %swap3A_108 = vector.shape_cast %broadcast_in_dim3A_0 : vector<16xf32> to vector<1x16xf32>
      tpu.vector_store %arg8[%swap3A_104, %swap3A_105], %swap3A_108 {strides = array<i32>} : memref<128x128xf32, #tpu.memory_space<vmem>>, vector<1x16xf32>,
    }
    %scan3A_5 = arith.constant 128 : i32
    %mul3A = arith.constant 632 : i32
    %mul3A_6 = arith.muli %arg1, %mul3A : i32
    %add3A = arith.constant 0 : i32
    %add3A_7 = arith.addi %mul3A_6, %add3A : i32
    "tpu.region"() ({
      %run_scoped3A = tpu.sem_alloc : memref<!tpu.dma_semaphore, #tpu.memory_space<semaphore_mem>>
      %dma_start3A_69 = arith.constant 0 : i32
      %dma_start3A_70 = arith.constant 0 : i32
      %dma_start3A_71 = tpu.memref_slice %arg8[%dma_start3A_69, %dma_start3A_70] : memref<128x128xf32, #tpu.memory_space<vmem>> -> memref<128x128xf32, #tpu.memory_space<vmem>>
      %dma_start3A_72 = arith.constant 0 : i32
      %dma_start3A_73 = tpu.memref_slice %arg11[%add3A_7, %dma_start3A_72] : memref<10112x128xf32, #tpu.memory_space<vmem_shared>> -> memref<128x128xf32, #tpu.memory_space<vmem_shared>>
      %dma_start3A_74 = arith.constant 0 : i32
      %dma_start3A_75 = tpu.memref_slice %arg11[%add3A_7, %dma_start3A_74] : memref<10112x128xf32, #tpu.memory_space<vmem_shared>> -> memref<128x128xf32, #tpu.memory_space<vmem_shared>>
      %dma_start3A_76 = arith.constant 0 : i32
      %dma_start3A_77 = arith.constant 0 : i32
      %dma_start3A_78 = tpu.memref_slice %arg8[%dma_start3A_76, %dma_start3A_77] : memref<128x128xf32, #tpu.memory_space<vmem>> -> memref<128x128xf32, #tpu.memory_space<vmem>>
      tpu.enqueue_dma source(%dma_start3A_78 : memref<128x128xf32, #tpu.memory_space<vmem>>) target(%dma_start3A_75 : memref<128x128xf32, #tpu.memory_space<vmem_shared>>) target_semaphore(%run_scoped3A : memref<!tpu.dma_semaphore, #tpu.memory_space<semaphore_mem>>)
      %dma_wait3A = arith.constant 0 : i32
      %dma_wait3A_79 = arith.constant 0 : i32
      %dma_wait3A_80 = tpu.memref_slice %arg8[%dma_wait3A, %dma_wait3A_79] : memref<128x128xf32, #tpu.memory_space<vmem>> -> memref<128x128xf32, #tpu.memory_space<vmem>>
      %dma_wait3A_81 = arith.constant 0 : i32
      %dma_wait3A_82 = tpu.memref_slice %arg11[%add3A_7, %dma_wait3A_81] : memref<10112x128xf32, #tpu.memory_space<vmem_shared>> -> memref<128x128xf32, #tpu.memory_space<vmem_shared>>
      %dma_wait3A_83 = arith.constant 0 : i32
      %dma_wait3A_84 = tpu.memref_slice %arg11[%add3A_7, %dma_wait3A_83] : memref<10112x128xf32, #tpu.memory_space<vmem_shared>> -> memref<128x128xf32, #tpu.memory_space<vmem_shared>>
      %dma_wait3A_85 = arith.constant 0 : i32
      %dma_wait3A_86 = arith.constant 0 : i32
      %dma_wait3A_87 = tpu.memref_slice %arg8[%dma_wait3A_85, %dma_wait3A_86] : memref<128x128xf32, #tpu.memory_space<vmem>> -> memref<128x128xf32, #tpu.memory_space<vmem>>
      tpu.wait_dma2 semaphore(%run_scoped3A : memref<!tpu.dma_semaphore, #tpu.memory_space<semaphore_mem>>) src(%dma_wait3A_87 : memref<128x128xf32, #tpu.memory_space<vmem>>) dst(%dma_wait3A_84 : memref<128x128xf32, #tpu.memory_space<vmem_shared>>)
      tpu.yield
    }) : () -> ()
    %mul3A_8 = arith.constant 632 : i32
    %mul3A_9 = arith.muli %arg1, %mul3A_8 : i32
    %add3A_10 = arith.constant 128 : i32
    %add3A_11 = arith.addi %mul3A_9, %add3A_10 : i32
    "tpu.region"() ({
      %run_scoped3A = tpu.sem_alloc : memref<!tpu.dma_semaphore, #tpu.memory_space<semaphore_mem>>
      %dma_start3A_69 = arith.constant 0 : i32
      %dma_start3A_70 = arith.constant 0 : i32
      %dma_start3A_71 = tpu.memref_slice %arg8[%dma_start3A_69, %dma_start3A_70] : memref<128x128xf32, #tpu.memory_space<vmem>> -> memref<128x128xf32, #tpu.memory_space<vmem>>
      %dma_start3A_72 = arith.constant 0 : i32
      %dma_start3A_73 = tpu.memref_slice %arg11[%add3A_11, %dma_start3A_72] : memref<10112x128xf32, #tpu.memory_space<vmem_shared>> -> memref<128x128xf32, #tpu.memory_space<vmem_shared>>
      %dma_start3A_74 = arith.constant 0 : i32
      %dma_start3A_75 = tpu.memref_slice %arg11[%add3A_11, %dma_start3A_74] : memref<10112x128xf32, #tpu.memory_space<vmem_shared>> -> memref<128x128xf32, #tpu.memory_space<vmem_shared>>
      %dma_start3A_76 = arith.constant 0 : i32
      %dma_start3A_77 = arith.constant 0 : i32
      %dma_start3A_78 = tpu.memref_slice %arg8[%dma_start3A_76, %dma_start3A_77] : memref<128x128xf32, #tpu.memory_space<vmem>> -> memref<128x128xf32, #tpu.memory_space<vmem>>
      tpu.enqueue_dma source(%dma_start3A_78 : memref<128x128xf32, #tpu.memory_space<vmem>>) target(%dma_start3A_75 : memref<128x128xf32, #tpu.memory_space<vmem_shared>>) target_semaphore(%run_scoped3A : memref<!tpu.dma_semaphore, #tpu.memory_space<semaphore_mem>>)
      %dma_wait3A = arith.constant 0 : i32
      %dma_wait3A_79 = arith.constant 0 : i32
      %dma_wait3A_80 = tpu.memref_slice %arg8[%dma_wait3A, %dma_wait3A_79] : memref<128x128xf32, #tpu.memory_space<vmem>> -> memref<128x128xf32, #tpu.memory_space<vmem>>
      %dma_wait3A_81 = arith.constant 0 : i32
      %dma_wait3A_82 = tpu.memref_slice %arg11[%add3A_11, %dma_wait3A_81] : memref<10112x128xf32, #tpu.memory_space<vmem_shared>> -> memref<128x128xf32, #tpu.memory_space<vmem_shared>>
      %dma_wait3A_83 = arith.constant 0 : i32
      %dma_wait3A_84 = tpu.memref_slice %arg11[%add3A_11, %dma_wait3A_83] : memref<10112x128xf32, #tpu.memory_space<vmem_shared>> -> memref<128x128xf32, #tpu.memory_space<vmem_shared>>
      %dma_wait3A_85 = arith.constant 0 : i32
      %dma_wait3A_86 = arith.constant 0 : i32
      %dma_wait3A_87 = tpu.memref_slice %arg8[%dma_wait3A_85, %dma_wait3A_86] : memref<128x128xf32, #tpu.memory_space<vmem>> -> memref<128x128xf32, #tpu.memory_space<vmem>>
      tpu.wait_dma2 semaphore(%run_scoped3A : memref<!tpu.dma_semaphore, #tpu.memory_space<semaphore_mem>>) src(%dma_wait3A_87 : memref<128x128xf32, #tpu.memory_space<vmem>>) dst(%dma_wait3A_84 : memref<128x128xf32, #tpu.memory_space<vmem_shared>>)
      tpu.yield
    }) : () -> ()
    %mul3A_12 = arith.constant 632 : i32
    %mul3A_13 = arith.muli %arg1, %mul3A_12 : i32
    %add3A_14 = arith.constant 256 : i32
    %add3A_15 = arith.addi %mul3A_13, %add3A_14 : i32
    "tpu.region"() ({
      %run_scoped3A = tpu.sem_alloc : memref<!tpu.dma_semaphore, #tpu.memory_space<semaphore_mem>>
      %dma_start3A_69 = arith.constant 0 : i32
      %dma_start3A_70 = arith.constant 0 : i32
      %dma_start3A_71 = tpu.memref_slice %arg8[%dma_start3A_69, %dma_start3A_70] : memref<128x128xf32, #tpu.memory_space<vmem>> -> memref<128x128xf32, #tpu.memory_space<vmem>>
      %dma_start3A_72 = arith.constant 0 : i32
      %dma_start3A_73 = tpu.memref_slice %arg11[%add3A_15, %dma_start3A_72] : memref<10112x128xf32, #tpu.memory_space<vmem_shared>> -> memref<128x128xf32, #tpu.memory_space<vmem_shared>>
      %dma_start3A_74 = arith.constant 0 : i32
      %dma_start3A_75 = tpu.memref_slice %arg11[%add3A_15, %dma_start3A_74] : memref<10112x128xf32, #tpu.memory_space<vmem_shared>> -> memref<128x128xf32, #tpu.memory_space<vmem_shared>>
      %dma_start3A_76 = arith.constant 0 : i32
      %dma_start3A_77 = arith.constant 0 : i32
      %dma_start3A_78 = tpu.memref_slice %arg8[%dma_start3A_76, %dma_start3A_77] : memref<128x128xf32, #tpu.memory_space<vmem>> -> memref<128x128xf32, #tpu.memory_space<vmem>>
      tpu.enqueue_dma source(%dma_start3A_78 : memref<128x128xf32, #tpu.memory_space<vmem>>) target(%dma_start3A_75 : memref<128x128xf32, #tpu.memory_space<vmem_shared>>) target_semaphore(%run_scoped3A : memref<!tpu.dma_semaphore, #tpu.memory_space<semaphore_mem>>)
      %dma_wait3A = arith.constant 0 : i32
      %dma_wait3A_79 = arith.constant 0 : i32
      %dma_wait3A_80 = tpu.memref_slice %arg8[%dma_wait3A, %dma_wait3A_79] : memref<128x128xf32, #tpu.memory_space<vmem>> -> memref<128x128xf32, #tpu.memory_space<vmem>>
      %dma_wait3A_81 = arith.constant 0 : i32
      %dma_wait3A_82 = tpu.memref_slice %arg11[%add3A_15, %dma_wait3A_81] : memref<10112x128xf32, #tpu.memory_space<vmem_shared>> -> memref<128x128xf32, #tpu.memory_space<vmem_shared>>
      %dma_wait3A_83 = arith.constant 0 : i32
      %dma_wait3A_84 = tpu.memref_slice %arg11[%add3A_15, %dma_wait3A_83] : memref<10112x128xf32, #tpu.memory_space<vmem_shared>> -> memref<128x128xf32, #tpu.memory_space<vmem_shared>>
      %dma_wait3A_85 = arith.constant 0 : i32
      %dma_wait3A_86 = arith.constant 0 : i32
      %dma_wait3A_87 = tpu.memref_slice %arg8[%dma_wait3A_85, %dma_wait3A_86] : memref<128x128xf32, #tpu.memory_space<vmem>> -> memref<128x128xf32, #tpu.memory_space<vmem>>
      tpu.wait_dma2 semaphore(%run_scoped3A : memref<!tpu.dma_semaphore, #tpu.memory_space<semaphore_mem>>) src(%dma_wait3A_87 : memref<128x128xf32, #tpu.memory_space<vmem>>) dst(%dma_wait3A_84 : memref<128x128xf32, #tpu.memory_space<vmem_shared>>)
      tpu.yield
    }) : () -> ()
    %mul3A_16 = arith.constant 632 : i32
    %mul3A_17 = arith.muli %arg1, %mul3A_16 : i32
    %add3A_18 = arith.constant 384 : i32
    %add3A_19 = arith.addi %mul3A_17, %add3A_18 : i32
    "tpu.region"() ({
      %run_scoped3A = tpu.sem_alloc : memref<!tpu.dma_semaphore, #tpu.memory_space<semaphore_mem>>
      %dma_start3A_69 = arith.constant 0 : i32
      %dma_start3A_70 = arith.constant 0 : i32
      %dma_start3A_71 = tpu.memref_slice %arg8[%dma_start3A_69, %dma_start3A_70] : memref<128x128xf32, #tpu.memory_space<vmem>> -> memref<128x128xf32, #tpu.memory_space<vmem>>
      %dma_start3A_72 = arith.constant 0 : i32
      %dma_start3A_73 = tpu.memref_slice %arg11[%add3A_19, %dma_start3A_72] : memref<10112x128xf32, #tpu.memory_space<vmem_shared>> -> memref<128x128xf32, #tpu.memory_space<vmem_shared>>
      %dma_start3A_74 = arith.constant 0 : i32
      %dma_start3A_75 = tpu.memref_slice %arg11[%add3A_19, %dma_start3A_74] : memref<10112x128xf32, #tpu.memory_space<vmem_shared>> -> memref<128x128xf32, #tpu.memory_space<vmem_shared>>
      %dma_start3A_76 = arith.constant 0 : i32
      %dma_start3A_77 = arith.constant 0 : i32
      %dma_start3A_78 = tpu.memref_slice %arg8[%dma_start3A_76, %dma_start3A_77] : memref<128x128xf32, #tpu.memory_space<vmem>> -> memref<128x128xf32, #tpu.memory_space<vmem>>
      tpu.enqueue_dma source(%dma_start3A_78 : memref<128x128xf32, #tpu.memory_space<vmem>>) target(%dma_start3A_75 : memref<128x128xf32, #tpu.memory_space<vmem_shared>>) target_semaphore(%run_scoped3A : memref<!tpu.dma_semaphore, #tpu.memory_space<semaphore_mem>>)
      %dma_wait3A = arith.constant 0 : i32
      %dma_wait3A_79 = arith.constant 0 : i32
      %dma_wait3A_80 = tpu.memref_slice %arg8[%dma_wait3A, %dma_wait3A_79] : memref<128x128xf32, #tpu.memory_space<vmem>> -> memref<128x128xf32, #tpu.memory_space<vmem>>
      %dma_wait3A_81 = arith.constant 0 : i32
      %dma_wait3A_82 = tpu.memref_slice %arg11[%add3A_19, %dma_wait3A_81] : memref<10112x128xf32, #tpu.memory_space<vmem_shared>> -> memref<128x128xf32, #tpu.memory_space<vmem_shared>>
      %dma_wait3A_83 = arith.constant 0 : i32
      %dma_wait3A_84 = tpu.memref_slice %arg11[%add3A_19, %dma_wait3A_83] : memref<10112x128xf32, #tpu.memory_space<vmem_shared>> -> memref<128x128xf32, #tpu.memory_space<vmem_shared>>
      %dma_wait3A_85 = arith.constant 0 : i32
      %dma_wait3A_86 = arith.constant 0 : i32
      %dma_wait3A_87 = tpu.memref_slice %arg8[%dma_wait3A_85, %dma_wait3A_86] : memref<128x128xf32, #tpu.memory_space<vmem>> -> memref<128x128xf32, #tpu.memory_space<vmem>>
      tpu.wait_dma2 semaphore(%run_scoped3A : memref<!tpu.dma_semaphore, #tpu.memory_space<semaphore_mem>>) src(%dma_wait3A_87 : memref<128x128xf32, #tpu.memory_space<vmem>>) dst(%dma_wait3A_84 : memref<128x128xf32, #tpu.memory_space<vmem_shared>>)
      tpu.yield
    }) : () -> ()
    %mul3A_20 = arith.constant 632 : i32
    %mul3A_21 = arith.muli %arg1, %mul3A_20 : i32
    %add3A_22 = arith.constant 512 : i32
    %add3A_23 = arith.addi %mul3A_21, %add3A_22 : i32
    "tpu.region"() ({
      %run_scoped3A = tpu.sem_alloc : memref<!tpu.dma_semaphore, #tpu.memory_space<semaphore_mem>>
      %dma_start3A_69 = arith.constant 0 : i32
      %dma_start3A_70 = arith.constant 0 : i32
      %dma_start3A_71 = tpu.memref_slice %arg8[%dma_start3A_69, %dma_start3A_70] : memref<128x128xf32, #tpu.memory_space<vmem>> -> memref<120x128xf32, #tpu.memory_space<vmem>>
      %dma_start3A_72 = arith.constant 0 : i32
      %dma_start3A_73 = tpu.memref_slice %arg11[%add3A_23, %dma_start3A_72] : memref<10112x128xf32, #tpu.memory_space<vmem_shared>> -> memref<120x128xf32, #tpu.memory_space<vmem_shared>>
      %dma_start3A_74 = arith.constant 0 : i32
      %dma_start3A_75 = tpu.memref_slice %arg11[%add3A_23, %dma_start3A_74] : memref<10112x128xf32, #tpu.memory_space<vmem_shared>> -> memref<120x128xf32, #tpu.memory_space<vmem_shared>>
      %dma_start3A_76 = arith.constant 0 : i32
      %dma_start3A_77 = arith.constant 0 : i32
      %dma_start3A_78 = tpu.memref_slice %arg8[%dma_start3A_76, %dma_start3A_77] : memref<128x128xf32, #tpu.memory_space<vmem>> -> memref<120x128xf32, #tpu.memory_space<vmem>>
      tpu.enqueue_dma source(%dma_start3A_78 : memref<120x128xf32, #tpu.memory_space<vmem>>) target(%dma_start3A_75 : memref<120x128xf32, #tpu.memory_space<vmem_shared>>) target_semaphore(%run_scoped3A : memref<!tpu.dma_semaphore, #tpu.memory_space<semaphore_mem>>)
      %dma_wait3A = arith.constant 0 : i32
      %dma_wait3A_79 = arith.constant 0 : i32
      %dma_wait3A_80 = tpu.memref_slice %arg8[%dma_wait3A, %dma_wait3A_79] : memref<128x128xf32, #tpu.memory_space<vmem>> -> memref<120x128xf32, #tpu.memory_space<vmem>>
      %dma_wait3A_81 = arith.constant 0 : i32
      %dma_wait3A_82 = tpu.memref_slice %arg11[%add3A_23, %dma_wait3A_81] : memref<10112x128xf32, #tpu.memory_space<vmem_shared>> -> memref<120x128xf32, #tpu.memory_space<vmem_shared>>
      %dma_wait3A_83 = arith.constant 0 : i32
      %dma_wait3A_84 = tpu.memref_slice %arg11[%add3A_23, %dma_wait3A_83] : memref<10112x128xf32, #tpu.memory_space<vmem_shared>> -> memref<120x128xf32, #tpu.memory_space<vmem_shared>>
      %dma_wait3A_85 = arith.constant 0 : i32
      %dma_wait3A_86 = arith.constant 0 : i32
      %dma_wait3A_87 = tpu.memref_slice %arg8[%dma_wait3A_85, %dma_wait3A_86] : memref<128x128xf32, #tpu.memory_space<vmem>> -> memref<120x128xf32, #tpu.memory_space<vmem>>
      tpu.wait_dma2 semaphore(%run_scoped3A : memref<!tpu.dma_semaphore, #tpu.memory_space<semaphore_mem>>) src(%dma_wait3A_87 : memref<120x128xf32, #tpu.memory_space<vmem>>) dst(%dma_wait3A_84 : memref<120x128xf32, #tpu.memory_space<vmem_shared>>)
      tpu.yield
    }) : () -> ()
    %barrier3A = arith.constant 0 : index
    tpu.barrier barrier_id(%barrier3A)
    %mul3A_24 = arith.constant 16 : i32
    %mul3A_25 = arith.muli %arg0, %mul3A_24 : i32
    %add3A_26 = arith.addi %mul3A_25, %arg1 : i32
    %mul3A_27 = arith.constant 81 : i32
    %mul3A_28 = arith.muli %add3A_26, %mul3A_27 : i32
    %add3A_29 = arith.constant 0 : i32
    %add3A_30 = arith.addi %mul3A_28, %add3A_29 : i32
    "tpu.region"() ({
      %run_scoped3A = tpu.sem_alloc : memref<!tpu.dma_semaphore, #tpu.memory_space<semaphore_mem>>
      %dma_start3A_69 = arith.constant 0 : i32
      %dma_start3A_70 = arith.constant 0 : i32
      %dma_start3A_71 = tpu.memref_slice %arg3[%add3A_30, %dma_start3A_69, %dma_start3A_70] : memref<2592x2x128xi32, #tpu.memory_space<hbm>> -> memref<1x2x128xi32, #tpu.memory_space<hbm>>
      %dma_start3A_72 = tpu.memref_squeeze %dma_start3A_71 : memref<1x2x128xi32, #tpu.memory_space<hbm>> -> memref<2x128xi32, #tpu.memory_space<hbm>>
      %dma_start3A_73 = arith.constant 0 : i32
      %dma_start3A_74 = arith.constant 0 : i32
      %dma_start3A_75 = tpu.memref_slice %arg3[%add3A_30, %dma_start3A_73, %dma_start3A_74] : memref<2592x2x128xi32, #tpu.memory_space<hbm>> -> memref<1x2x128xi32, #tpu.memory_space<hbm>>
      %dma_start3A_76 = tpu.memref_squeeze %dma_start3A_75 : memref<1x2x128xi32, #tpu.memory_space<hbm>> -> memref<2x128xi32, #tpu.memory_space<hbm>>
      tpu.enqueue_dma source(%dma_start3A_76 : memref<2x128xi32, #tpu.memory_space<hbm>>) target(%arg5 : memref<2x128xi32, #tpu.memory_space<vmem>>) target_semaphore(%run_scoped3A : memref<!tpu.dma_semaphore, #tpu.memory_space<semaphore_mem>>)
      %dma_wait3A = arith.constant 0 : i32
      %dma_wait3A_77 = arith.constant 0 : i32
      %dma_wait3A_78 = tpu.memref_slice %arg3[%add3A_30, %dma_wait3A, %dma_wait3A_77] : memref<2592x2x128xi32, #tpu.memory_space<hbm>> -> memref<1x2x128xi32, #tpu.memory_space<hbm>>
      %dma_wait3A_79 = tpu.memref_squeeze %dma_wait3A_78 : memref<1x2x128xi32, #tpu.memory_space<hbm>> -> memref<2x128xi32, #tpu.memory_space<hbm>>
      %dma_wait3A_80 = arith.constant 0 : i32
      %dma_wait3A_81 = arith.constant 0 : i32
      %dma_wait3A_82 = tpu.memref_slice %arg3[%add3A_30, %dma_wait3A_80, %dma_wait3A_81] : memref<2592x2x128xi32, #tpu.memory_space<hbm>> -> memref<1x2x128xi32, #tpu.memory_space<hbm>>
      %dma_wait3A_83 = tpu.memref_squeeze %dma_wait3A_82 : memref<1x2x128xi32, #tpu.memory_space<hbm>> -> memref<2x128xi32, #tpu.memory_space<hbm>>
      tpu.wait_dma2 semaphore(%run_scoped3A : memref<!tpu.dma_semaphore, #tpu.memory_space<semaphore_mem>>) src(%dma_wait3A_83 : memref<2x128xi32, #tpu.memory_space<hbm>>) dst(%arg5 : memref<2x128xi32, #tpu.memory_space<vmem>>)
      tpu.yield
    }) : () -> ()
    %dma_start3A = arith.constant 0 : i32
    %dma_start3A_31 = arith.constant 0 : i32
    %dma_start3A_32 = tpu.memref_slice %arg5[%dma_start3A, %dma_start3A_31] : memref<2x128xi32, #tpu.memory_space<vmem>> -> memref<1x128xi32, #tpu.memory_space<vmem>>
    %dma_start3A_33 = tpu.memref_squeeze %dma_start3A_32 : memref<1x128xi32, #tpu.memory_space<vmem>> -> memref<128xi32, #tpu.memory_space<vmem>>
    %dma_start3A_34 = arith.constant 0 : i32
    %dma_start3A_35 = arith.constant 0 : i32
    %dma_start3A_36 = tpu.memref_slice %arg2[%dma_start3A_34, %dma_start3A_35] : memref<10112x128xf32, #tpu.memory_space<hbm>> -> memref<10112x128xf32, #tpu.memory_space<hbm>>
    tpu.enqueue_indirect_dma source(%dma_start3A_36 : memref<10112x128xf32, #tpu.memory_space<hbm>>) target(%arg8 : memref<128x128xf32, #tpu.memory_space<vmem>>) offsets(%dma_start3A_33 : memref<128xi32, #tpu.memory_space<vmem>>) semaphore(%arg12 : memref<!tpu.dma_semaphore, #tpu.memory_space<semaphore_mem>>)
    %add3A_37 = arith.constant 1 : i32
    %add3A_38 = arith.addi %mul3A_28, %add3A_37 : i32
    "tpu.region"() ({
      %run_scoped3A = tpu.sem_alloc : memref<!tpu.dma_semaphore, #tpu.memory_space<semaphore_mem>>
      %dma_start3A_69 = arith.constant 0 : i32
      %dma_start3A_70 = arith.constant 0 : i32
      %dma_start3A_71 = tpu.memref_slice %arg3[%add3A_38, %dma_start3A_69, %dma_start3A_70] : memref<2592x2x128xi32, #tpu.memory_space<hbm>> -> memref<1x2x128xi32, #tpu.memory_space<hbm>>
      %dma_start3A_72 = tpu.memref_squeeze %dma_start3A_71 : memref<1x2x128xi32, #tpu.memory_space<hbm>> -> memref<2x128xi32, #tpu.memory_space<hbm>>
      %dma_start3A_73 = arith.constant 0 : i32
      %dma_start3A_74 = arith.constant 0 : i32
      %dma_start3A_75 = tpu.memref_slice %arg3[%add3A_38, %dma_start3A_73, %dma_start3A_74] : memref<2592x2x128xi32, #tpu.memory_space<hbm>> -> memref<1x2x128xi32, #tpu.memory_space<hbm>>
      %dma_start3A_76 = tpu.memref_squeeze %dma_start3A_75 : memref<1x2x128xi32, #tpu.memory_space<hbm>> -> memref<2x128xi32, #tpu.memory_space<hbm>>
      tpu.enqueue_dma source(%dma_start3A_76 : memref<2x128xi32, #tpu.memory_space<hbm>>) target(%arg6 : memref<2x128xi32, #tpu.memory_space<vmem>>) target_semaphore(%run_scoped3A : memref<!tpu.dma_semaphore, #tpu.memory_space<semaphore_mem>>)
      %dma_wait3A = arith.constant 0 : i32
      %dma_wait3A_77 = arith.constant 0 : i32
      %dma_wait3A_78 = tpu.memref_slice %arg3[%add3A_38, %dma_wait3A, %dma_wait3A_77] : memref<2592x2x128xi32, #tpu.memory_space<hbm>> -> memref<1x2x128xi32, #tpu.memory_space<hbm>>
      %dma_wait3A_79 = tpu.memref_squeeze %dma_wait3A_78 : memref<1x2x128xi32, #tpu.memory_space<hbm>> -> memref<2x128xi32, #tpu.memory_space<hbm>>
      %dma_wait3A_80 = arith.constant 0 : i32
      %dma_wait3A_81 = arith.constant 0 : i32
      %dma_wait3A_82 = tpu.memref_slice %arg3[%add3A_38, %dma_wait3A_80, %dma_wait3A_81] : memref<2592x2x128xi32, #tpu.memory_space<hbm>> -> memref<1x2x128xi32, #tpu.memory_space<hbm>>
      %dma_wait3A_83 = tpu.memref_squeeze %dma_wait3A_82 : memref<1x2x128xi32, #tpu.memory_space<hbm>> -> memref<2x128xi32, #tpu.memory_space<hbm>>
      tpu.wait_dma2 semaphore(%run_scoped3A : memref<!tpu.dma_semaphore, #tpu.memory_space<semaphore_mem>>) src(%dma_wait3A_83 : memref<2x128xi32, #tpu.memory_space<hbm>>) dst(%arg6 : memref<2x128xi32, #tpu.memory_space<vmem>>)
      tpu.yield
    }) : () -> ()
    %dma_start3A_39 = arith.constant 0 : i32
    %dma_start3A_40 = arith.constant 0 : i32
    %dma_start3A_41 = tpu.memref_slice %arg6[%dma_start3A_39, %dma_start3A_40] : memref<2x128xi32, #tpu.memory_space<vmem>> -> memref<1x128xi32, #tpu.memory_space<vmem>>
    %dma_start3A_42 = tpu.memref_squeeze %dma_start3A_41 : memref<1x128xi32, #tpu.memory_space<vmem>> -> memref<128xi32, #tpu.memory_space<vmem>>
    %dma_start3A_43 = arith.constant 0 : i32
    %dma_start3A_44 = arith.constant 0 : i32
    %dma_start3A_45 = tpu.memref_slice %arg2[%dma_start3A_43, %dma_start3A_44] : memref<10112x128xf32, #tpu.memory_space<hbm>> -> memref<10112x128xf32, #tpu.memory_space<hbm>>
    tpu.enqueue_indirect_dma source(%dma_start3A_45 : memref<10112x128xf32, #tpu.memory_space<hbm>>) target(%arg9 : memref<128x128xf32, #tpu.memory_space<vmem>>) offsets(%dma_start3A_42 : memref<128xi32, #tpu.memory_space<vmem>>) semaphore(%arg13 : memref<!tpu.dma_semaphore, #tpu.memory_space<semaphore_mem>>)
    %add3A_46 = arith.constant 2 : i32
    %add3A_47 = arith.addi %mul3A_28, %add3A_46 : i32
    "tpu.region"() ({
      %run_scoped3A = tpu.sem_alloc : memref<!tpu.dma_semaphore, #tpu.memory_space<semaphore_mem>>
      %dma_start3A_69 = arith.constant 0 : i32
      %dma_start3A_70 = arith.constant 0 : i32
      %dma_start3A_71 = tpu.memref_slice %arg3[%add3A_47, %dma_start3A_69, %dma_start3A_70] : memref<2592x2x128xi32, #tpu.memory_space<hbm>> -> memref<1x2x128xi32, #tpu.memory_space<hbm>>
      %dma_start3A_72 = tpu.memref_squeeze %dma_start3A_71 : memref<1x2x128xi32, #tpu.memory_space<hbm>> -> memref<2x128xi32, #tpu.memory_space<hbm>>
      %dma_start3A_73 = arith.constant 0 : i32
      %dma_start3A_74 = arith.constant 0 : i32
      %dma_start3A_75 = tpu.memref_slice %arg3[%add3A_47, %dma_start3A_73, %dma_start3A_74] : memref<2592x2x128xi32, #tpu.memory_space<hbm>> -> memref<1x2x128xi32, #tpu.memory_space<hbm>>
      %dma_start3A_76 = tpu.memref_squeeze %dma_start3A_75 : memref<1x2x128xi32, #tpu.memory_space<hbm>> -> memref<2x128xi32, #tpu.memory_space<hbm>>
      tpu.enqueue_dma source(%dma_start3A_76 : memref<2x128xi32, #tpu.memory_space<hbm>>) target(%arg7 : memref<2x128xi32, #tpu.memory_space<vmem>>) target_semaphore(%run_scoped3A : memref<!tpu.dma_semaphore, #tpu.memory_space<semaphore_mem>>)
      %dma_wait3A = arith.constant 0 : i32
      %dma_wait3A_77 = arith.constant 0 : i32
      %dma_wait3A_78 = tpu.memref_slice %arg3[%add3A_47, %dma_wait3A, %dma_wait3A_77] : memref<2592x2x128xi32, #tpu.memory_space<hbm>> -> memref<1x2x128xi32, #tpu.memory_space<hbm>>
      %dma_wait3A_79 = tpu.memref_squeeze %dma_wait3A_78 : memref<1x2x128xi32, #tpu.memory_space<hbm>> -> memref<2x128xi32, #tpu.memory_space<hbm>>
      %dma_wait3A_80 = arith.constant 0 : i32
      %dma_wait3A_81 = arith.constant 0 : i32
      %dma_wait3A_82 = tpu.memref_slice %arg3[%add3A_47, %dma_wait3A_80, %dma_wait3A_81] : memref<2592x2x128xi32, #tpu.memory_space<hbm>> -> memref<1x2x128xi32, #tpu.memory_space<hbm>>
      %dma_wait3A_83 = tpu.memref_squeeze %dma_wait3A_82 : memref<1x2x128xi32, #tpu.memory_space<hbm>> -> memref<2x128xi32, #tpu.memory_space<hbm>>
      tpu.wait_dma2 semaphore(%run_scoped3A : memref<!tpu.dma_semaphore, #tpu.memory_space<semaphore_mem>>) src(%dma_wait3A_83 : memref<2x128xi32, #tpu.memory_space<hbm>>) dst(%arg7 : memref<2x128xi32, #tpu.memory_space<vmem>>)
      tpu.yield
    }) : () -> ()
    %dma_start3A_48 = arith.constant 0 : i32
    %dma_start3A_49 = arith.constant 0 : i32
    %dma_start3A_50 = tpu.memref_slice %arg7[%dma_start3A_48, %dma_start3A_49] : memref<2x128xi32, #tpu.memory_space<vmem>> -> memref<1x128xi32, #tpu.memory_space<vmem>>
    %dma_start3A_51 = tpu.memref_squeeze %dma_start3A_50 : memref<1x128xi32, #tpu.memory_space<vmem>> -> memref<128xi32, #tpu.memory_space<vmem>>
    %dma_start3A_52 = arith.constant 0 : i32
    %dma_start3A_53 = arith.constant 0 : i32
    %dma_start3A_54 = tpu.memref_slice %arg2[%dma_start3A_52, %dma_start3A_53] : memref<10112x128xf32, #tpu.memory_space<hbm>> -> memref<10112x128xf32, #tpu.memory_space<hbm>>
    tpu.enqueue_indirect_dma source(%dma_start3A_54 : memref<10112x128xf32, #tpu.memory_space<hbm>>) target(%arg10 : memref<128x128xf32, #tpu.memory_space<vmem>>) offsets(%dma_start3A_51 : memref<128xi32, #tpu.memory_space<vmem>>) semaphore(%arg14 : memref<!tpu.dma_semaphore, #tpu.memory_space<semaphore_mem>>)
    %scan3A_55 = arith.constant 0 : i32
    %scan3A_56 = arith.constant 0 : i32
    %scan3A_57 = arith.constant 27 : i32
    %scan3A_58 = arith.addi %scan3A_56, %scan3A_57 : i32
    %scan3A_59 = arith.constant 1 : i32
    scf.for %scan3A_69 = %scan3A_56 to %scan3A_58 step %scan3A_59  : i32 {
      %mul3A_70 = arith.constant 3 : i32
      %mul3A_71 = arith.muli %mul3A_70, %scan3A_69 : i32
      %add3A_72 = arith.addi %mul3A_28, %mul3A_71 : i32
      %dma_wait3A = arith.constant 0 : i32
      %dma_wait3A_73 = arith.constant 0 : i32
      %dma_wait3A_74 = tpu.memref_slice %arg5[%dma_wait3A, %dma_wait3A_73] : memref<2x128xi32, #tpu.memory_space<vmem>> -> memref<1x128xi32, #tpu.memory_space<vmem>>
      %dma_wait3A_75 = tpu.memref_squeeze %dma_wait3A_74 : memref<1x128xi32, #tpu.memory_space<vmem>> -> memref<128xi32, #tpu.memory_space<vmem>>
      %dma_wait3A_76 = arith.constant 0 : i32
      %dma_wait3A_77 = arith.constant 0 : i32
      %dma_wait3A_78 = tpu.memref_slice %arg2[%dma_wait3A_76, %dma_wait3A_77] : memref<10112x128xf32, #tpu.memory_space<hbm>> -> memref<10112x128xf32, #tpu.memory_space<hbm>>
      tpu.wait_indirect_dma semaphore(%arg12 : memref<!tpu.dma_semaphore, #tpu.memory_space<semaphore_mem>>) src(%dma_wait3A_78 : memref<10112x128xf32, #tpu.memory_space<hbm>>) dst(%arg8 : memref<128x128xf32, #tpu.memory_space<vmem>>)
      %dma_start3A_79 = arith.constant 1 : i32
      %dma_start3A_80 = arith.constant 0 : i32
      %dma_start3A_81 = tpu.memref_slice %arg5[%dma_start3A_79, %dma_start3A_80] : memref<2x128xi32, #tpu.memory_space<vmem>> -> memref<1x128xi32, #tpu.memory_space<vmem>>
      %dma_start3A_82 = tpu.memref_squeeze %dma_start3A_81 : memref<1x128xi32, #tpu.memory_space<vmem>> -> memref<128xi32, #tpu.memory_space<vmem>>
      %dma_start3A_83 = arith.constant 0 : i32
      %dma_start3A_84 = arith.constant 0 : i32
      %dma_start3A_85 = tpu.memref_slice %arg11[%dma_start3A_83, %dma_start3A_84] : memref<10112x128xf32, #tpu.memory_space<vmem_shared>> -> memref<10112x128xf32, #tpu.memory_space<vmem_shared>>
      tpu.enqueue_indirect_dma source(%arg8 : memref<128x128xf32, #tpu.memory_space<vmem>>) target(%dma_start3A_85 : memref<10112x128xf32, #tpu.memory_space<vmem_shared>>) offsets(%dma_start3A_82 : memref<128xi32, #tpu.memory_space<vmem>>) semaphore(%arg15 : memref<!tpu.dma_semaphore, #tpu.memory_space<semaphore_mem>>) {add = true}
      %dma_wait3A_86 = arith.constant 0 : i32
      %dma_wait3A_87 = arith.constant 0 : i32
      %dma_wait3A_88 = tpu.memref_slice %arg6[%dma_wait3A_86, %dma_wait3A_87] : memref<2x128xi32, #tpu.memory_space<vmem>> -> memref<1x128xi32, #tpu.memory_space<vmem>>
      %dma_wait3A_89 = tpu.memref_squeeze %dma_wait3A_88 : memref<1x128xi32, #tpu.memory_space<vmem>> -> memref<128xi32, #tpu.memory_space<vmem>>
      %dma_wait3A_90 = arith.constant 0 : i32
      %dma_wait3A_91 = arith.constant 0 : i32
      %dma_wait3A_92 = tpu.memref_slice %arg2[%dma_wait3A_90, %dma_wait3A_91] : memref<10112x128xf32, #tpu.memory_space<hbm>> -> memref<10112x128xf32, #tpu.memory_space<hbm>>
      tpu.wait_indirect_dma semaphore(%arg13 : memref<!tpu.dma_semaphore, #tpu.memory_space<semaphore_mem>>) src(%dma_wait3A_92 : memref<10112x128xf32, #tpu.memory_space<hbm>>) dst(%arg9 : memref<128x128xf32, #tpu.memory_space<vmem>>)
      %dma_start3A_93 = arith.constant 1 : i32
      %dma_start3A_94 = arith.constant 0 : i32
      %dma_start3A_95 = tpu.memref_slice %arg6[%dma_start3A_93, %dma_start3A_94] : memref<2x128xi32, #tpu.memory_space<vmem>> -> memref<1x128xi32, #tpu.memory_space<vmem>>
      %dma_start3A_96 = tpu.memref_squeeze %dma_start3A_95 : memref<1x128xi32, #tpu.memory_space<vmem>> -> memref<128xi32, #tpu.memory_space<vmem>>
      %dma_start3A_97 = arith.constant 0 : i32
      %dma_start3A_98 = arith.constant 0 : i32
      %dma_start3A_99 = tpu.memref_slice %arg11[%dma_start3A_97, %dma_start3A_98] : memref<10112x128xf32, #tpu.memory_space<vmem_shared>> -> memref<10112x128xf32, #tpu.memory_space<vmem_shared>>
      tpu.enqueue_indirect_dma source(%arg9 : memref<128x128xf32, #tpu.memory_space<vmem>>) target(%dma_start3A_99 : memref<10112x128xf32, #tpu.memory_space<vmem_shared>>) offsets(%dma_start3A_96 : memref<128xi32, #tpu.memory_space<vmem>>) semaphore(%arg16 : memref<!tpu.dma_semaphore, #tpu.memory_space<semaphore_mem>>) {add = true}
      %dma_wait3A_100 = arith.constant 0 : i32
      %dma_wait3A_101 = arith.constant 0 : i32
      %dma_wait3A_102 = tpu.memref_slice %arg7[%dma_wait3A_100, %dma_wait3A_101] : memref<2x128xi32, #tpu.memory_space<vmem>> -> memref<1x128xi32, #tpu.memory_space<vmem>>
      %dma_wait3A_103 = tpu.memref_squeeze %dma_wait3A_102 : memref<1x128xi32, #tpu.memory_space<vmem>> -> memref<128xi32, #tpu.memory_space<vmem>>
      %dma_wait3A_104 = arith.constant 0 : i32
      %dma_wait3A_105 = arith.constant 0 : i32
      %dma_wait3A_106 = tpu.memref_slice %arg2[%dma_wait3A_104, %dma_wait3A_105] : memref<10112x128xf32, #tpu.memory_space<hbm>> -> memref<10112x128xf32, #tpu.memory_space<hbm>>
      tpu.wait_indirect_dma semaphore(%arg14 : memref<!tpu.dma_semaphore, #tpu.memory_space<semaphore_mem>>) src(%dma_wait3A_106 : memref<10112x128xf32, #tpu.memory_space<hbm>>) dst(%arg10 : memref<128x128xf32, #tpu.memory_space<vmem>>)
      %dma_start3A_107 = arith.constant 1 : i32
      %dma_start3A_108 = arith.constant 0 : i32
      %dma_start3A_109 = tpu.memref_slice %arg7[%dma_start3A_107, %dma_start3A_108] : memref<2x128xi32, #tpu.memory_space<vmem>> -> memref<1x128xi32, #tpu.memory_space<vmem>>
      %dma_start3A_110 = tpu.memref_squeeze %dma_start3A_109 : memref<1x128xi32, #tpu.memory_space<vmem>> -> memref<128xi32, #tpu.memory_space<vmem>>
      %dma_start3A_111 = arith.constant 0 : i32
      %dma_start3A_112 = arith.constant 0 : i32
      %dma_start3A_113 = tpu.memref_slice %arg11[%dma_start3A_111, %dma_start3A_112] : memref<10112x128xf32, #tpu.memory_space<vmem_shared>> -> memref<10112x128xf32, #tpu.memory_space<vmem_shared>>
      tpu.enqueue_indirect_dma source(%arg10 : memref<128x128xf32, #tpu.memory_space<vmem>>) target(%dma_start3A_113 : memref<10112x128xf32, #tpu.memory_space<vmem_shared>>) offsets(%dma_start3A_110 : memref<128xi32, #tpu.memory_space<vmem>>) semaphore(%arg17 : memref<!tpu.dma_semaphore, #tpu.memory_space<semaphore_mem>>) {add = true}
      %dma_wait3A_114 = arith.constant 1 : i32
      %dma_wait3A_115 = arith.constant 0 : i32
      %dma_wait3A_116 = tpu.memref_slice %arg5[%dma_wait3A_114, %dma_wait3A_115] : memref<2x128xi32, #tpu.memory_space<vmem>> -> memref<1x128xi32, #tpu.memory_space<vmem>>
      %dma_wait3A_117 = tpu.memref_squeeze %dma_wait3A_116 : memref<1x128xi32, #tpu.memory_space<vmem>> -> memref<128xi32, #tpu.memory_space<vmem>>
      %dma_wait3A_118 = arith.constant 0 : i32
      %dma_wait3A_119 = arith.constant 0 : i32
      %dma_wait3A_120 = tpu.memref_slice %arg11[%dma_wait3A_118, %dma_wait3A_119] : memref<10112x128xf32, #tpu.memory_space<vmem_shared>> -> memref<10112x128xf32, #tpu.memory_space<vmem_shared>>
      tpu.wait_indirect_dma semaphore(%arg15 : memref<!tpu.dma_semaphore, #tpu.memory_space<semaphore_mem>>) src(%arg8 : memref<128x128xf32, #tpu.memory_space<vmem>>) dst(%dma_wait3A_120 : memref<10112x128xf32, #tpu.memory_space<vmem_shared>>)
      %add3A_121 = arith.constant 1 : i32
      %add3A_122 = arith.addi %scan3A_69, %add3A_121 : i32
      %lt3A = arith.constant 27 : i32
      %lt3A_123 = arith.cmpi slt, %add3A_122, %lt3A : i32
      %convert_element_type3A = arith.extui %lt3A_123 : i1 to i32
      %cond3A = arith.constant 0 : i32
      %cond3A_124 = arith.cmpi ne, %convert_element_type3A, %cond3A : i32
      scf.if %cond3A_124 {
        %add3A_153 = arith.constant 0 : i32
        %add3A_154 = arith.addi %add3A_72, %add3A_153 : i32
        %add3A_155 = arith.constant 3 : i32
        %add3A_156 = arith.addi %add3A_154, %add3A_155 : i32
        "tpu.region"() ({
          %run_scoped3A = tpu.sem_alloc : memref<!tpu.dma_semaphore, #tpu.memory_space<semaphore_mem>>
          %dma_start3A_164 = arith.constant 0 : i32
          %dma_start3A_165 = arith.constant 0 : i32
          %dma_start3A_166 = tpu.memref_slice %arg3[%add3A_156, %dma_start3A_164, %dma_start3A_165] : memref<2592x2x128xi32, #tpu.memory_space<hbm>> -> memref<1x2x128xi32, #tpu.memory_space<hbm>>
          %dma_start3A_167 = tpu.memref_squeeze %dma_start3A_166 : memref<1x2x128xi32, #tpu.memory_space<hbm>> -> memref<2x128xi32, #tpu.memory_space<hbm>>
          %dma_start3A_168 = arith.constant 0 : i32
          %dma_start3A_169 = arith.constant 0 : i32
          %dma_start3A_170 = tpu.memref_slice %arg3[%add3A_156, %dma_start3A_168, %dma_start3A_169] : memref<2592x2x128xi32, #tpu.memory_space<hbm>> -> memref<1x2x128xi32, #tpu.memory_space<hbm>>
          %dma_start3A_171 = tpu.memref_squeeze %dma_start3A_170 : memref<1x2x128xi32, #tpu.memory_space<hbm>> -> memref<2x128xi32, #tpu.memory_space<hbm>>
          tpu.enqueue_dma source(%dma_start3A_171 : memref<2x128xi32, #tpu.memory_space<hbm>>) target(%arg5 : memref<2x128xi32, #tpu.memory_space<vmem>>) target_semaphore(%run_scoped3A : memref<!tpu.dma_semaphore, #tpu.memory_space<semaphore_mem>>)
          %dma_wait3A_172 = arith.constant 0 : i32
          %dma_wait3A_173 = arith.constant 0 : i32
          %dma_wait3A_174 = tpu.memref_slice %arg3[%add3A_156, %dma_wait3A_172, %dma_wait3A_173] : memref<2592x2x128xi32, #tpu.memory_space<hbm>> -> memref<1x2x128xi32, #tpu.memory_space<hbm>>
          %dma_wait3A_175 = tpu.memref_squeeze %dma_wait3A_174 : memref<1x2x128xi32, #tpu.memory_space<hbm>> -> memref<2x128xi32, #tpu.memory_space<hbm>>
          %dma_wait3A_176 = arith.constant 0 : i32
          %dma_wait3A_177 = arith.constant 0 : i32
          %dma_wait3A_178 = tpu.memref_slice %arg3[%add3A_156, %dma_wait3A_176, %dma_wait3A_177] : memref<2592x2x128xi32, #tpu.memory_space<hbm>> -> memref<1x2x128xi32, #tpu.memory_space<hbm>>
          %dma_wait3A_179 = tpu.memref_squeeze %dma_wait3A_178 : memref<1x2x128xi32, #tpu.memory_space<hbm>> -> memref<2x128xi32, #tpu.memory_space<hbm>>
          tpu.wait_dma2 semaphore(%run_scoped3A : memref<!tpu.dma_semaphore, #tpu.memory_space<semaphore_mem>>) src(%dma_wait3A_179 : memref<2x128xi32, #tpu.memory_space<hbm>>) dst(%arg5 : memref<2x128xi32, #tpu.memory_space<vmem>>)
          tpu.yield
        }) : () -> ()
        %dma_start3A_157 = arith.constant 0 : i32
        %dma_start3A_158 = arith.constant 0 : i32
        %dma_start3A_159 = tpu.memref_slice %arg5[%dma_start3A_157, %dma_start3A_158] : memref<2x128xi32, #tpu.memory_space<vmem>> -> memref<1x128xi32, #tpu.memory_space<vmem>>
        %dma_start3A_160 = tpu.memref_squeeze %dma_start3A_159 : memref<1x128xi32, #tpu.memory_space<vmem>> -> memref<128xi32, #tpu.memory_space<vmem>>
        %dma_start3A_161 = arith.constant 0 : i32
        %dma_start3A_162 = arith.constant 0 : i32
        %dma_start3A_163 = tpu.memref_slice %arg2[%dma_start3A_161, %dma_start3A_162] : memref<10112x128xf32, #tpu.memory_space<hbm>> -> memref<10112x128xf32, #tpu.memory_space<hbm>>
        tpu.enqueue_indirect_dma source(%dma_start3A_163 : memref<10112x128xf32, #tpu.memory_space<hbm>>) target(%arg8 : memref<128x128xf32, #tpu.memory_space<vmem>>) offsets(%dma_start3A_160 : memref<128xi32, #tpu.memory_space<vmem>>) semaphore(%arg12 : memref<!tpu.dma_semaphore, #tpu.memory_space<semaphore_mem>>)
      } else {
      }
      %dma_wait3A_125 = arith.constant 1 : i32
      %dma_wait3A_126 = arith.constant 0 : i32
      %dma_wait3A_127 = tpu.memref_slice %arg6[%dma_wait3A_125, %dma_wait3A_126] : memref<2x128xi32, #tpu.memory_space<vmem>> -> memref<1x128xi32, #tpu.memory_space<vmem>>
      %dma_wait3A_128 = tpu.memref_squeeze %dma_wait3A_127 : memref<1x128xi32, #tpu.memory_space<vmem>> -> memref<128xi32, #tpu.memory_space<vmem>>
      %dma_wait3A_129 = arith.constant 0 : i32
      %dma_wait3A_130 = arith.constant 0 : i32
      %dma_wait3A_131 = tpu.memref_slice %arg11[%dma_wait3A_129, %dma_wait3A_130] : memref<10112x128xf32, #tpu.memory_space<vmem_shared>> -> memref<10112x128xf32, #tpu.memory_space<vmem_shared>>
      tpu.wait_indirect_dma semaphore(%arg16 : memref<!tpu.dma_semaphore, #tpu.memory_space<semaphore_mem>>) src(%arg9 : memref<128x128xf32, #tpu.memory_space<vmem>>) dst(%dma_wait3A_131 : memref<10112x128xf32, #tpu.memory_space<vmem_shared>>)
      %add3A_132 = arith.constant 1 : i32
      %add3A_133 = arith.addi %scan3A_69, %add3A_132 : i32
      %lt3A_134 = arith.constant 27 : i32
      %lt3A_135 = arith.cmpi slt, %add3A_133, %lt3A_134 : i32
      %convert_element_type3A_136 = arith.extui %lt3A_135 : i1 to i32
      %cond3A_137 = arith.constant 0 : i32
      %cond3A_138 = arith.cmpi ne, %convert_element_type3A_136, %cond3A_137 : i32
      scf.if %cond3A_138 {
        %add3A_153 = arith.constant 1 : i32
        %add3A_154 = arith.addi %add3A_72, %add3A_153 : i32
        %add3A_155 = arith.constant 3 : i32
        %add3A_156 = arith.addi %add3A_154, %add3A_155 : i32
        "tpu.region"() ({
          %run_scoped3A = tpu.sem_alloc : memref<!tpu.dma_semaphore, #tpu.memory_space<semaphore_mem>>
          %dma_start3A_164 = arith.constant 0 : i32
          %dma_start3A_165 = arith.constant 0 : i32
          %dma_start3A_166 = tpu.memref_slice %arg3[%add3A_156, %dma_start3A_164, %dma_start3A_165] : memref<2592x2x128xi32, #tpu.memory_space<hbm>> -> memref<1x2x128xi32, #tpu.memory_space<hbm>>
          %dma_start3A_167 = tpu.memref_squeeze %dma_start3A_166 : memref<1x2x128xi32, #tpu.memory_space<hbm>> -> memref<2x128xi32, #tpu.memory_space<hbm>>
          %dma_start3A_168 = arith.constant 0 : i32
          %dma_start3A_169 = arith.constant 0 : i32
          %dma_start3A_170 = tpu.memref_slice %arg3[%add3A_156, %dma_start3A_168, %dma_start3A_169] : memref<2592x2x128xi32, #tpu.memory_space<hbm>> -> memref<1x2x128xi32, #tpu.memory_space<hbm>>
          %dma_start3A_171 = tpu.memref_squeeze %dma_start3A_170 : memref<1x2x128xi32, #tpu.memory_space<hbm>> -> memref<2x128xi32, #tpu.memory_space<hbm>>
          tpu.enqueue_dma source(%dma_start3A_171 : memref<2x128xi32, #tpu.memory_space<hbm>>) target(%arg6 : memref<2x128xi32, #tpu.memory_space<vmem>>) target_semaphore(%run_scoped3A : memref<!tpu.dma_semaphore, #tpu.memory_space<semaphore_mem>>)
          %dma_wait3A_172 = arith.constant 0 : i32
          %dma_wait3A_173 = arith.constant 0 : i32
          %dma_wait3A_174 = tpu.memref_slice %arg3[%add3A_156, %dma_wait3A_172, %dma_wait3A_173] : memref<2592x2x128xi32, #tpu.memory_space<hbm>> -> memref<1x2x128xi32, #tpu.memory_space<hbm>>
          %dma_wait3A_175 = tpu.memref_squeeze %dma_wait3A_174 : memref<1x2x128xi32, #tpu.memory_space<hbm>> -> memref<2x128xi32, #tpu.memory_space<hbm>>
          %dma_wait3A_176 = arith.constant 0 : i32
          %dma_wait3A_177 = arith.constant 0 : i32
          %dma_wait3A_178 = tpu.memref_slice %arg3[%add3A_156, %dma_wait3A_176, %dma_wait3A_177] : memref<2592x2x128xi32, #tpu.memory_space<hbm>> -> memref<1x2x128xi32, #tpu.memory_space<hbm>>
          %dma_wait3A_179 = tpu.memref_squeeze %dma_wait3A_178 : memref<1x2x128xi32, #tpu.memory_space<hbm>> -> memref<2x128xi32, #tpu.memory_space<hbm>>
          tpu.wait_dma2 semaphore(%run_scoped3A : memref<!tpu.dma_semaphore, #tpu.memory_space<semaphore_mem>>) src(%dma_wait3A_179 : memref<2x128xi32, #tpu.memory_space<hbm>>) dst(%arg6 : memref<2x128xi32, #tpu.memory_space<vmem>>)
          tpu.yield
        }) : () -> ()
        %dma_start3A_157 = arith.constant 0 : i32
        %dma_start3A_158 = arith.constant 0 : i32
        %dma_start3A_159 = tpu.memref_slice %arg6[%dma_start3A_157, %dma_start3A_158] : memref<2x128xi32, #tpu.memory_space<vmem>> -> memref<1x128xi32, #tpu.memory_space<vmem>>
        %dma_start3A_160 = tpu.memref_squeeze %dma_start3A_159 : memref<1x128xi32, #tpu.memory_space<vmem>> -> memref<128xi32, #tpu.memory_space<vmem>>
        %dma_start3A_161 = arith.constant 0 : i32
        %dma_start3A_162 = arith.constant 0 : i32
        %dma_start3A_163 = tpu.memref_slice %arg2[%dma_start3A_161, %dma_start3A_162] : memref<10112x128xf32, #tpu.memory_space<hbm>> -> memref<10112x128xf32, #tpu.memory_space<hbm>>
        tpu.enqueue_indirect_dma source(%dma_start3A_163 : memref<10112x128xf32, #tpu.memory_space<hbm>>) target(%arg9 : memref<128x128xf32, #tpu.memory_space<vmem>>) offsets(%dma_start3A_160 : memref<128xi32, #tpu.memory_space<vmem>>) semaphore(%arg13 : memref<!tpu.dma_semaphore, #tpu.memory_space<semaphore_mem>>)
      } else {
      }
      %dma_wait3A_139 = arith.constant 1 : i32
      %dma_wait3A_140 = arith.constant 0 : i32
      %dma_wait3A_141 = tpu.memref_slice %arg7[%dma_wait3A_139, %dma_wait3A_140] : memref<2x128xi32, #tpu.memory_space<vmem>> -> memref<1x128xi32, #tpu.memory_space<vmem>>
      %dma_wait3A_142 = tpu.memref_squeeze %dma_wait3A_141 : memref<1x128xi32, #tpu.memory_space<vmem>> -> memref<128xi32, #tpu.memory_space<vmem>>
      %dma_wait3A_143 = arith.constant 0 : i32
      %dma_wait3A_144 = arith.constant 0 : i32
      %dma_wait3A_145 = tpu.memref_slice %arg11[%dma_wait3A_143, %dma_wait3A_144] : memref<10112x128xf32, #tpu.memory_space<vmem_shared>> -> memref<10112x128xf32, #tpu.memory_space<vmem_shared>>
      tpu.wait_indirect_dma semaphore(%arg17 : memref<!tpu.dma_semaphore, #tpu.memory_space<semaphore_mem>>) src(%arg10 : memref<128x128xf32, #tpu.memory_space<vmem>>) dst(%dma_wait3A_145 : memref<10112x128xf32, #tpu.memory_space<vmem_shared>>)
      %add3A_146 = arith.constant 1 : i32
      %add3A_147 = arith.addi %scan3A_69, %add3A_146 : i32
      %lt3A_148 = arith.constant 27 : i32
      %lt3A_149 = arith.cmpi slt, %add3A_147, %lt3A_148 : i32
      %convert_element_type3A_150 = arith.extui %lt3A_149 : i1 to i32
      %cond3A_151 = arith.constant 0 : i32
      %cond3A_152 = arith.cmpi ne, %convert_element_type3A_150, %cond3A_151 : i32
      scf.if %cond3A_152 {
        %add3A_153 = arith.constant 2 : i32
        %add3A_154 = arith.addi %add3A_72, %add3A_153 : i32
        %add3A_155 = arith.constant 3 : i32
        %add3A_156 = arith.addi %add3A_154, %add3A_155 : i32
        "tpu.region"() ({
          %run_scoped3A = tpu.sem_alloc : memref<!tpu.dma_semaphore, #tpu.memory_space<semaphore_mem>>
          %dma_start3A_164 = arith.constant 0 : i32
          %dma_start3A_165 = arith.constant 0 : i32
          %dma_start3A_166 = tpu.memref_slice %arg3[%add3A_156, %dma_start3A_164, %dma_start3A_165] : memref<2592x2x128xi32, #tpu.memory_space<hbm>> -> memref<1x2x128xi32, #tpu.memory_space<hbm>>
          %dma_start3A_167 = tpu.memref_squeeze %dma_start3A_166 : memref<1x2x128xi32, #tpu.memory_space<hbm>> -> memref<2x128xi32, #tpu.memory_space<hbm>>
          %dma_start3A_168 = arith.constant 0 : i32
          %dma_start3A_169 = arith.constant 0 : i32
          %dma_start3A_170 = tpu.memref_slice %arg3[%add3A_156, %dma_start3A_168, %dma_start3A_169] : memref<2592x2x128xi32, #tpu.memory_space<hbm>> -> memref<1x2x128xi32, #tpu.memory_space<hbm>>
          %dma_start3A_171 = tpu.memref_squeeze %dma_start3A_170 : memref<1x2x128xi32, #tpu.memory_space<hbm>> -> memref<2x128xi32, #tpu.memory_space<hbm>>
          tpu.enqueue_dma source(%dma_start3A_171 : memref<2x128xi32, #tpu.memory_space<hbm>>) target(%arg7 : memref<2x128xi32, #tpu.memory_space<vmem>>) target_semaphore(%run_scoped3A : memref<!tpu.dma_semaphore, #tpu.memory_space<semaphore_mem>>)
          %dma_wait3A_172 = arith.constant 0 : i32
          %dma_wait3A_173 = arith.constant 0 : i32
          %dma_wait3A_174 = tpu.memref_slice %arg3[%add3A_156, %dma_wait3A_172, %dma_wait3A_173] : memref<2592x2x128xi32, #tpu.memory_space<hbm>> -> memref<1x2x128xi32, #tpu.memory_space<hbm>>
          %dma_wait3A_175 = tpu.memref_squeeze %dma_wait3A_174 : memref<1x2x128xi32, #tpu.memory_space<hbm>> -> memref<2x128xi32, #tpu.memory_space<hbm>>
          %dma_wait3A_176 = arith.constant 0 : i32
          %dma_wait3A_177 = arith.constant 0 : i32
          %dma_wait3A_178 = tpu.memref_slice %arg3[%add3A_156, %dma_wait3A_176, %dma_wait3A_177] : memref<2592x2x128xi32, #tpu.memory_space<hbm>> -> memref<1x2x128xi32, #tpu.memory_space<hbm>>
          %dma_wait3A_179 = tpu.memref_squeeze %dma_wait3A_178 : memref<1x2x128xi32, #tpu.memory_space<hbm>> -> memref<2x128xi32, #tpu.memory_space<hbm>>
          tpu.wait_dma2 semaphore(%run_scoped3A : memref<!tpu.dma_semaphore, #tpu.memory_space<semaphore_mem>>) src(%dma_wait3A_179 : memref<2x128xi32, #tpu.memory_space<hbm>>) dst(%arg7 : memref<2x128xi32, #tpu.memory_space<vmem>>)
          tpu.yield
        }) : () -> ()
        %dma_start3A_157 = arith.constant 0 : i32
        %dma_start3A_158 = arith.constant 0 : i32
        %dma_start3A_159 = tpu.memref_slice %arg7[%dma_start3A_157, %dma_start3A_158] : memref<2x128xi32, #tpu.memory_space<vmem>> -> memref<1x128xi32, #tpu.memory_space<vmem>>
        %dma_start3A_160 = tpu.memref_squeeze %dma_start3A_159 : memref<1x128xi32, #tpu.memory_space<vmem>> -> memref<128xi32, #tpu.memory_space<vmem>>
        %dma_start3A_161 = arith.constant 0 : i32
        %dma_start3A_162 = arith.constant 0 : i32
        %dma_start3A_163 = tpu.memref_slice %arg2[%dma_start3A_161, %dma_start3A_162] : memref<10112x128xf32, #tpu.memory_space<hbm>> -> memref<10112x128xf32, #tpu.memory_space<hbm>>
        tpu.enqueue_indirect_dma source(%dma_start3A_163 : memref<10112x128xf32, #tpu.memory_space<hbm>>) target(%arg10 : memref<128x128xf32, #tpu.memory_space<vmem>>) offsets(%dma_start3A_160 : memref<128xi32, #tpu.memory_space<vmem>>) semaphore(%arg14 : memref<!tpu.dma_semaphore, #tpu.memory_space<semaphore_mem>>)
      } else {
      }
    }
    %scan3A_60 = arith.constant 27 : i32
    %barrier3A_61 = arith.constant 0 : index
    tpu.barrier barrier_id(%barrier3A_61)
    %mul3A_62 = arith.constant 632 : i32
    %mul3A_63 = arith.muli %arg1, %mul3A_62 : i32
    %mul3A_64 = arith.constant 10112 : i32
    %mul3A_65 = arith.muli %arg0, %mul3A_64 : i32
    %mul3A_66 = arith.constant 632 : i32
    %mul3A_67 = arith.muli %arg1, %mul3A_66 : i32
    %add3A_68 = arith.addi %mul3A_65, %mul3A_67 : i32
    "tpu.region"() ({
      %run_scoped3A = tpu.sem_alloc : memref<!tpu.dma_semaphore, #tpu.memory_space<semaphore_mem>>
      %dma_start3A_69 = arith.constant 0 : i32
      %dma_start3A_70 = tpu.memref_slice %arg4[%add3A_68, %dma_start3A_69] : memref<20224x128xf32, #tpu.memory_space<hbm>> -> memref<632x128xf32, #tpu.memory_space<hbm>>
      %dma_start3A_71 = arith.constant 0 : i32
      %dma_start3A_72 = tpu.memref_slice %arg11[%mul3A_63, %dma_start3A_71] : memref<10112x128xf32, #tpu.memory_space<vmem_shared>> -> memref<632x128xf32, #tpu.memory_space<vmem_shared>>
      tpu.enqueue_dma source(%dma_start3A_72 : memref<632x128xf32, #tpu.memory_space<vmem_shared>>) target(%dma_start3A_70 : memref<632x128xf32, #tpu.memory_space<hbm>>) target_semaphore(%run_scoped3A : memref<!tpu.dma_semaphore, #tpu.memory_space<semaphore_mem>>)
      %dma_wait3A = arith.constant 0 : i32
      %dma_wait3A_73 = tpu.memref_slice %arg4[%add3A_68, %dma_wait3A] : memref<20224x128xf32, #tpu.memory_space<hbm>> -> memref<632x128xf32, #tpu.memory_space<hbm>>
      %dma_wait3A_74 = arith.constant 0 : i32
      %dma_wait3A_75 = tpu.memref_slice %arg11[%mul3A_63, %dma_wait3A_74] : memref<10112x128xf32, #tpu.memory_space<vmem_shared>> -> memref<632x128xf32, #tpu.memory_space<vmem_shared>>
      tpu.wait_dma2 semaphore(%run_scoped3A : memref<!tpu.dma_semaphore, #tpu.memory_space<semaphore_mem>>) src(%dma_wait3A_75 : memref<632x128xf32, #tpu.memory_space<vmem_shared>>) dst(%dma_wait3A_73 : memref<632x128xf32, #tpu.memory_space<hbm>>)
      tpu.yield
    }) : () -> ()
    return
  }
}

#map = affine_map<(d0, d1) -> (0, 0)>
#map1 = affine_map<(d0, d1) -> (0, 0, 0)>
module attributes {stable_mosaic.version = 14 : i64} {
  func.func @_sc_round_body(%arg0: i32, %arg1: i32, %arg2: memref<10112x128xf32, #tpu.memory_space<hbm>>, %arg3: memref<2592x2x128xi32, #tpu.memory_space<hbm>>, %arg4: memref<20224x128xf32, #tpu.memory_space<hbm>>, %arg5: memref<2x128xi32, #tpu.memory_space<vmem>>, %arg6: memref<2x128xi32, #tpu.memory_space<vmem>>, %arg7: memref<2x128xi32, #tpu.memory_space<vmem>>, %arg8: memref<128x128xf32, #tpu.memory_space<vmem>>, %arg9: memref<128x128xf32, #tpu.memory_space<vmem>>, %arg10: memref<128x128xf32, #tpu.memory_space<vmem>>, %arg11: memref<10112x128xf32, #tpu.memory_space<vmem_shared>>, %arg12: memref<!tpu.dma_semaphore, #tpu.memory_space<semaphore_mem>>, %arg13: memref<!tpu.dma_semaphore, #tpu.memory_space<semaphore_mem>>, %arg14: memref<!tpu.dma_semaphore, #tpu.memory_space<semaphore_mem>>, %arg15: memref<!tpu.dma_semaphore, #tpu.memory_space<semaphore_mem>>, %arg16: memref<!tpu.dma_semaphore, #tpu.memory_space<semaphore_mem>>, %arg17: memref<!tpu.dma_semaphore, #tpu.memory_space<semaphore_mem>>) attributes {dimension_semantics = [#tpu.dimension_semantics<core_parallel>, #tpu.dimension_semantics<subcore_parallel>], iteration_bounds = array<i64: 2, 16>, scalar_prefetch = 0 : i64, scratch_operands = 13 : i64, tpu.core_type = #tpu.core_type<sc_vector_subcore>, window_params = [{transform_indices = #map}, {transform_indices = #map1}, {transform_indices = #map}]} {
    %broadcast_in_dim3A = arith.constant 0.000000e+00 : f32
    %broadcast_in_dim3A_0 = vector.broadcast %broadcast_in_dim3A : f32 to vector<16xf32>
    %scan3A = arith.constant 0 : i32
    %scan3A_1 = arith.constant 0 : i32
    %scan3A_2 = arith.constant 128 : i32
    %scan3A_3 = arith.addi %scan3A_1, %scan3A_2 : i32
    %scan3A_4 = arith.constant 1 : i32
    scf.for %scan3A_69 = %scan3A_1 to %scan3A_3 step %scan3A_4  : i32 {
      %swap3A = arith.index_cast %scan3A_69 : i32 to index
      %swap3A_70 = arith.constant 0 : index
      %swap3A_71 = tpu.vector_load %arg8[%swap3A, %swap3A_70] {strides = array<i32>} : memref<128x128xf32, #tpu.memory_space<vmem>>, vector<1x16xf32>,
      %swap3A_72 = vector.shape_cast %swap3A_71 : vector<1x16xf32> to vector<16xf32>
      %swap3A_73 = vector.shape_cast %broadcast_in_dim3A_0 : vector<16xf32> to vector<1x16xf32>
      tpu.vector_store %arg8[%swap3A, %swap3A_70], %swap3A_73 {strides = array<i32>} : memref<128x128xf32, #tpu.memory_space<vmem>>, vector<1x16xf32>,
      %swap3A_74 = arith.index_cast %scan3A_69 : i32 to index
      %swap3A_75 = arith.constant 16 : index
      %swap3A_76 = tpu.vector_load %arg8[%swap3A_74, %swap3A_75] {strides = array<i32>} : memref<128x128xf32, #tpu.memory_space<vmem>>, vector<1x16xf32>,
      %swap3A_77 = vector.shape_cast %swap3A_76 : vector<1x16xf32> to vector<16xf32>
      %swap3A_78 = vector.shape_cast %broadcast_in_dim3A_0 : vector<16xf32> to vector<1x16xf32>
      tpu.vector_store %arg8[%swap3A_74, %swap3A_75], %swap3A_78 {strides = array<i32>} : memref<128x128xf32, #tpu.memory_space<vmem>>, vector<1x16xf32>,
      %swap3A_79 = arith.index_cast %scan3A_69 : i32 to index
      %swap3A_80 = arith.constant 32 : index
      %swap3A_81 = tpu.vector_load %arg8[%swap3A_79, %swap3A_80] {strides = array<i32>} : memref<128x128xf32, #tpu.memory_space<vmem>>, vector<1x16xf32>,
      %swap3A_82 = vector.shape_cast %swap3A_81 : vector<1x16xf32> to vector<16xf32>
      %swap3A_83 = vector.shape_cast %broadcast_in_dim3A_0 : vector<16xf32> to vector<1x16xf32>
      tpu.vector_store %arg8[%swap3A_79, %swap3A_80], %swap3A_83 {strides = array<i32>} : memref<128x128xf32, #tpu.memory_space<vmem>>, vector<1x16xf32>,
      %swap3A_84 = arith.index_cast %scan3A_69 : i32 to index
      %swap3A_85 = arith.constant 48 : index
      %swap3A_86 = tpu.vector_load %arg8[%swap3A_84, %swap3A_85] {strides = array<i32>} : memref<128x128xf32, #tpu.memory_space<vmem>>, vector<1x16xf32>,
      %swap3A_87 = vector.shape_cast %swap3A_86 : vector<1x16xf32> to vector<16xf32>
      %swap3A_88 = vector.shape_cast %broadcast_in_dim3A_0 : vector<16xf32> to vector<1x16xf32>
      tpu.vector_store %arg8[%swap3A_84, %swap3A_85], %swap3A_88 {strides = array<i32>} : memref<128x128xf32, #tpu.memory_space<vmem>>, vector<1x16xf32>,
      %swap3A_89 = arith.index_cast %scan3A_69 : i32 to index
      %swap3A_90 = arith.constant 64 : index
      %swap3A_91 = tpu.vector_load %arg8[%swap3A_89, %swap3A_90] {strides = array<i32>} : memref<128x128xf32, #tpu.memory_space<vmem>>, vector<1x16xf32>,
      %swap3A_92 = vector.shape_cast %swap3A_91 : vector<1x16xf32> to vector<16xf32>
      %swap3A_93 = vector.shape_cast %broadcast_in_dim3A_0 : vector<16xf32> to vector<1x16xf32>
      tpu.vector_store %arg8[%swap3A_89, %swap3A_90], %swap3A_93 {strides = array<i32>} : memref<128x128xf32, #tpu.memory_space<vmem>>, vector<1x16xf32>,
      %swap3A_94 = arith.index_cast %scan3A_69 : i32 to index
      %swap3A_95 = arith.constant 80 : index
      %swap3A_96 = tpu.vector_load %arg8[%swap3A_94, %swap3A_95] {strides = array<i32>} : memref<128x128xf32, #tpu.memory_space<vmem>>, vector<1x16xf32>,
      %swap3A_97 = vector.shape_cast %swap3A_96 : vector<1x16xf32> to vector<16xf32>
      %swap3A_98 = vector.shape_cast %broadcast_in_dim3A_0 : vector<16xf32> to vector<1x16xf32>
      tpu.vector_store %arg8[%swap3A_94, %swap3A_95], %swap3A_98 {strides = array<i32>} : memref<128x128xf32, #tpu.memory_space<vmem>>, vector<1x16xf32>,
      %swap3A_99 = arith.index_cast %scan3A_69 : i32 to index
      %swap3A_100 = arith.constant 96 : index
      %swap3A_101 = tpu.vector_load %arg8[%swap3A_99, %swap3A_100] {strides = array<i32>} : memref<128x128xf32, #tpu.memory_space<vmem>>, vector<1x16xf32>,
      %swap3A_102 = vector.shape_cast %swap3A_101 : vector<1x16xf32> to vector<16xf32>
      %swap3A_103 = vector.shape_cast %broadcast_in_dim3A_0 : vector<16xf32> to vector<1x16xf32>
      tpu.vector_store %arg8[%swap3A_99, %swap3A_100], %swap3A_103 {strides = array<i32>} : memref<128x128xf32, #tpu.memory_space<vmem>>, vector<1x16xf32>,
      %swap3A_104 = arith.index_cast %scan3A_69 : i32 to index
      %swap3A_105 = arith.constant 112 : index
      %swap3A_106 = tpu.vector_load %arg8[%swap3A_104, %swap3A_105] {strides = array<i32>} : memref<128x128xf32, #tpu.memory_space<vmem>>, vector<1x16xf32>,
      %swap3A_107 = vector.shape_cast %swap3A_106 : vector<1x16xf32> to vector<16xf32>
      %swap3A_108 = vector.shape_cast %broadcast_in_dim3A_0 : vector<16xf32> to vector<1x16xf32>
      tpu.vector_store %arg8[%swap3A_104, %swap3A_105], %swap3A_108 {strides = array<i32>} : memref<128x128xf32, #tpu.memory_space<vmem>>, vector<1x16xf32>,
    }
    %scan3A_5 = arith.constant 128 : i32
    %mul3A = arith.constant 632 : i32
    %mul3A_6 = arith.muli %arg1, %mul3A : i32
    %add3A = arith.constant 0 : i32
    %add3A_7 = arith.addi %mul3A_6, %add3A : i32
    "tpu.region"() ({
      %run_scoped3A = tpu.sem_alloc : memref<!tpu.dma_semaphore, #tpu.memory_space<semaphore_mem>>
      %dma_start3A_69 = arith.constant 0 : i32
      %dma_start3A_70 = arith.constant 0 : i32
      %dma_start3A_71 = tpu.memref_slice %arg8[%dma_start3A_69, %dma_start3A_70] : memref<128x128xf32, #tpu.memory_space<vmem>> -> memref<128x128xf32, #tpu.memory_space<vmem>>
      %dma_start3A_72 = arith.constant 0 : i32
      %dma_start3A_73 = tpu.memref_slice %arg11[%add3A_7, %dma_start3A_72] : memref<10112x128xf32, #tpu.memory_space<vmem_shared>> -> memref<128x128xf32, #tpu.memory_space<vmem_shared>>
      %dma_start3A_74 = arith.constant 0 : i32
      %dma_start3A_75 = tpu.memref_slice %arg11[%add3A_7, %dma_start3A_74] : memref<10112x128xf32, #tpu.memory_space<vmem_shared>> -> memref<128x128xf32, #tpu.memory_space<vmem_shared>>
      %dma_start3A_76 = arith.constant 0 : i32
      %dma_start3A_77 = arith.constant 0 : i32
      %dma_start3A_78 = tpu.memref_slice %arg8[%dma_start3A_76, %dma_start3A_77] : memref<128x128xf32, #tpu.memory_space<vmem>> -> memref<128x128xf32, #tpu.memory_space<vmem>>
      tpu.enqueue_dma source(%dma_start3A_78 : memref<128x128xf32, #tpu.memory_space<vmem>>) target(%dma_start3A_75 : memref<128x128xf32, #tpu.memory_space<vmem_shared>>) target_semaphore(%run_scoped3A : memref<!tpu.dma_semaphore, #tpu.memory_space<semaphore_mem>>)
      %dma_wait3A = arith.constant 0 : i32
      %dma_wait3A_79 = arith.constant 0 : i32
      %dma_wait3A_80 = tpu.memref_slice %arg8[%dma_wait3A, %dma_wait3A_79] : memref<128x128xf32, #tpu.memory_space<vmem>> -> memref<128x128xf32, #tpu.memory_space<vmem>>
      %dma_wait3A_81 = arith.constant 0 : i32
      %dma_wait3A_82 = tpu.memref_slice %arg11[%add3A_7, %dma_wait3A_81] : memref<10112x128xf32, #tpu.memory_space<vmem_shared>> -> memref<128x128xf32, #tpu.memory_space<vmem_shared>>
      %dma_wait3A_83 = arith.constant 0 : i32
      %dma_wait3A_84 = tpu.memref_slice %arg11[%add3A_7, %dma_wait3A_83] : memref<10112x128xf32, #tpu.memory_space<vmem_shared>> -> memref<128x128xf32, #tpu.memory_space<vmem_shared>>
      %dma_wait3A_85 = arith.constant 0 : i32
      %dma_wait3A_86 = arith.constant 0 : i32
      %dma_wait3A_87 = tpu.memref_slice %arg8[%dma_wait3A_85, %dma_wait3A_86] : memref<128x128xf32, #tpu.memory_space<vmem>> -> memref<128x128xf32, #tpu.memory_space<vmem>>
      tpu.wait_dma2 semaphore(%run_scoped3A : memref<!tpu.dma_semaphore, #tpu.memory_space<semaphore_mem>>) src(%dma_wait3A_87 : memref<128x128xf32, #tpu.memory_space<vmem>>) dst(%dma_wait3A_84 : memref<128x128xf32, #tpu.memory_space<vmem_shared>>)
      tpu.yield
    }) : () -> ()
    %mul3A_8 = arith.constant 632 : i32
    %mul3A_9 = arith.muli %arg1, %mul3A_8 : i32
    %add3A_10 = arith.constant 128 : i32
    %add3A_11 = arith.addi %mul3A_9, %add3A_10 : i32
    "tpu.region"() ({
      %run_scoped3A = tpu.sem_alloc : memref<!tpu.dma_semaphore, #tpu.memory_space<semaphore_mem>>
      %dma_start3A_69 = arith.constant 0 : i32
      %dma_start3A_70 = arith.constant 0 : i32
      %dma_start3A_71 = tpu.memref_slice %arg8[%dma_start3A_69, %dma_start3A_70] : memref<128x128xf32, #tpu.memory_space<vmem>> -> memref<128x128xf32, #tpu.memory_space<vmem>>
      %dma_start3A_72 = arith.constant 0 : i32
      %dma_start3A_73 = tpu.memref_slice %arg11[%add3A_11, %dma_start3A_72] : memref<10112x128xf32, #tpu.memory_space<vmem_shared>> -> memref<128x128xf32, #tpu.memory_space<vmem_shared>>
      %dma_start3A_74 = arith.constant 0 : i32
      %dma_start3A_75 = tpu.memref_slice %arg11[%add3A_11, %dma_start3A_74] : memref<10112x128xf32, #tpu.memory_space<vmem_shared>> -> memref<128x128xf32, #tpu.memory_space<vmem_shared>>
      %dma_start3A_76 = arith.constant 0 : i32
      %dma_start3A_77 = arith.constant 0 : i32
      %dma_start3A_78 = tpu.memref_slice %arg8[%dma_start3A_76, %dma_start3A_77] : memref<128x128xf32, #tpu.memory_space<vmem>> -> memref<128x128xf32, #tpu.memory_space<vmem>>
      tpu.enqueue_dma source(%dma_start3A_78 : memref<128x128xf32, #tpu.memory_space<vmem>>) target(%dma_start3A_75 : memref<128x128xf32, #tpu.memory_space<vmem_shared>>) target_semaphore(%run_scoped3A : memref<!tpu.dma_semaphore, #tpu.memory_space<semaphore_mem>>)
      %dma_wait3A = arith.constant 0 : i32
      %dma_wait3A_79 = arith.constant 0 : i32
      %dma_wait3A_80 = tpu.memref_slice %arg8[%dma_wait3A, %dma_wait3A_79] : memref<128x128xf32, #tpu.memory_space<vmem>> -> memref<128x128xf32, #tpu.memory_space<vmem>>
      %dma_wait3A_81 = arith.constant 0 : i32
      %dma_wait3A_82 = tpu.memref_slice %arg11[%add3A_11, %dma_wait3A_81] : memref<10112x128xf32, #tpu.memory_space<vmem_shared>> -> memref<128x128xf32, #tpu.memory_space<vmem_shared>>
      %dma_wait3A_83 = arith.constant 0 : i32
      %dma_wait3A_84 = tpu.memref_slice %arg11[%add3A_11, %dma_wait3A_83] : memref<10112x128xf32, #tpu.memory_space<vmem_shared>> -> memref<128x128xf32, #tpu.memory_space<vmem_shared>>
      %dma_wait3A_85 = arith.constant 0 : i32
      %dma_wait3A_86 = arith.constant 0 : i32
      %dma_wait3A_87 = tpu.memref_slice %arg8[%dma_wait3A_85, %dma_wait3A_86] : memref<128x128xf32, #tpu.memory_space<vmem>> -> memref<128x128xf32, #tpu.memory_space<vmem>>
      tpu.wait_dma2 semaphore(%run_scoped3A : memref<!tpu.dma_semaphore, #tpu.memory_space<semaphore_mem>>) src(%dma_wait3A_87 : memref<128x128xf32, #tpu.memory_space<vmem>>) dst(%dma_wait3A_84 : memref<128x128xf32, #tpu.memory_space<vmem_shared>>)
      tpu.yield
    }) : () -> ()
    %mul3A_12 = arith.constant 632 : i32
    %mul3A_13 = arith.muli %arg1, %mul3A_12 : i32
    %add3A_14 = arith.constant 256 : i32
    %add3A_15 = arith.addi %mul3A_13, %add3A_14 : i32
    "tpu.region"() ({
      %run_scoped3A = tpu.sem_alloc : memref<!tpu.dma_semaphore, #tpu.memory_space<semaphore_mem>>
      %dma_start3A_69 = arith.constant 0 : i32
      %dma_start3A_70 = arith.constant 0 : i32
      %dma_start3A_71 = tpu.memref_slice %arg8[%dma_start3A_69, %dma_start3A_70] : memref<128x128xf32, #tpu.memory_space<vmem>> -> memref<128x128xf32, #tpu.memory_space<vmem>>
      %dma_start3A_72 = arith.constant 0 : i32
      %dma_start3A_73 = tpu.memref_slice %arg11[%add3A_15, %dma_start3A_72] : memref<10112x128xf32, #tpu.memory_space<vmem_shared>> -> memref<128x128xf32, #tpu.memory_space<vmem_shared>>
      %dma_start3A_74 = arith.constant 0 : i32
      %dma_start3A_75 = tpu.memref_slice %arg11[%add3A_15, %dma_start3A_74] : memref<10112x128xf32, #tpu.memory_space<vmem_shared>> -> memref<128x128xf32, #tpu.memory_space<vmem_shared>>
      %dma_start3A_76 = arith.constant 0 : i32
      %dma_start3A_77 = arith.constant 0 : i32
      %dma_start3A_78 = tpu.memref_slice %arg8[%dma_start3A_76, %dma_start3A_77] : memref<128x128xf32, #tpu.memory_space<vmem>> -> memref<128x128xf32, #tpu.memory_space<vmem>>
      tpu.enqueue_dma source(%dma_start3A_78 : memref<128x128xf32, #tpu.memory_space<vmem>>) target(%dma_start3A_75 : memref<128x128xf32, #tpu.memory_space<vmem_shared>>) target_semaphore(%run_scoped3A : memref<!tpu.dma_semaphore, #tpu.memory_space<semaphore_mem>>)
      %dma_wait3A = arith.constant 0 : i32
      %dma_wait3A_79 = arith.constant 0 : i32
      %dma_wait3A_80 = tpu.memref_slice %arg8[%dma_wait3A, %dma_wait3A_79] : memref<128x128xf32, #tpu.memory_space<vmem>> -> memref<128x128xf32, #tpu.memory_space<vmem>>
      %dma_wait3A_81 = arith.constant 0 : i32
      %dma_wait3A_82 = tpu.memref_slice %arg11[%add3A_15, %dma_wait3A_81] : memref<10112x128xf32, #tpu.memory_space<vmem_shared>> -> memref<128x128xf32, #tpu.memory_space<vmem_shared>>
      %dma_wait3A_83 = arith.constant 0 : i32
      %dma_wait3A_84 = tpu.memref_slice %arg11[%add3A_15, %dma_wait3A_83] : memref<10112x128xf32, #tpu.memory_space<vmem_shared>> -> memref<128x128xf32, #tpu.memory_space<vmem_shared>>
      %dma_wait3A_85 = arith.constant 0 : i32
      %dma_wait3A_86 = arith.constant 0 : i32
      %dma_wait3A_87 = tpu.memref_slice %arg8[%dma_wait3A_85, %dma_wait3A_86] : memref<128x128xf32, #tpu.memory_space<vmem>> -> memref<128x128xf32, #tpu.memory_space<vmem>>
      tpu.wait_dma2 semaphore(%run_scoped3A : memref<!tpu.dma_semaphore, #tpu.memory_space<semaphore_mem>>) src(%dma_wait3A_87 : memref<128x128xf32, #tpu.memory_space<vmem>>) dst(%dma_wait3A_84 : memref<128x128xf32, #tpu.memory_space<vmem_shared>>)
      tpu.yield
    }) : () -> ()
    %mul3A_16 = arith.constant 632 : i32
    %mul3A_17 = arith.muli %arg1, %mul3A_16 : i32
    %add3A_18 = arith.constant 384 : i32
    %add3A_19 = arith.addi %mul3A_17, %add3A_18 : i32
    "tpu.region"() ({
      %run_scoped3A = tpu.sem_alloc : memref<!tpu.dma_semaphore, #tpu.memory_space<semaphore_mem>>
      %dma_start3A_69 = arith.constant 0 : i32
      %dma_start3A_70 = arith.constant 0 : i32
      %dma_start3A_71 = tpu.memref_slice %arg8[%dma_start3A_69, %dma_start3A_70] : memref<128x128xf32, #tpu.memory_space<vmem>> -> memref<128x128xf32, #tpu.memory_space<vmem>>
      %dma_start3A_72 = arith.constant 0 : i32
      %dma_start3A_73 = tpu.memref_slice %arg11[%add3A_19, %dma_start3A_72] : memref<10112x128xf32, #tpu.memory_space<vmem_shared>> -> memref<128x128xf32, #tpu.memory_space<vmem_shared>>
      %dma_start3A_74 = arith.constant 0 : i32
      %dma_start3A_75 = tpu.memref_slice %arg11[%add3A_19, %dma_start3A_74] : memref<10112x128xf32, #tpu.memory_space<vmem_shared>> -> memref<128x128xf32, #tpu.memory_space<vmem_shared>>
      %dma_start3A_76 = arith.constant 0 : i32
      %dma_start3A_77 = arith.constant 0 : i32
      %dma_start3A_78 = tpu.memref_slice %arg8[%dma_start3A_76, %dma_start3A_77] : memref<128x128xf32, #tpu.memory_space<vmem>> -> memref<128x128xf32, #tpu.memory_space<vmem>>
      tpu.enqueue_dma source(%dma_start3A_78 : memref<128x128xf32, #tpu.memory_space<vmem>>) target(%dma_start3A_75 : memref<128x128xf32, #tpu.memory_space<vmem_shared>>) target_semaphore(%run_scoped3A : memref<!tpu.dma_semaphore, #tpu.memory_space<semaphore_mem>>)
      %dma_wait3A = arith.constant 0 : i32
      %dma_wait3A_79 = arith.constant 0 : i32
      %dma_wait3A_80 = tpu.memref_slice %arg8[%dma_wait3A, %dma_wait3A_79] : memref<128x128xf32, #tpu.memory_space<vmem>> -> memref<128x128xf32, #tpu.memory_space<vmem>>
      %dma_wait3A_81 = arith.constant 0 : i32
      %dma_wait3A_82 = tpu.memref_slice %arg11[%add3A_19, %dma_wait3A_81] : memref<10112x128xf32, #tpu.memory_space<vmem_shared>> -> memref<128x128xf32, #tpu.memory_space<vmem_shared>>
      %dma_wait3A_83 = arith.constant 0 : i32
      %dma_wait3A_84 = tpu.memref_slice %arg11[%add3A_19, %dma_wait3A_83] : memref<10112x128xf32, #tpu.memory_space<vmem_shared>> -> memref<128x128xf32, #tpu.memory_space<vmem_shared>>
      %dma_wait3A_85 = arith.constant 0 : i32
      %dma_wait3A_86 = arith.constant 0 : i32
      %dma_wait3A_87 = tpu.memref_slice %arg8[%dma_wait3A_85, %dma_wait3A_86] : memref<128x128xf32, #tpu.memory_space<vmem>> -> memref<128x128xf32, #tpu.memory_space<vmem>>
      tpu.wait_dma2 semaphore(%run_scoped3A : memref<!tpu.dma_semaphore, #tpu.memory_space<semaphore_mem>>) src(%dma_wait3A_87 : memref<128x128xf32, #tpu.memory_space<vmem>>) dst(%dma_wait3A_84 : memref<128x128xf32, #tpu.memory_space<vmem_shared>>)
      tpu.yield
    }) : () -> ()
    %mul3A_20 = arith.constant 632 : i32
    %mul3A_21 = arith.muli %arg1, %mul3A_20 : i32
    %add3A_22 = arith.constant 512 : i32
    %add3A_23 = arith.addi %mul3A_21, %add3A_22 : i32
    "tpu.region"() ({
      %run_scoped3A = tpu.sem_alloc : memref<!tpu.dma_semaphore, #tpu.memory_space<semaphore_mem>>
      %dma_start3A_69 = arith.constant 0 : i32
      %dma_start3A_70 = arith.constant 0 : i32
      %dma_start3A_71 = tpu.memref_slice %arg8[%dma_start3A_69, %dma_start3A_70] : memref<128x128xf32, #tpu.memory_space<vmem>> -> memref<120x128xf32, #tpu.memory_space<vmem>>
      %dma_start3A_72 = arith.constant 0 : i32
      %dma_start3A_73 = tpu.memref_slice %arg11[%add3A_23, %dma_start3A_72] : memref<10112x128xf32, #tpu.memory_space<vmem_shared>> -> memref<120x128xf32, #tpu.memory_space<vmem_shared>>
      %dma_start3A_74 = arith.constant 0 : i32
      %dma_start3A_75 = tpu.memref_slice %arg11[%add3A_23, %dma_start3A_74] : memref<10112x128xf32, #tpu.memory_space<vmem_shared>> -> memref<120x128xf32, #tpu.memory_space<vmem_shared>>
      %dma_start3A_76 = arith.constant 0 : i32
      %dma_start3A_77 = arith.constant 0 : i32
      %dma_start3A_78 = tpu.memref_slice %arg8[%dma_start3A_76, %dma_start3A_77] : memref<128x128xf32, #tpu.memory_space<vmem>> -> memref<120x128xf32, #tpu.memory_space<vmem>>
      tpu.enqueue_dma source(%dma_start3A_78 : memref<120x128xf32, #tpu.memory_space<vmem>>) target(%dma_start3A_75 : memref<120x128xf32, #tpu.memory_space<vmem_shared>>) target_semaphore(%run_scoped3A : memref<!tpu.dma_semaphore, #tpu.memory_space<semaphore_mem>>)
      %dma_wait3A = arith.constant 0 : i32
      %dma_wait3A_79 = arith.constant 0 : i32
      %dma_wait3A_80 = tpu.memref_slice %arg8[%dma_wait3A, %dma_wait3A_79] : memref<128x128xf32, #tpu.memory_space<vmem>> -> memref<120x128xf32, #tpu.memory_space<vmem>>
      %dma_wait3A_81 = arith.constant 0 : i32
      %dma_wait3A_82 = tpu.memref_slice %arg11[%add3A_23, %dma_wait3A_81] : memref<10112x128xf32, #tpu.memory_space<vmem_shared>> -> memref<120x128xf32, #tpu.memory_space<vmem_shared>>
      %dma_wait3A_83 = arith.constant 0 : i32
      %dma_wait3A_84 = tpu.memref_slice %arg11[%add3A_23, %dma_wait3A_83] : memref<10112x128xf32, #tpu.memory_space<vmem_shared>> -> memref<120x128xf32, #tpu.memory_space<vmem_shared>>
      %dma_wait3A_85 = arith.constant 0 : i32
      %dma_wait3A_86 = arith.constant 0 : i32
      %dma_wait3A_87 = tpu.memref_slice %arg8[%dma_wait3A_85, %dma_wait3A_86] : memref<128x128xf32, #tpu.memory_space<vmem>> -> memref<120x128xf32, #tpu.memory_space<vmem>>
      tpu.wait_dma2 semaphore(%run_scoped3A : memref<!tpu.dma_semaphore, #tpu.memory_space<semaphore_mem>>) src(%dma_wait3A_87 : memref<120x128xf32, #tpu.memory_space<vmem>>) dst(%dma_wait3A_84 : memref<120x128xf32, #tpu.memory_space<vmem_shared>>)
      tpu.yield
    }) : () -> ()
    %barrier3A = arith.constant 0 : index
    tpu.barrier barrier_id(%barrier3A)
    %mul3A_24 = arith.constant 16 : i32
    %mul3A_25 = arith.muli %arg0, %mul3A_24 : i32
    %add3A_26 = arith.addi %mul3A_25, %arg1 : i32
    %mul3A_27 = arith.constant 81 : i32
    %mul3A_28 = arith.muli %add3A_26, %mul3A_27 : i32
    %add3A_29 = arith.constant 0 : i32
    %add3A_30 = arith.addi %mul3A_28, %add3A_29 : i32
    "tpu.region"() ({
      %run_scoped3A = tpu.sem_alloc : memref<!tpu.dma_semaphore, #tpu.memory_space<semaphore_mem>>
      %dma_start3A_69 = arith.constant 0 : i32
      %dma_start3A_70 = arith.constant 0 : i32
      %dma_start3A_71 = tpu.memref_slice %arg3[%add3A_30, %dma_start3A_69, %dma_start3A_70] : memref<2592x2x128xi32, #tpu.memory_space<hbm>> -> memref<1x2x128xi32, #tpu.memory_space<hbm>>
      %dma_start3A_72 = tpu.memref_squeeze %dma_start3A_71 : memref<1x2x128xi32, #tpu.memory_space<hbm>> -> memref<2x128xi32, #tpu.memory_space<hbm>>
      %dma_start3A_73 = arith.constant 0 : i32
      %dma_start3A_74 = arith.constant 0 : i32
      %dma_start3A_75 = tpu.memref_slice %arg3[%add3A_30, %dma_start3A_73, %dma_start3A_74] : memref<2592x2x128xi32, #tpu.memory_space<hbm>> -> memref<1x2x128xi32, #tpu.memory_space<hbm>>
      %dma_start3A_76 = tpu.memref_squeeze %dma_start3A_75 : memref<1x2x128xi32, #tpu.memory_space<hbm>> -> memref<2x128xi32, #tpu.memory_space<hbm>>
      tpu.enqueue_dma source(%dma_start3A_76 : memref<2x128xi32, #tpu.memory_space<hbm>>) target(%arg5 : memref<2x128xi32, #tpu.memory_space<vmem>>) target_semaphore(%run_scoped3A : memref<!tpu.dma_semaphore, #tpu.memory_space<semaphore_mem>>)
      %dma_wait3A = arith.constant 0 : i32
      %dma_wait3A_77 = arith.constant 0 : i32
      %dma_wait3A_78 = tpu.memref_slice %arg3[%add3A_30, %dma_wait3A, %dma_wait3A_77] : memref<2592x2x128xi32, #tpu.memory_space<hbm>> -> memref<1x2x128xi32, #tpu.memory_space<hbm>>
      %dma_wait3A_79 = tpu.memref_squeeze %dma_wait3A_78 : memref<1x2x128xi32, #tpu.memory_space<hbm>> -> memref<2x128xi32, #tpu.memory_space<hbm>>
      %dma_wait3A_80 = arith.constant 0 : i32
      %dma_wait3A_81 = arith.constant 0 : i32
      %dma_wait3A_82 = tpu.memref_slice %arg3[%add3A_30, %dma_wait3A_80, %dma_wait3A_81] : memref<2592x2x128xi32, #tpu.memory_space<hbm>> -> memref<1x2x128xi32, #tpu.memory_space<hbm>>
      %dma_wait3A_83 = tpu.memref_squeeze %dma_wait3A_82 : memref<1x2x128xi32, #tpu.memory_space<hbm>> -> memref<2x128xi32, #tpu.memory_space<hbm>>
      tpu.wait_dma2 semaphore(%run_scoped3A : memref<!tpu.dma_semaphore, #tpu.memory_space<semaphore_mem>>) src(%dma_wait3A_83 : memref<2x128xi32, #tpu.memory_space<hbm>>) dst(%arg5 : memref<2x128xi32, #tpu.memory_space<vmem>>)
      tpu.yield
    }) : () -> ()
    %dma_start3A = arith.constant 0 : i32
    %dma_start3A_31 = arith.constant 0 : i32
    %dma_start3A_32 = tpu.memref_slice %arg5[%dma_start3A, %dma_start3A_31] : memref<2x128xi32, #tpu.memory_space<vmem>> -> memref<1x128xi32, #tpu.memory_space<vmem>>
    %dma_start3A_33 = tpu.memref_squeeze %dma_start3A_32 : memref<1x128xi32, #tpu.memory_space<vmem>> -> memref<128xi32, #tpu.memory_space<vmem>>
    %dma_start3A_34 = arith.constant 0 : i32
    %dma_start3A_35 = arith.constant 0 : i32
    %dma_start3A_36 = tpu.memref_slice %arg2[%dma_start3A_34, %dma_start3A_35] : memref<10112x128xf32, #tpu.memory_space<hbm>> -> memref<10112x128xf32, #tpu.memory_space<hbm>>
    tpu.enqueue_indirect_dma source(%dma_start3A_36 : memref<10112x128xf32, #tpu.memory_space<hbm>>) target(%arg8 : memref<128x128xf32, #tpu.memory_space<vmem>>) offsets(%dma_start3A_33 : memref<128xi32, #tpu.memory_space<vmem>>) semaphore(%arg12 : memref<!tpu.dma_semaphore, #tpu.memory_space<semaphore_mem>>)
    %add3A_37 = arith.constant 1 : i32
    %add3A_38 = arith.addi %mul3A_28, %add3A_37 : i32
    "tpu.region"() ({
      %run_scoped3A = tpu.sem_alloc : memref<!tpu.dma_semaphore, #tpu.memory_space<semaphore_mem>>
      %dma_start3A_69 = arith.constant 0 : i32
      %dma_start3A_70 = arith.constant 0 : i32
      %dma_start3A_71 = tpu.memref_slice %arg3[%add3A_38, %dma_start3A_69, %dma_start3A_70] : memref<2592x2x128xi32, #tpu.memory_space<hbm>> -> memref<1x2x128xi32, #tpu.memory_space<hbm>>
      %dma_start3A_72 = tpu.memref_squeeze %dma_start3A_71 : memref<1x2x128xi32, #tpu.memory_space<hbm>> -> memref<2x128xi32, #tpu.memory_space<hbm>>
      %dma_start3A_73 = arith.constant 0 : i32
      %dma_start3A_74 = arith.constant 0 : i32
      %dma_start3A_75 = tpu.memref_slice %arg3[%add3A_38, %dma_start3A_73, %dma_start3A_74] : memref<2592x2x128xi32, #tpu.memory_space<hbm>> -> memref<1x2x128xi32, #tpu.memory_space<hbm>>
      %dma_start3A_76 = tpu.memref_squeeze %dma_start3A_75 : memref<1x2x128xi32, #tpu.memory_space<hbm>> -> memref<2x128xi32, #tpu.memory_space<hbm>>
      tpu.enqueue_dma source(%dma_start3A_76 : memref<2x128xi32, #tpu.memory_space<hbm>>) target(%arg6 : memref<2x128xi32, #tpu.memory_space<vmem>>) target_semaphore(%run_scoped3A : memref<!tpu.dma_semaphore, #tpu.memory_space<semaphore_mem>>)
      %dma_wait3A = arith.constant 0 : i32
      %dma_wait3A_77 = arith.constant 0 : i32
      %dma_wait3A_78 = tpu.memref_slice %arg3[%add3A_38, %dma_wait3A, %dma_wait3A_77] : memref<2592x2x128xi32, #tpu.memory_space<hbm>> -> memref<1x2x128xi32, #tpu.memory_space<hbm>>
      %dma_wait3A_79 = tpu.memref_squeeze %dma_wait3A_78 : memref<1x2x128xi32, #tpu.memory_space<hbm>> -> memref<2x128xi32, #tpu.memory_space<hbm>>
      %dma_wait3A_80 = arith.constant 0 : i32
      %dma_wait3A_81 = arith.constant 0 : i32
      %dma_wait3A_82 = tpu.memref_slice %arg3[%add3A_38, %dma_wait3A_80, %dma_wait3A_81] : memref<2592x2x128xi32, #tpu.memory_space<hbm>> -> memref<1x2x128xi32, #tpu.memory_space<hbm>>
      %dma_wait3A_83 = tpu.memref_squeeze %dma_wait3A_82 : memref<1x2x128xi32, #tpu.memory_space<hbm>> -> memref<2x128xi32, #tpu.memory_space<hbm>>
      tpu.wait_dma2 semaphore(%run_scoped3A : memref<!tpu.dma_semaphore, #tpu.memory_space<semaphore_mem>>) src(%dma_wait3A_83 : memref<2x128xi32, #tpu.memory_space<hbm>>) dst(%arg6 : memref<2x128xi32, #tpu.memory_space<vmem>>)
      tpu.yield
    }) : () -> ()
    %dma_start3A_39 = arith.constant 0 : i32
    %dma_start3A_40 = arith.constant 0 : i32
    %dma_start3A_41 = tpu.memref_slice %arg6[%dma_start3A_39, %dma_start3A_40] : memref<2x128xi32, #tpu.memory_space<vmem>> -> memref<1x128xi32, #tpu.memory_space<vmem>>
    %dma_start3A_42 = tpu.memref_squeeze %dma_start3A_41 : memref<1x128xi32, #tpu.memory_space<vmem>> -> memref<128xi32, #tpu.memory_space<vmem>>
    %dma_start3A_43 = arith.constant 0 : i32
    %dma_start3A_44 = arith.constant 0 : i32
    %dma_start3A_45 = tpu.memref_slice %arg2[%dma_start3A_43, %dma_start3A_44] : memref<10112x128xf32, #tpu.memory_space<hbm>> -> memref<10112x128xf32, #tpu.memory_space<hbm>>
    tpu.enqueue_indirect_dma source(%dma_start3A_45 : memref<10112x128xf32, #tpu.memory_space<hbm>>) target(%arg9 : memref<128x128xf32, #tpu.memory_space<vmem>>) offsets(%dma_start3A_42 : memref<128xi32, #tpu.memory_space<vmem>>) semaphore(%arg13 : memref<!tpu.dma_semaphore, #tpu.memory_space<semaphore_mem>>)
    %add3A_46 = arith.constant 2 : i32
    %add3A_47 = arith.addi %mul3A_28, %add3A_46 : i32
    "tpu.region"() ({
      %run_scoped3A = tpu.sem_alloc : memref<!tpu.dma_semaphore, #tpu.memory_space<semaphore_mem>>
      %dma_start3A_69 = arith.constant 0 : i32
      %dma_start3A_70 = arith.constant 0 : i32
      %dma_start3A_71 = tpu.memref_slice %arg3[%add3A_47, %dma_start3A_69, %dma_start3A_70] : memref<2592x2x128xi32, #tpu.memory_space<hbm>> -> memref<1x2x128xi32, #tpu.memory_space<hbm>>
      %dma_start3A_72 = tpu.memref_squeeze %dma_start3A_71 : memref<1x2x128xi32, #tpu.memory_space<hbm>> -> memref<2x128xi32, #tpu.memory_space<hbm>>
      %dma_start3A_73 = arith.constant 0 : i32
      %dma_start3A_74 = arith.constant 0 : i32
      %dma_start3A_75 = tpu.memref_slice %arg3[%add3A_47, %dma_start3A_73, %dma_start3A_74] : memref<2592x2x128xi32, #tpu.memory_space<hbm>> -> memref<1x2x128xi32, #tpu.memory_space<hbm>>
      %dma_start3A_76 = tpu.memref_squeeze %dma_start3A_75 : memref<1x2x128xi32, #tpu.memory_space<hbm>> -> memref<2x128xi32, #tpu.memory_space<hbm>>
      tpu.enqueue_dma source(%dma_start3A_76 : memref<2x128xi32, #tpu.memory_space<hbm>>) target(%arg7 : memref<2x128xi32, #tpu.memory_space<vmem>>) target_semaphore(%run_scoped3A : memref<!tpu.dma_semaphore, #tpu.memory_space<semaphore_mem>>)
      %dma_wait3A = arith.constant 0 : i32
      %dma_wait3A_77 = arith.constant 0 : i32
      %dma_wait3A_78 = tpu.memref_slice %arg3[%add3A_47, %dma_wait3A, %dma_wait3A_77] : memref<2592x2x128xi32, #tpu.memory_space<hbm>> -> memref<1x2x128xi32, #tpu.memory_space<hbm>>
      %dma_wait3A_79 = tpu.memref_squeeze %dma_wait3A_78 : memref<1x2x128xi32, #tpu.memory_space<hbm>> -> memref<2x128xi32, #tpu.memory_space<hbm>>
      %dma_wait3A_80 = arith.constant 0 : i32
      %dma_wait3A_81 = arith.constant 0 : i32
      %dma_wait3A_82 = tpu.memref_slice %arg3[%add3A_47, %dma_wait3A_80, %dma_wait3A_81] : memref<2592x2x128xi32, #tpu.memory_space<hbm>> -> memref<1x2x128xi32, #tpu.memory_space<hbm>>
      %dma_wait3A_83 = tpu.memref_squeeze %dma_wait3A_82 : memref<1x2x128xi32, #tpu.memory_space<hbm>> -> memref<2x128xi32, #tpu.memory_space<hbm>>
      tpu.wait_dma2 semaphore(%run_scoped3A : memref<!tpu.dma_semaphore, #tpu.memory_space<semaphore_mem>>) src(%dma_wait3A_83 : memref<2x128xi32, #tpu.memory_space<hbm>>) dst(%arg7 : memref<2x128xi32, #tpu.memory_space<vmem>>)
      tpu.yield
    }) : () -> ()
    %dma_start3A_48 = arith.constant 0 : i32
    %dma_start3A_49 = arith.constant 0 : i32
    %dma_start3A_50 = tpu.memref_slice %arg7[%dma_start3A_48, %dma_start3A_49] : memref<2x128xi32, #tpu.memory_space<vmem>> -> memref<1x128xi32, #tpu.memory_space<vmem>>
    %dma_start3A_51 = tpu.memref_squeeze %dma_start3A_50 : memref<1x128xi32, #tpu.memory_space<vmem>> -> memref<128xi32, #tpu.memory_space<vmem>>
    %dma_start3A_52 = arith.constant 0 : i32
    %dma_start3A_53 = arith.constant 0 : i32
    %dma_start3A_54 = tpu.memref_slice %arg2[%dma_start3A_52, %dma_start3A_53] : memref<10112x128xf32, #tpu.memory_space<hbm>> -> memref<10112x128xf32, #tpu.memory_space<hbm>>
    tpu.enqueue_indirect_dma source(%dma_start3A_54 : memref<10112x128xf32, #tpu.memory_space<hbm>>) target(%arg10 : memref<128x128xf32, #tpu.memory_space<vmem>>) offsets(%dma_start3A_51 : memref<128xi32, #tpu.memory_space<vmem>>) semaphore(%arg14 : memref<!tpu.dma_semaphore, #tpu.memory_space<semaphore_mem>>)
    %scan3A_55 = arith.constant 0 : i32
    %scan3A_56 = arith.constant 0 : i32
    %scan3A_57 = arith.constant 27 : i32
    %scan3A_58 = arith.addi %scan3A_56, %scan3A_57 : i32
    %scan3A_59 = arith.constant 1 : i32
    scf.for %scan3A_69 = %scan3A_56 to %scan3A_58 step %scan3A_59  : i32 {
      %mul3A_70 = arith.constant 3 : i32
      %mul3A_71 = arith.muli %mul3A_70, %scan3A_69 : i32
      %add3A_72 = arith.addi %mul3A_28, %mul3A_71 : i32
      %dma_wait3A = arith.constant 0 : i32
      %dma_wait3A_73 = arith.constant 0 : i32
      %dma_wait3A_74 = tpu.memref_slice %arg5[%dma_wait3A, %dma_wait3A_73] : memref<2x128xi32, #tpu.memory_space<vmem>> -> memref<1x128xi32, #tpu.memory_space<vmem>>
      %dma_wait3A_75 = tpu.memref_squeeze %dma_wait3A_74 : memref<1x128xi32, #tpu.memory_space<vmem>> -> memref<128xi32, #tpu.memory_space<vmem>>
      %dma_wait3A_76 = arith.constant 0 : i32
      %dma_wait3A_77 = arith.constant 0 : i32
      %dma_wait3A_78 = tpu.memref_slice %arg2[%dma_wait3A_76, %dma_wait3A_77] : memref<10112x128xf32, #tpu.memory_space<hbm>> -> memref<10112x128xf32, #tpu.memory_space<hbm>>
      tpu.wait_indirect_dma semaphore(%arg12 : memref<!tpu.dma_semaphore, #tpu.memory_space<semaphore_mem>>) src(%dma_wait3A_78 : memref<10112x128xf32, #tpu.memory_space<hbm>>) dst(%arg8 : memref<128x128xf32, #tpu.memory_space<vmem>>)
      %dma_start3A_79 = arith.constant 1 : i32
      %dma_start3A_80 = arith.constant 0 : i32
      %dma_start3A_81 = tpu.memref_slice %arg5[%dma_start3A_79, %dma_start3A_80] : memref<2x128xi32, #tpu.memory_space<vmem>> -> memref<1x128xi32, #tpu.memory_space<vmem>>
      %dma_start3A_82 = tpu.memref_squeeze %dma_start3A_81 : memref<1x128xi32, #tpu.memory_space<vmem>> -> memref<128xi32, #tpu.memory_space<vmem>>
      %dma_start3A_83 = arith.constant 0 : i32
      %dma_start3A_84 = arith.constant 0 : i32
      %dma_start3A_85 = tpu.memref_slice %arg11[%dma_start3A_83, %dma_start3A_84] : memref<10112x128xf32, #tpu.memory_space<vmem_shared>> -> memref<10112x128xf32, #tpu.memory_space<vmem_shared>>
      tpu.enqueue_indirect_dma source(%arg8 : memref<128x128xf32, #tpu.memory_space<vmem>>) target(%dma_start3A_85 : memref<10112x128xf32, #tpu.memory_space<vmem_shared>>) offsets(%dma_start3A_82 : memref<128xi32, #tpu.memory_space<vmem>>) semaphore(%arg15 : memref<!tpu.dma_semaphore, #tpu.memory_space<semaphore_mem>>) {add = true}
      %dma_wait3A_86 = arith.constant 0 : i32
      %dma_wait3A_87 = arith.constant 0 : i32
      %dma_wait3A_88 = tpu.memref_slice %arg6[%dma_wait3A_86, %dma_wait3A_87] : memref<2x128xi32, #tpu.memory_space<vmem>> -> memref<1x128xi32, #tpu.memory_space<vmem>>
      %dma_wait3A_89 = tpu.memref_squeeze %dma_wait3A_88 : memref<1x128xi32, #tpu.memory_space<vmem>> -> memref<128xi32, #tpu.memory_space<vmem>>
      %dma_wait3A_90 = arith.constant 0 : i32
      %dma_wait3A_91 = arith.constant 0 : i32
      %dma_wait3A_92 = tpu.memref_slice %arg2[%dma_wait3A_90, %dma_wait3A_91] : memref<10112x128xf32, #tpu.memory_space<hbm>> -> memref<10112x128xf32, #tpu.memory_space<hbm>>
      tpu.wait_indirect_dma semaphore(%arg13 : memref<!tpu.dma_semaphore, #tpu.memory_space<semaphore_mem>>) src(%dma_wait3A_92 : memref<10112x128xf32, #tpu.memory_space<hbm>>) dst(%arg9 : memref<128x128xf32, #tpu.memory_space<vmem>>)
      %dma_start3A_93 = arith.constant 1 : i32
      %dma_start3A_94 = arith.constant 0 : i32
      %dma_start3A_95 = tpu.memref_slice %arg6[%dma_start3A_93, %dma_start3A_94] : memref<2x128xi32, #tpu.memory_space<vmem>> -> memref<1x128xi32, #tpu.memory_space<vmem>>
      %dma_start3A_96 = tpu.memref_squeeze %dma_start3A_95 : memref<1x128xi32, #tpu.memory_space<vmem>> -> memref<128xi32, #tpu.memory_space<vmem>>
      %dma_start3A_97 = arith.constant 0 : i32
      %dma_start3A_98 = arith.constant 0 : i32
      %dma_start3A_99 = tpu.memref_slice %arg11[%dma_start3A_97, %dma_start3A_98] : memref<10112x128xf32, #tpu.memory_space<vmem_shared>> -> memref<10112x128xf32, #tpu.memory_space<vmem_shared>>
      tpu.enqueue_indirect_dma source(%arg9 : memref<128x128xf32, #tpu.memory_space<vmem>>) target(%dma_start3A_99 : memref<10112x128xf32, #tpu.memory_space<vmem_shared>>) offsets(%dma_start3A_96 : memref<128xi32, #tpu.memory_space<vmem>>) semaphore(%arg16 : memref<!tpu.dma_semaphore, #tpu.memory_space<semaphore_mem>>) {add = true}
      %dma_wait3A_100 = arith.constant 0 : i32
      %dma_wait3A_101 = arith.constant 0 : i32
      %dma_wait3A_102 = tpu.memref_slice %arg7[%dma_wait3A_100, %dma_wait3A_101] : memref<2x128xi32, #tpu.memory_space<vmem>> -> memref<1x128xi32, #tpu.memory_space<vmem>>
      %dma_wait3A_103 = tpu.memref_squeeze %dma_wait3A_102 : memref<1x128xi32, #tpu.memory_space<vmem>> -> memref<128xi32, #tpu.memory_space<vmem>>
      %dma_wait3A_104 = arith.constant 0 : i32
      %dma_wait3A_105 = arith.constant 0 : i32
      %dma_wait3A_106 = tpu.memref_slice %arg2[%dma_wait3A_104, %dma_wait3A_105] : memref<10112x128xf32, #tpu.memory_space<hbm>> -> memref<10112x128xf32, #tpu.memory_space<hbm>>
      tpu.wait_indirect_dma semaphore(%arg14 : memref<!tpu.dma_semaphore, #tpu.memory_space<semaphore_mem>>) src(%dma_wait3A_106 : memref<10112x128xf32, #tpu.memory_space<hbm>>) dst(%arg10 : memref<128x128xf32, #tpu.memory_space<vmem>>)
      %dma_start3A_107 = arith.constant 1 : i32
      %dma_start3A_108 = arith.constant 0 : i32
      %dma_start3A_109 = tpu.memref_slice %arg7[%dma_start3A_107, %dma_start3A_108] : memref<2x128xi32, #tpu.memory_space<vmem>> -> memref<1x128xi32, #tpu.memory_space<vmem>>
      %dma_start3A_110 = tpu.memref_squeeze %dma_start3A_109 : memref<1x128xi32, #tpu.memory_space<vmem>> -> memref<128xi32, #tpu.memory_space<vmem>>
      %dma_start3A_111 = arith.constant 0 : i32
      %dma_start3A_112 = arith.constant 0 : i32
      %dma_start3A_113 = tpu.memref_slice %arg11[%dma_start3A_111, %dma_start3A_112] : memref<10112x128xf32, #tpu.memory_space<vmem_shared>> -> memref<10112x128xf32, #tpu.memory_space<vmem_shared>>
      tpu.enqueue_indirect_dma source(%arg10 : memref<128x128xf32, #tpu.memory_space<vmem>>) target(%dma_start3A_113 : memref<10112x128xf32, #tpu.memory_space<vmem_shared>>) offsets(%dma_start3A_110 : memref<128xi32, #tpu.memory_space<vmem>>) semaphore(%arg17 : memref<!tpu.dma_semaphore, #tpu.memory_space<semaphore_mem>>) {add = true}
      %dma_wait3A_114 = arith.constant 1 : i32
      %dma_wait3A_115 = arith.constant 0 : i32
      %dma_wait3A_116 = tpu.memref_slice %arg5[%dma_wait3A_114, %dma_wait3A_115] : memref<2x128xi32, #tpu.memory_space<vmem>> -> memref<1x128xi32, #tpu.memory_space<vmem>>
      %dma_wait3A_117 = tpu.memref_squeeze %dma_wait3A_116 : memref<1x128xi32, #tpu.memory_space<vmem>> -> memref<128xi32, #tpu.memory_space<vmem>>
      %dma_wait3A_118 = arith.constant 0 : i32
      %dma_wait3A_119 = arith.constant 0 : i32
      %dma_wait3A_120 = tpu.memref_slice %arg11[%dma_wait3A_118, %dma_wait3A_119] : memref<10112x128xf32, #tpu.memory_space<vmem_shared>> -> memref<10112x128xf32, #tpu.memory_space<vmem_shared>>
      tpu.wait_indirect_dma semaphore(%arg15 : memref<!tpu.dma_semaphore, #tpu.memory_space<semaphore_mem>>) src(%arg8 : memref<128x128xf32, #tpu.memory_space<vmem>>) dst(%dma_wait3A_120 : memref<10112x128xf32, #tpu.memory_space<vmem_shared>>)
      %add3A_121 = arith.constant 1 : i32
      %add3A_122 = arith.addi %scan3A_69, %add3A_121 : i32
      %lt3A = arith.constant 27 : i32
      %lt3A_123 = arith.cmpi slt, %add3A_122, %lt3A : i32
      %convert_element_type3A = arith.extui %lt3A_123 : i1 to i32
      %cond3A = arith.constant 0 : i32
      %cond3A_124 = arith.cmpi ne, %convert_element_type3A, %cond3A : i32
      scf.if %cond3A_124 {
        %add3A_153 = arith.constant 0 : i32
        %add3A_154 = arith.addi %add3A_72, %add3A_153 : i32
        %add3A_155 = arith.constant 3 : i32
        %add3A_156 = arith.addi %add3A_154, %add3A_155 : i32
        "tpu.region"() ({
          %run_scoped3A = tpu.sem_alloc : memref<!tpu.dma_semaphore, #tpu.memory_space<semaphore_mem>>
          %dma_start3A_164 = arith.constant 0 : i32
          %dma_start3A_165 = arith.constant 0 : i32
          %dma_start3A_166 = tpu.memref_slice %arg3[%add3A_156, %dma_start3A_164, %dma_start3A_165] : memref<2592x2x128xi32, #tpu.memory_space<hbm>> -> memref<1x2x128xi32, #tpu.memory_space<hbm>>
          %dma_start3A_167 = tpu.memref_squeeze %dma_start3A_166 : memref<1x2x128xi32, #tpu.memory_space<hbm>> -> memref<2x128xi32, #tpu.memory_space<hbm>>
          %dma_start3A_168 = arith.constant 0 : i32
          %dma_start3A_169 = arith.constant 0 : i32
          %dma_start3A_170 = tpu.memref_slice %arg3[%add3A_156, %dma_start3A_168, %dma_start3A_169] : memref<2592x2x128xi32, #tpu.memory_space<hbm>> -> memref<1x2x128xi32, #tpu.memory_space<hbm>>
          %dma_start3A_171 = tpu.memref_squeeze %dma_start3A_170 : memref<1x2x128xi32, #tpu.memory_space<hbm>> -> memref<2x128xi32, #tpu.memory_space<hbm>>
          tpu.enqueue_dma source(%dma_start3A_171 : memref<2x128xi32, #tpu.memory_space<hbm>>) target(%arg5 : memref<2x128xi32, #tpu.memory_space<vmem>>) target_semaphore(%run_scoped3A : memref<!tpu.dma_semaphore, #tpu.memory_space<semaphore_mem>>)
          %dma_wait3A_172 = arith.constant 0 : i32
          %dma_wait3A_173 = arith.constant 0 : i32
          %dma_wait3A_174 = tpu.memref_slice %arg3[%add3A_156, %dma_wait3A_172, %dma_wait3A_173] : memref<2592x2x128xi32, #tpu.memory_space<hbm>> -> memref<1x2x128xi32, #tpu.memory_space<hbm>>
          %dma_wait3A_175 = tpu.memref_squeeze %dma_wait3A_174 : memref<1x2x128xi32, #tpu.memory_space<hbm>> -> memref<2x128xi32, #tpu.memory_space<hbm>>
          %dma_wait3A_176 = arith.constant 0 : i32
          %dma_wait3A_177 = arith.constant 0 : i32
          %dma_wait3A_178 = tpu.memref_slice %arg3[%add3A_156, %dma_wait3A_176, %dma_wait3A_177] : memref<2592x2x128xi32, #tpu.memory_space<hbm>> -> memref<1x2x128xi32, #tpu.memory_space<hbm>>
          %dma_wait3A_179 = tpu.memref_squeeze %dma_wait3A_178 : memref<1x2x128xi32, #tpu.memory_space<hbm>> -> memref<2x128xi32, #tpu.memory_space<hbm>>
          tpu.wait_dma2 semaphore(%run_scoped3A : memref<!tpu.dma_semaphore, #tpu.memory_space<semaphore_mem>>) src(%dma_wait3A_179 : memref<2x128xi32, #tpu.memory_space<hbm>>) dst(%arg5 : memref<2x128xi32, #tpu.memory_space<vmem>>)
          tpu.yield
        }) : () -> ()
        %dma_start3A_157 = arith.constant 0 : i32
        %dma_start3A_158 = arith.constant 0 : i32
        %dma_start3A_159 = tpu.memref_slice %arg5[%dma_start3A_157, %dma_start3A_158] : memref<2x128xi32, #tpu.memory_space<vmem>> -> memref<1x128xi32, #tpu.memory_space<vmem>>
        %dma_start3A_160 = tpu.memref_squeeze %dma_start3A_159 : memref<1x128xi32, #tpu.memory_space<vmem>> -> memref<128xi32, #tpu.memory_space<vmem>>
        %dma_start3A_161 = arith.constant 0 : i32
        %dma_start3A_162 = arith.constant 0 : i32
        %dma_start3A_163 = tpu.memref_slice %arg2[%dma_start3A_161, %dma_start3A_162] : memref<10112x128xf32, #tpu.memory_space<hbm>> -> memref<10112x128xf32, #tpu.memory_space<hbm>>
        tpu.enqueue_indirect_dma source(%dma_start3A_163 : memref<10112x128xf32, #tpu.memory_space<hbm>>) target(%arg8 : memref<128x128xf32, #tpu.memory_space<vmem>>) offsets(%dma_start3A_160 : memref<128xi32, #tpu.memory_space<vmem>>) semaphore(%arg12 : memref<!tpu.dma_semaphore, #tpu.memory_space<semaphore_mem>>)
      } else {
      }
      %dma_wait3A_125 = arith.constant 1 : i32
      %dma_wait3A_126 = arith.constant 0 : i32
      %dma_wait3A_127 = tpu.memref_slice %arg6[%dma_wait3A_125, %dma_wait3A_126] : memref<2x128xi32, #tpu.memory_space<vmem>> -> memref<1x128xi32, #tpu.memory_space<vmem>>
      %dma_wait3A_128 = tpu.memref_squeeze %dma_wait3A_127 : memref<1x128xi32, #tpu.memory_space<vmem>> -> memref<128xi32, #tpu.memory_space<vmem>>
      %dma_wait3A_129 = arith.constant 0 : i32
      %dma_wait3A_130 = arith.constant 0 : i32
      %dma_wait3A_131 = tpu.memref_slice %arg11[%dma_wait3A_129, %dma_wait3A_130] : memref<10112x128xf32, #tpu.memory_space<vmem_shared>> -> memref<10112x128xf32, #tpu.memory_space<vmem_shared>>
      tpu.wait_indirect_dma semaphore(%arg16 : memref<!tpu.dma_semaphore, #tpu.memory_space<semaphore_mem>>) src(%arg9 : memref<128x128xf32, #tpu.memory_space<vmem>>) dst(%dma_wait3A_131 : memref<10112x128xf32, #tpu.memory_space<vmem_shared>>)
      %add3A_132 = arith.constant 1 : i32
      %add3A_133 = arith.addi %scan3A_69, %add3A_132 : i32
      %lt3A_134 = arith.constant 27 : i32
      %lt3A_135 = arith.cmpi slt, %add3A_133, %lt3A_134 : i32
      %convert_element_type3A_136 = arith.extui %lt3A_135 : i1 to i32
      %cond3A_137 = arith.constant 0 : i32
      %cond3A_138 = arith.cmpi ne, %convert_element_type3A_136, %cond3A_137 : i32
      scf.if %cond3A_138 {
        %add3A_153 = arith.constant 1 : i32
        %add3A_154 = arith.addi %add3A_72, %add3A_153 : i32
        %add3A_155 = arith.constant 3 : i32
        %add3A_156 = arith.addi %add3A_154, %add3A_155 : i32
        "tpu.region"() ({
          %run_scoped3A = tpu.sem_alloc : memref<!tpu.dma_semaphore, #tpu.memory_space<semaphore_mem>>
          %dma_start3A_164 = arith.constant 0 : i32
          %dma_start3A_165 = arith.constant 0 : i32
          %dma_start3A_166 = tpu.memref_slice %arg3[%add3A_156, %dma_start3A_164, %dma_start3A_165] : memref<2592x2x128xi32, #tpu.memory_space<hbm>> -> memref<1x2x128xi32, #tpu.memory_space<hbm>>
          %dma_start3A_167 = tpu.memref_squeeze %dma_start3A_166 : memref<1x2x128xi32, #tpu.memory_space<hbm>> -> memref<2x128xi32, #tpu.memory_space<hbm>>
          %dma_start3A_168 = arith.constant 0 : i32
          %dma_start3A_169 = arith.constant 0 : i32
          %dma_start3A_170 = tpu.memref_slice %arg3[%add3A_156, %dma_start3A_168, %dma_start3A_169] : memref<2592x2x128xi32, #tpu.memory_space<hbm>> -> memref<1x2x128xi32, #tpu.memory_space<hbm>>
          %dma_start3A_171 = tpu.memref_squeeze %dma_start3A_170 : memref<1x2x128xi32, #tpu.memory_space<hbm>> -> memref<2x128xi32, #tpu.memory_space<hbm>>
          tpu.enqueue_dma source(%dma_start3A_171 : memref<2x128xi32, #tpu.memory_space<hbm>>) target(%arg6 : memref<2x128xi32, #tpu.memory_space<vmem>>) target_semaphore(%run_scoped3A : memref<!tpu.dma_semaphore, #tpu.memory_space<semaphore_mem>>)
          %dma_wait3A_172 = arith.constant 0 : i32
          %dma_wait3A_173 = arith.constant 0 : i32
          %dma_wait3A_174 = tpu.memref_slice %arg3[%add3A_156, %dma_wait3A_172, %dma_wait3A_173] : memref<2592x2x128xi32, #tpu.memory_space<hbm>> -> memref<1x2x128xi32, #tpu.memory_space<hbm>>
          %dma_wait3A_175 = tpu.memref_squeeze %dma_wait3A_174 : memref<1x2x128xi32, #tpu.memory_space<hbm>> -> memref<2x128xi32, #tpu.memory_space<hbm>>
          %dma_wait3A_176 = arith.constant 0 : i32
          %dma_wait3A_177 = arith.constant 0 : i32
          %dma_wait3A_178 = tpu.memref_slice %arg3[%add3A_156, %dma_wait3A_176, %dma_wait3A_177] : memref<2592x2x128xi32, #tpu.memory_space<hbm>> -> memref<1x2x128xi32, #tpu.memory_space<hbm>>
          %dma_wait3A_179 = tpu.memref_squeeze %dma_wait3A_178 : memref<1x2x128xi32, #tpu.memory_space<hbm>> -> memref<2x128xi32, #tpu.memory_space<hbm>>
          tpu.wait_dma2 semaphore(%run_scoped3A : memref<!tpu.dma_semaphore, #tpu.memory_space<semaphore_mem>>) src(%dma_wait3A_179 : memref<2x128xi32, #tpu.memory_space<hbm>>) dst(%arg6 : memref<2x128xi32, #tpu.memory_space<vmem>>)
          tpu.yield
        }) : () -> ()
        %dma_start3A_157 = arith.constant 0 : i32
        %dma_start3A_158 = arith.constant 0 : i32
        %dma_start3A_159 = tpu.memref_slice %arg6[%dma_start3A_157, %dma_start3A_158] : memref<2x128xi32, #tpu.memory_space<vmem>> -> memref<1x128xi32, #tpu.memory_space<vmem>>
        %dma_start3A_160 = tpu.memref_squeeze %dma_start3A_159 : memref<1x128xi32, #tpu.memory_space<vmem>> -> memref<128xi32, #tpu.memory_space<vmem>>
        %dma_start3A_161 = arith.constant 0 : i32
        %dma_start3A_162 = arith.constant 0 : i32
        %dma_start3A_163 = tpu.memref_slice %arg2[%dma_start3A_161, %dma_start3A_162] : memref<10112x128xf32, #tpu.memory_space<hbm>> -> memref<10112x128xf32, #tpu.memory_space<hbm>>
        tpu.enqueue_indirect_dma source(%dma_start3A_163 : memref<10112x128xf32, #tpu.memory_space<hbm>>) target(%arg9 : memref<128x128xf32, #tpu.memory_space<vmem>>) offsets(%dma_start3A_160 : memref<128xi32, #tpu.memory_space<vmem>>) semaphore(%arg13 : memref<!tpu.dma_semaphore, #tpu.memory_space<semaphore_mem>>)
      } else {
      }
      %dma_wait3A_139 = arith.constant 1 : i32
      %dma_wait3A_140 = arith.constant 0 : i32
      %dma_wait3A_141 = tpu.memref_slice %arg7[%dma_wait3A_139, %dma_wait3A_140] : memref<2x128xi32, #tpu.memory_space<vmem>> -> memref<1x128xi32, #tpu.memory_space<vmem>>
      %dma_wait3A_142 = tpu.memref_squeeze %dma_wait3A_141 : memref<1x128xi32, #tpu.memory_space<vmem>> -> memref<128xi32, #tpu.memory_space<vmem>>
      %dma_wait3A_143 = arith.constant 0 : i32
      %dma_wait3A_144 = arith.constant 0 : i32
      %dma_wait3A_145 = tpu.memref_slice %arg11[%dma_wait3A_143, %dma_wait3A_144] : memref<10112x128xf32, #tpu.memory_space<vmem_shared>> -> memref<10112x128xf32, #tpu.memory_space<vmem_shared>>
      tpu.wait_indirect_dma semaphore(%arg17 : memref<!tpu.dma_semaphore, #tpu.memory_space<semaphore_mem>>) src(%arg10 : memref<128x128xf32, #tpu.memory_space<vmem>>) dst(%dma_wait3A_145 : memref<10112x128xf32, #tpu.memory_space<vmem_shared>>)
      %add3A_146 = arith.constant 1 : i32
      %add3A_147 = arith.addi %scan3A_69, %add3A_146 : i32
      %lt3A_148 = arith.constant 27 : i32
      %lt3A_149 = arith.cmpi slt, %add3A_147, %lt3A_148 : i32
      %convert_element_type3A_150 = arith.extui %lt3A_149 : i1 to i32
      %cond3A_151 = arith.constant 0 : i32
      %cond3A_152 = arith.cmpi ne, %convert_element_type3A_150, %cond3A_151 : i32
      scf.if %cond3A_152 {
        %add3A_153 = arith.constant 2 : i32
        %add3A_154 = arith.addi %add3A_72, %add3A_153 : i32
        %add3A_155 = arith.constant 3 : i32
        %add3A_156 = arith.addi %add3A_154, %add3A_155 : i32
        "tpu.region"() ({
          %run_scoped3A = tpu.sem_alloc : memref<!tpu.dma_semaphore, #tpu.memory_space<semaphore_mem>>
          %dma_start3A_164 = arith.constant 0 : i32
          %dma_start3A_165 = arith.constant 0 : i32
          %dma_start3A_166 = tpu.memref_slice %arg3[%add3A_156, %dma_start3A_164, %dma_start3A_165] : memref<2592x2x128xi32, #tpu.memory_space<hbm>> -> memref<1x2x128xi32, #tpu.memory_space<hbm>>
          %dma_start3A_167 = tpu.memref_squeeze %dma_start3A_166 : memref<1x2x128xi32, #tpu.memory_space<hbm>> -> memref<2x128xi32, #tpu.memory_space<hbm>>
          %dma_start3A_168 = arith.constant 0 : i32
          %dma_start3A_169 = arith.constant 0 : i32
          %dma_start3A_170 = tpu.memref_slice %arg3[%add3A_156, %dma_start3A_168, %dma_start3A_169] : memref<2592x2x128xi32, #tpu.memory_space<hbm>> -> memref<1x2x128xi32, #tpu.memory_space<hbm>>
          %dma_start3A_171 = tpu.memref_squeeze %dma_start3A_170 : memref<1x2x128xi32, #tpu.memory_space<hbm>> -> memref<2x128xi32, #tpu.memory_space<hbm>>
          tpu.enqueue_dma source(%dma_start3A_171 : memref<2x128xi32, #tpu.memory_space<hbm>>) target(%arg7 : memref<2x128xi32, #tpu.memory_space<vmem>>) target_semaphore(%run_scoped3A : memref<!tpu.dma_semaphore, #tpu.memory_space<semaphore_mem>>)
          %dma_wait3A_172 = arith.constant 0 : i32
          %dma_wait3A_173 = arith.constant 0 : i32
          %dma_wait3A_174 = tpu.memref_slice %arg3[%add3A_156, %dma_wait3A_172, %dma_wait3A_173] : memref<2592x2x128xi32, #tpu.memory_space<hbm>> -> memref<1x2x128xi32, #tpu.memory_space<hbm>>
          %dma_wait3A_175 = tpu.memref_squeeze %dma_wait3A_174 : memref<1x2x128xi32, #tpu.memory_space<hbm>> -> memref<2x128xi32, #tpu.memory_space<hbm>>
          %dma_wait3A_176 = arith.constant 0 : i32
          %dma_wait3A_177 = arith.constant 0 : i32
          %dma_wait3A_178 = tpu.memref_slice %arg3[%add3A_156, %dma_wait3A_176, %dma_wait3A_177] : memref<2592x2x128xi32, #tpu.memory_space<hbm>> -> memref<1x2x128xi32, #tpu.memory_space<hbm>>
          %dma_wait3A_179 = tpu.memref_squeeze %dma_wait3A_178 : memref<1x2x128xi32, #tpu.memory_space<hbm>> -> memref<2x128xi32, #tpu.memory_space<hbm>>
          tpu.wait_dma2 semaphore(%run_scoped3A : memref<!tpu.dma_semaphore, #tpu.memory_space<semaphore_mem>>) src(%dma_wait3A_179 : memref<2x128xi32, #tpu.memory_space<hbm>>) dst(%arg7 : memref<2x128xi32, #tpu.memory_space<vmem>>)
          tpu.yield
        }) : () -> ()
        %dma_start3A_157 = arith.constant 0 : i32
        %dma_start3A_158 = arith.constant 0 : i32
        %dma_start3A_159 = tpu.memref_slice %arg7[%dma_start3A_157, %dma_start3A_158] : memref<2x128xi32, #tpu.memory_space<vmem>> -> memref<1x128xi32, #tpu.memory_space<vmem>>
        %dma_start3A_160 = tpu.memref_squeeze %dma_start3A_159 : memref<1x128xi32, #tpu.memory_space<vmem>> -> memref<128xi32, #tpu.memory_space<vmem>>
        %dma_start3A_161 = arith.constant 0 : i32
        %dma_start3A_162 = arith.constant 0 : i32
        %dma_start3A_163 = tpu.memref_slice %arg2[%dma_start3A_161, %dma_start3A_162] : memref<10112x128xf32, #tpu.memory_space<hbm>> -> memref<10112x128xf32, #tpu.memory_space<hbm>>
        tpu.enqueue_indirect_dma source(%dma_start3A_163 : memref<10112x128xf32, #tpu.memory_space<hbm>>) target(%arg10 : memref<128x128xf32, #tpu.memory_space<vmem>>) offsets(%dma_start3A_160 : memref<128xi32, #tpu.memory_space<vmem>>) semaphore(%arg14 : memref<!tpu.dma_semaphore, #tpu.memory_space<semaphore_mem>>)
      } else {
      }
    }
    %scan3A_60 = arith.constant 27 : i32
    %barrier3A_61 = arith.constant 0 : index
    tpu.barrier barrier_id(%barrier3A_61)
    %mul3A_62 = arith.constant 632 : i32
    %mul3A_63 = arith.muli %arg1, %mul3A_62 : i32
    %mul3A_64 = arith.constant 10112 : i32
    %mul3A_65 = arith.muli %arg0, %mul3A_64 : i32
    %mul3A_66 = arith.constant 632 : i32
    %mul3A_67 = arith.muli %arg1, %mul3A_66 : i32
    %add3A_68 = arith.addi %mul3A_65, %mul3A_67 : i32
    "tpu.region"() ({
      %run_scoped3A = tpu.sem_alloc : memref<!tpu.dma_semaphore, #tpu.memory_space<semaphore_mem>>
      %dma_start3A_69 = arith.constant 0 : i32
      %dma_start3A_70 = tpu.memref_slice %arg4[%add3A_68, %dma_start3A_69] : memref<20224x128xf32, #tpu.memory_space<hbm>> -> memref<632x128xf32, #tpu.memory_space<hbm>>
      %dma_start3A_71 = arith.constant 0 : i32
      %dma_start3A_72 = tpu.memref_slice %arg11[%mul3A_63, %dma_start3A_71] : memref<10112x128xf32, #tpu.memory_space<vmem_shared>> -> memref<632x128xf32, #tpu.memory_space<vmem_shared>>
      tpu.enqueue_dma source(%dma_start3A_72 : memref<632x128xf32, #tpu.memory_space<vmem_shared>>) target(%dma_start3A_70 : memref<632x128xf32, #tpu.memory_space<hbm>>) target_semaphore(%run_scoped3A : memref<!tpu.dma_semaphore, #tpu.memory_space<semaphore_mem>>)
      %dma_wait3A = arith.constant 0 : i32
      %dma_wait3A_73 = tpu.memref_slice %arg4[%add3A_68, %dma_wait3A] : memref<20224x128xf32, #tpu.memory_space<hbm>> -> memref<632x128xf32, #tpu.memory_space<hbm>>
      %dma_wait3A_74 = arith.constant 0 : i32
      %dma_wait3A_75 = tpu.memref_slice %arg11[%mul3A_63, %dma_wait3A_74] : memref<10112x128xf32, #tpu.memory_space<vmem_shared>> -> memref<632x128xf32, #tpu.memory_space<vmem_shared>>
      tpu.wait_dma2 semaphore(%run_scoped3A : memref<!tpu.dma_semaphore, #tpu.memory_space<semaphore_mem>>) src(%dma_wait3A_75 : memref<632x128xf32, #tpu.memory_space<vmem_shared>>) dst(%dma_wait3A_73 : memref<632x128xf32, #tpu.memory_space<hbm>>)
      tpu.yield
    }) : () -> ()
    return
  }
}

#map = affine_map<(d0, d1) -> (0, 0)>
#map1 = affine_map<(d0, d1) -> (0, 0, 0)>
module attributes {stable_mosaic.version = 14 : i64} {
  func.func @_sc_round_body(%arg0: i32, %arg1: i32, %arg2: memref<10112x128xf32, #tpu.memory_space<hbm>>, %arg3: memref<2592x2x128xi32, #tpu.memory_space<hbm>>, %arg4: memref<20224x128xf32, #tpu.memory_space<hbm>>, %arg5: memref<2x128xi32, #tpu.memory_space<vmem>>, %arg6: memref<2x128xi32, #tpu.memory_space<vmem>>, %arg7: memref<2x128xi32, #tpu.memory_space<vmem>>, %arg8: memref<128x128xf32, #tpu.memory_space<vmem>>, %arg9: memref<128x128xf32, #tpu.memory_space<vmem>>, %arg10: memref<128x128xf32, #tpu.memory_space<vmem>>, %arg11: memref<10112x128xf32, #tpu.memory_space<vmem_shared>>, %arg12: memref<!tpu.dma_semaphore, #tpu.memory_space<semaphore_mem>>, %arg13: memref<!tpu.dma_semaphore, #tpu.memory_space<semaphore_mem>>, %arg14: memref<!tpu.dma_semaphore, #tpu.memory_space<semaphore_mem>>, %arg15: memref<!tpu.dma_semaphore, #tpu.memory_space<semaphore_mem>>, %arg16: memref<!tpu.dma_semaphore, #tpu.memory_space<semaphore_mem>>, %arg17: memref<!tpu.dma_semaphore, #tpu.memory_space<semaphore_mem>>) attributes {dimension_semantics = [#tpu.dimension_semantics<core_parallel>, #tpu.dimension_semantics<subcore_parallel>], iteration_bounds = array<i64: 2, 16>, scalar_prefetch = 0 : i64, scratch_operands = 13 : i64, tpu.core_type = #tpu.core_type<sc_vector_subcore>, window_params = [{transform_indices = #map}, {transform_indices = #map1}, {transform_indices = #map}]} {
    %broadcast_in_dim3A = arith.constant 0.000000e+00 : f32
    %broadcast_in_dim3A_0 = vector.broadcast %broadcast_in_dim3A : f32 to vector<16xf32>
    %scan3A = arith.constant 0 : i32
    %scan3A_1 = arith.constant 0 : i32
    %scan3A_2 = arith.constant 128 : i32
    %scan3A_3 = arith.addi %scan3A_1, %scan3A_2 : i32
    %scan3A_4 = arith.constant 1 : i32
    scf.for %scan3A_69 = %scan3A_1 to %scan3A_3 step %scan3A_4  : i32 {
      %swap3A = arith.index_cast %scan3A_69 : i32 to index
      %swap3A_70 = arith.constant 0 : index
      %swap3A_71 = tpu.vector_load %arg8[%swap3A, %swap3A_70] {strides = array<i32>} : memref<128x128xf32, #tpu.memory_space<vmem>>, vector<1x16xf32>,
      %swap3A_72 = vector.shape_cast %swap3A_71 : vector<1x16xf32> to vector<16xf32>
      %swap3A_73 = vector.shape_cast %broadcast_in_dim3A_0 : vector<16xf32> to vector<1x16xf32>
      tpu.vector_store %arg8[%swap3A, %swap3A_70], %swap3A_73 {strides = array<i32>} : memref<128x128xf32, #tpu.memory_space<vmem>>, vector<1x16xf32>,
      %swap3A_74 = arith.index_cast %scan3A_69 : i32 to index
      %swap3A_75 = arith.constant 16 : index
      %swap3A_76 = tpu.vector_load %arg8[%swap3A_74, %swap3A_75] {strides = array<i32>} : memref<128x128xf32, #tpu.memory_space<vmem>>, vector<1x16xf32>,
      %swap3A_77 = vector.shape_cast %swap3A_76 : vector<1x16xf32> to vector<16xf32>
      %swap3A_78 = vector.shape_cast %broadcast_in_dim3A_0 : vector<16xf32> to vector<1x16xf32>
      tpu.vector_store %arg8[%swap3A_74, %swap3A_75], %swap3A_78 {strides = array<i32>} : memref<128x128xf32, #tpu.memory_space<vmem>>, vector<1x16xf32>,
      %swap3A_79 = arith.index_cast %scan3A_69 : i32 to index
      %swap3A_80 = arith.constant 32 : index
      %swap3A_81 = tpu.vector_load %arg8[%swap3A_79, %swap3A_80] {strides = array<i32>} : memref<128x128xf32, #tpu.memory_space<vmem>>, vector<1x16xf32>,
      %swap3A_82 = vector.shape_cast %swap3A_81 : vector<1x16xf32> to vector<16xf32>
      %swap3A_83 = vector.shape_cast %broadcast_in_dim3A_0 : vector<16xf32> to vector<1x16xf32>
      tpu.vector_store %arg8[%swap3A_79, %swap3A_80], %swap3A_83 {strides = array<i32>} : memref<128x128xf32, #tpu.memory_space<vmem>>, vector<1x16xf32>,
      %swap3A_84 = arith.index_cast %scan3A_69 : i32 to index
      %swap3A_85 = arith.constant 48 : index
      %swap3A_86 = tpu.vector_load %arg8[%swap3A_84, %swap3A_85] {strides = array<i32>} : memref<128x128xf32, #tpu.memory_space<vmem>>, vector<1x16xf32>,
      %swap3A_87 = vector.shape_cast %swap3A_86 : vector<1x16xf32> to vector<16xf32>
      %swap3A_88 = vector.shape_cast %broadcast_in_dim3A_0 : vector<16xf32> to vector<1x16xf32>
      tpu.vector_store %arg8[%swap3A_84, %swap3A_85], %swap3A_88 {strides = array<i32>} : memref<128x128xf32, #tpu.memory_space<vmem>>, vector<1x16xf32>,
      %swap3A_89 = arith.index_cast %scan3A_69 : i32 to index
      %swap3A_90 = arith.constant 64 : index
      %swap3A_91 = tpu.vector_load %arg8[%swap3A_89, %swap3A_90] {strides = array<i32>} : memref<128x128xf32, #tpu.memory_space<vmem>>, vector<1x16xf32>,
      %swap3A_92 = vector.shape_cast %swap3A_91 : vector<1x16xf32> to vector<16xf32>
      %swap3A_93 = vector.shape_cast %broadcast_in_dim3A_0 : vector<16xf32> to vector<1x16xf32>
      tpu.vector_store %arg8[%swap3A_89, %swap3A_90], %swap3A_93 {strides = array<i32>} : memref<128x128xf32, #tpu.memory_space<vmem>>, vector<1x16xf32>,
      %swap3A_94 = arith.index_cast %scan3A_69 : i32 to index
      %swap3A_95 = arith.constant 80 : index
      %swap3A_96 = tpu.vector_load %arg8[%swap3A_94, %swap3A_95] {strides = array<i32>} : memref<128x128xf32, #tpu.memory_space<vmem>>, vector<1x16xf32>,
      %swap3A_97 = vector.shape_cast %swap3A_96 : vector<1x16xf32> to vector<16xf32>
      %swap3A_98 = vector.shape_cast %broadcast_in_dim3A_0 : vector<16xf32> to vector<1x16xf32>
      tpu.vector_store %arg8[%swap3A_94, %swap3A_95], %swap3A_98 {strides = array<i32>} : memref<128x128xf32, #tpu.memory_space<vmem>>, vector<1x16xf32>,
      %swap3A_99 = arith.index_cast %scan3A_69 : i32 to index
      %swap3A_100 = arith.constant 96 : index
      %swap3A_101 = tpu.vector_load %arg8[%swap3A_99, %swap3A_100] {strides = array<i32>} : memref<128x128xf32, #tpu.memory_space<vmem>>, vector<1x16xf32>,
      %swap3A_102 = vector.shape_cast %swap3A_101 : vector<1x16xf32> to vector<16xf32>
      %swap3A_103 = vector.shape_cast %broadcast_in_dim3A_0 : vector<16xf32> to vector<1x16xf32>
      tpu.vector_store %arg8[%swap3A_99, %swap3A_100], %swap3A_103 {strides = array<i32>} : memref<128x128xf32, #tpu.memory_space<vmem>>, vector<1x16xf32>,
      %swap3A_104 = arith.index_cast %scan3A_69 : i32 to index
      %swap3A_105 = arith.constant 112 : index
      %swap3A_106 = tpu.vector_load %arg8[%swap3A_104, %swap3A_105] {strides = array<i32>} : memref<128x128xf32, #tpu.memory_space<vmem>>, vector<1x16xf32>,
      %swap3A_107 = vector.shape_cast %swap3A_106 : vector<1x16xf32> to vector<16xf32>
      %swap3A_108 = vector.shape_cast %broadcast_in_dim3A_0 : vector<16xf32> to vector<1x16xf32>
      tpu.vector_store %arg8[%swap3A_104, %swap3A_105], %swap3A_108 {strides = array<i32>} : memref<128x128xf32, #tpu.memory_space<vmem>>, vector<1x16xf32>,
    }
    %scan3A_5 = arith.constant 128 : i32
    %mul3A = arith.constant 632 : i32
    %mul3A_6 = arith.muli %arg1, %mul3A : i32
    %add3A = arith.constant 0 : i32
    %add3A_7 = arith.addi %mul3A_6, %add3A : i32
    "tpu.region"() ({
      %run_scoped3A = tpu.sem_alloc : memref<!tpu.dma_semaphore, #tpu.memory_space<semaphore_mem>>
      %dma_start3A_69 = arith.constant 0 : i32
      %dma_start3A_70 = arith.constant 0 : i32
      %dma_start3A_71 = tpu.memref_slice %arg8[%dma_start3A_69, %dma_start3A_70] : memref<128x128xf32, #tpu.memory_space<vmem>> -> memref<128x128xf32, #tpu.memory_space<vmem>>
      %dma_start3A_72 = arith.constant 0 : i32
      %dma_start3A_73 = tpu.memref_slice %arg11[%add3A_7, %dma_start3A_72] : memref<10112x128xf32, #tpu.memory_space<vmem_shared>> -> memref<128x128xf32, #tpu.memory_space<vmem_shared>>
      %dma_start3A_74 = arith.constant 0 : i32
      %dma_start3A_75 = tpu.memref_slice %arg11[%add3A_7, %dma_start3A_74] : memref<10112x128xf32, #tpu.memory_space<vmem_shared>> -> memref<128x128xf32, #tpu.memory_space<vmem_shared>>
      %dma_start3A_76 = arith.constant 0 : i32
      %dma_start3A_77 = arith.constant 0 : i32
      %dma_start3A_78 = tpu.memref_slice %arg8[%dma_start3A_76, %dma_start3A_77] : memref<128x128xf32, #tpu.memory_space<vmem>> -> memref<128x128xf32, #tpu.memory_space<vmem>>
      tpu.enqueue_dma source(%dma_start3A_78 : memref<128x128xf32, #tpu.memory_space<vmem>>) target(%dma_start3A_75 : memref<128x128xf32, #tpu.memory_space<vmem_shared>>) target_semaphore(%run_scoped3A : memref<!tpu.dma_semaphore, #tpu.memory_space<semaphore_mem>>)
      %dma_wait3A = arith.constant 0 : i32
      %dma_wait3A_79 = arith.constant 0 : i32
      %dma_wait3A_80 = tpu.memref_slice %arg8[%dma_wait3A, %dma_wait3A_79] : memref<128x128xf32, #tpu.memory_space<vmem>> -> memref<128x128xf32, #tpu.memory_space<vmem>>
      %dma_wait3A_81 = arith.constant 0 : i32
      %dma_wait3A_82 = tpu.memref_slice %arg11[%add3A_7, %dma_wait3A_81] : memref<10112x128xf32, #tpu.memory_space<vmem_shared>> -> memref<128x128xf32, #tpu.memory_space<vmem_shared>>
      %dma_wait3A_83 = arith.constant 0 : i32
      %dma_wait3A_84 = tpu.memref_slice %arg11[%add3A_7, %dma_wait3A_83] : memref<10112x128xf32, #tpu.memory_space<vmem_shared>> -> memref<128x128xf32, #tpu.memory_space<vmem_shared>>
      %dma_wait3A_85 = arith.constant 0 : i32
      %dma_wait3A_86 = arith.constant 0 : i32
      %dma_wait3A_87 = tpu.memref_slice %arg8[%dma_wait3A_85, %dma_wait3A_86] : memref<128x128xf32, #tpu.memory_space<vmem>> -> memref<128x128xf32, #tpu.memory_space<vmem>>
      tpu.wait_dma2 semaphore(%run_scoped3A : memref<!tpu.dma_semaphore, #tpu.memory_space<semaphore_mem>>) src(%dma_wait3A_87 : memref<128x128xf32, #tpu.memory_space<vmem>>) dst(%dma_wait3A_84 : memref<128x128xf32, #tpu.memory_space<vmem_shared>>)
      tpu.yield
    }) : () -> ()
    %mul3A_8 = arith.constant 632 : i32
    %mul3A_9 = arith.muli %arg1, %mul3A_8 : i32
    %add3A_10 = arith.constant 128 : i32
    %add3A_11 = arith.addi %mul3A_9, %add3A_10 : i32
    "tpu.region"() ({
      %run_scoped3A = tpu.sem_alloc : memref<!tpu.dma_semaphore, #tpu.memory_space<semaphore_mem>>
      %dma_start3A_69 = arith.constant 0 : i32
      %dma_start3A_70 = arith.constant 0 : i32
      %dma_start3A_71 = tpu.memref_slice %arg8[%dma_start3A_69, %dma_start3A_70] : memref<128x128xf32, #tpu.memory_space<vmem>> -> memref<128x128xf32, #tpu.memory_space<vmem>>
      %dma_start3A_72 = arith.constant 0 : i32
      %dma_start3A_73 = tpu.memref_slice %arg11[%add3A_11, %dma_start3A_72] : memref<10112x128xf32, #tpu.memory_space<vmem_shared>> -> memref<128x128xf32, #tpu.memory_space<vmem_shared>>
      %dma_start3A_74 = arith.constant 0 : i32
      %dma_start3A_75 = tpu.memref_slice %arg11[%add3A_11, %dma_start3A_74] : memref<10112x128xf32, #tpu.memory_space<vmem_shared>> -> memref<128x128xf32, #tpu.memory_space<vmem_shared>>
      %dma_start3A_76 = arith.constant 0 : i32
      %dma_start3A_77 = arith.constant 0 : i32
      %dma_start3A_78 = tpu.memref_slice %arg8[%dma_start3A_76, %dma_start3A_77] : memref<128x128xf32, #tpu.memory_space<vmem>> -> memref<128x128xf32, #tpu.memory_space<vmem>>
      tpu.enqueue_dma source(%dma_start3A_78 : memref<128x128xf32, #tpu.memory_space<vmem>>) target(%dma_start3A_75 : memref<128x128xf32, #tpu.memory_space<vmem_shared>>) target_semaphore(%run_scoped3A : memref<!tpu.dma_semaphore, #tpu.memory_space<semaphore_mem>>)
      %dma_wait3A = arith.constant 0 : i32
      %dma_wait3A_79 = arith.constant 0 : i32
      %dma_wait3A_80 = tpu.memref_slice %arg8[%dma_wait3A, %dma_wait3A_79] : memref<128x128xf32, #tpu.memory_space<vmem>> -> memref<128x128xf32, #tpu.memory_space<vmem>>
      %dma_wait3A_81 = arith.constant 0 : i32
      %dma_wait3A_82 = tpu.memref_slice %arg11[%add3A_11, %dma_wait3A_81] : memref<10112x128xf32, #tpu.memory_space<vmem_shared>> -> memref<128x128xf32, #tpu.memory_space<vmem_shared>>
      %dma_wait3A_83 = arith.constant 0 : i32
      %dma_wait3A_84 = tpu.memref_slice %arg11[%add3A_11, %dma_wait3A_83] : memref<10112x128xf32, #tpu.memory_space<vmem_shared>> -> memref<128x128xf32, #tpu.memory_space<vmem_shared>>
      %dma_wait3A_85 = arith.constant 0 : i32
      %dma_wait3A_86 = arith.constant 0 : i32
      %dma_wait3A_87 = tpu.memref_slice %arg8[%dma_wait3A_85, %dma_wait3A_86] : memref<128x128xf32, #tpu.memory_space<vmem>> -> memref<128x128xf32, #tpu.memory_space<vmem>>
      tpu.wait_dma2 semaphore(%run_scoped3A : memref<!tpu.dma_semaphore, #tpu.memory_space<semaphore_mem>>) src(%dma_wait3A_87 : memref<128x128xf32, #tpu.memory_space<vmem>>) dst(%dma_wait3A_84 : memref<128x128xf32, #tpu.memory_space<vmem_shared>>)
      tpu.yield
    }) : () -> ()
    %mul3A_12 = arith.constant 632 : i32
    %mul3A_13 = arith.muli %arg1, %mul3A_12 : i32
    %add3A_14 = arith.constant 256 : i32
    %add3A_15 = arith.addi %mul3A_13, %add3A_14 : i32
    "tpu.region"() ({
      %run_scoped3A = tpu.sem_alloc : memref<!tpu.dma_semaphore, #tpu.memory_space<semaphore_mem>>
      %dma_start3A_69 = arith.constant 0 : i32
      %dma_start3A_70 = arith.constant 0 : i32
      %dma_start3A_71 = tpu.memref_slice %arg8[%dma_start3A_69, %dma_start3A_70] : memref<128x128xf32, #tpu.memory_space<vmem>> -> memref<128x128xf32, #tpu.memory_space<vmem>>
      %dma_start3A_72 = arith.constant 0 : i32
      %dma_start3A_73 = tpu.memref_slice %arg11[%add3A_15, %dma_start3A_72] : memref<10112x128xf32, #tpu.memory_space<vmem_shared>> -> memref<128x128xf32, #tpu.memory_space<vmem_shared>>
      %dma_start3A_74 = arith.constant 0 : i32
      %dma_start3A_75 = tpu.memref_slice %arg11[%add3A_15, %dma_start3A_74] : memref<10112x128xf32, #tpu.memory_space<vmem_shared>> -> memref<128x128xf32, #tpu.memory_space<vmem_shared>>
      %dma_start3A_76 = arith.constant 0 : i32
      %dma_start3A_77 = arith.constant 0 : i32
      %dma_start3A_78 = tpu.memref_slice %arg8[%dma_start3A_76, %dma_start3A_77] : memref<128x128xf32, #tpu.memory_space<vmem>> -> memref<128x128xf32, #tpu.memory_space<vmem>>
      tpu.enqueue_dma source(%dma_start3A_78 : memref<128x128xf32, #tpu.memory_space<vmem>>) target(%dma_start3A_75 : memref<128x128xf32, #tpu.memory_space<vmem_shared>>) target_semaphore(%run_scoped3A : memref<!tpu.dma_semaphore, #tpu.memory_space<semaphore_mem>>)
      %dma_wait3A = arith.constant 0 : i32
      %dma_wait3A_79 = arith.constant 0 : i32
      %dma_wait3A_80 = tpu.memref_slice %arg8[%dma_wait3A, %dma_wait3A_79] : memref<128x128xf32, #tpu.memory_space<vmem>> -> memref<128x128xf32, #tpu.memory_space<vmem>>
      %dma_wait3A_81 = arith.constant 0 : i32
      %dma_wait3A_82 = tpu.memref_slice %arg11[%add3A_15, %dma_wait3A_81] : memref<10112x128xf32, #tpu.memory_space<vmem_shared>> -> memref<128x128xf32, #tpu.memory_space<vmem_shared>>
      %dma_wait3A_83 = arith.constant 0 : i32
      %dma_wait3A_84 = tpu.memref_slice %arg11[%add3A_15, %dma_wait3A_83] : memref<10112x128xf32, #tpu.memory_space<vmem_shared>> -> memref<128x128xf32, #tpu.memory_space<vmem_shared>>
      %dma_wait3A_85 = arith.constant 0 : i32
      %dma_wait3A_86 = arith.constant 0 : i32
      %dma_wait3A_87 = tpu.memref_slice %arg8[%dma_wait3A_85, %dma_wait3A_86] : memref<128x128xf32, #tpu.memory_space<vmem>> -> memref<128x128xf32, #tpu.memory_space<vmem>>
      tpu.wait_dma2 semaphore(%run_scoped3A : memref<!tpu.dma_semaphore, #tpu.memory_space<semaphore_mem>>) src(%dma_wait3A_87 : memref<128x128xf32, #tpu.memory_space<vmem>>) dst(%dma_wait3A_84 : memref<128x128xf32, #tpu.memory_space<vmem_shared>>)
      tpu.yield
    }) : () -> ()
    %mul3A_16 = arith.constant 632 : i32
    %mul3A_17 = arith.muli %arg1, %mul3A_16 : i32
    %add3A_18 = arith.constant 384 : i32
    %add3A_19 = arith.addi %mul3A_17, %add3A_18 : i32
    "tpu.region"() ({
      %run_scoped3A = tpu.sem_alloc : memref<!tpu.dma_semaphore, #tpu.memory_space<semaphore_mem>>
      %dma_start3A_69 = arith.constant 0 : i32
      %dma_start3A_70 = arith.constant 0 : i32
      %dma_start3A_71 = tpu.memref_slice %arg8[%dma_start3A_69, %dma_start3A_70] : memref<128x128xf32, #tpu.memory_space<vmem>> -> memref<128x128xf32, #tpu.memory_space<vmem>>
      %dma_start3A_72 = arith.constant 0 : i32
      %dma_start3A_73 = tpu.memref_slice %arg11[%add3A_19, %dma_start3A_72] : memref<10112x128xf32, #tpu.memory_space<vmem_shared>> -> memref<128x128xf32, #tpu.memory_space<vmem_shared>>
      %dma_start3A_74 = arith.constant 0 : i32
      %dma_start3A_75 = tpu.memref_slice %arg11[%add3A_19, %dma_start3A_74] : memref<10112x128xf32, #tpu.memory_space<vmem_shared>> -> memref<128x128xf32, #tpu.memory_space<vmem_shared>>
      %dma_start3A_76 = arith.constant 0 : i32
      %dma_start3A_77 = arith.constant 0 : i32
      %dma_start3A_78 = tpu.memref_slice %arg8[%dma_start3A_76, %dma_start3A_77] : memref<128x128xf32, #tpu.memory_space<vmem>> -> memref<128x128xf32, #tpu.memory_space<vmem>>
      tpu.enqueue_dma source(%dma_start3A_78 : memref<128x128xf32, #tpu.memory_space<vmem>>) target(%dma_start3A_75 : memref<128x128xf32, #tpu.memory_space<vmem_shared>>) target_semaphore(%run_scoped3A : memref<!tpu.dma_semaphore, #tpu.memory_space<semaphore_mem>>)
      %dma_wait3A = arith.constant 0 : i32
      %dma_wait3A_79 = arith.constant 0 : i32
      %dma_wait3A_80 = tpu.memref_slice %arg8[%dma_wait3A, %dma_wait3A_79] : memref<128x128xf32, #tpu.memory_space<vmem>> -> memref<128x128xf32, #tpu.memory_space<vmem>>
      %dma_wait3A_81 = arith.constant 0 : i32
      %dma_wait3A_82 = tpu.memref_slice %arg11[%add3A_19, %dma_wait3A_81] : memref<10112x128xf32, #tpu.memory_space<vmem_shared>> -> memref<128x128xf32, #tpu.memory_space<vmem_shared>>
      %dma_wait3A_83 = arith.constant 0 : i32
      %dma_wait3A_84 = tpu.memref_slice %arg11[%add3A_19, %dma_wait3A_83] : memref<10112x128xf32, #tpu.memory_space<vmem_shared>> -> memref<128x128xf32, #tpu.memory_space<vmem_shared>>
      %dma_wait3A_85 = arith.constant 0 : i32
      %dma_wait3A_86 = arith.constant 0 : i32
      %dma_wait3A_87 = tpu.memref_slice %arg8[%dma_wait3A_85, %dma_wait3A_86] : memref<128x128xf32, #tpu.memory_space<vmem>> -> memref<128x128xf32, #tpu.memory_space<vmem>>
      tpu.wait_dma2 semaphore(%run_scoped3A : memref<!tpu.dma_semaphore, #tpu.memory_space<semaphore_mem>>) src(%dma_wait3A_87 : memref<128x128xf32, #tpu.memory_space<vmem>>) dst(%dma_wait3A_84 : memref<128x128xf32, #tpu.memory_space<vmem_shared>>)
      tpu.yield
    }) : () -> ()
    %mul3A_20 = arith.constant 632 : i32
    %mul3A_21 = arith.muli %arg1, %mul3A_20 : i32
    %add3A_22 = arith.constant 512 : i32
    %add3A_23 = arith.addi %mul3A_21, %add3A_22 : i32
    "tpu.region"() ({
      %run_scoped3A = tpu.sem_alloc : memref<!tpu.dma_semaphore, #tpu.memory_space<semaphore_mem>>
      %dma_start3A_69 = arith.constant 0 : i32
      %dma_start3A_70 = arith.constant 0 : i32
      %dma_start3A_71 = tpu.memref_slice %arg8[%dma_start3A_69, %dma_start3A_70] : memref<128x128xf32, #tpu.memory_space<vmem>> -> memref<120x128xf32, #tpu.memory_space<vmem>>
      %dma_start3A_72 = arith.constant 0 : i32
      %dma_start3A_73 = tpu.memref_slice %arg11[%add3A_23, %dma_start3A_72] : memref<10112x128xf32, #tpu.memory_space<vmem_shared>> -> memref<120x128xf32, #tpu.memory_space<vmem_shared>>
      %dma_start3A_74 = arith.constant 0 : i32
      %dma_start3A_75 = tpu.memref_slice %arg11[%add3A_23, %dma_start3A_74] : memref<10112x128xf32, #tpu.memory_space<vmem_shared>> -> memref<120x128xf32, #tpu.memory_space<vmem_shared>>
      %dma_start3A_76 = arith.constant 0 : i32
      %dma_start3A_77 = arith.constant 0 : i32
      %dma_start3A_78 = tpu.memref_slice %arg8[%dma_start3A_76, %dma_start3A_77] : memref<128x128xf32, #tpu.memory_space<vmem>> -> memref<120x128xf32, #tpu.memory_space<vmem>>
      tpu.enqueue_dma source(%dma_start3A_78 : memref<120x128xf32, #tpu.memory_space<vmem>>) target(%dma_start3A_75 : memref<120x128xf32, #tpu.memory_space<vmem_shared>>) target_semaphore(%run_scoped3A : memref<!tpu.dma_semaphore, #tpu.memory_space<semaphore_mem>>)
      %dma_wait3A = arith.constant 0 : i32
      %dma_wait3A_79 = arith.constant 0 : i32
      %dma_wait3A_80 = tpu.memref_slice %arg8[%dma_wait3A, %dma_wait3A_79] : memref<128x128xf32, #tpu.memory_space<vmem>> -> memref<120x128xf32, #tpu.memory_space<vmem>>
      %dma_wait3A_81 = arith.constant 0 : i32
      %dma_wait3A_82 = tpu.memref_slice %arg11[%add3A_23, %dma_wait3A_81] : memref<10112x128xf32, #tpu.memory_space<vmem_shared>> -> memref<120x128xf32, #tpu.memory_space<vmem_shared>>
      %dma_wait3A_83 = arith.constant 0 : i32
      %dma_wait3A_84 = tpu.memref_slice %arg11[%add3A_23, %dma_wait3A_83] : memref<10112x128xf32, #tpu.memory_space<vmem_shared>> -> memref<120x128xf32, #tpu.memory_space<vmem_shared>>
      %dma_wait3A_85 = arith.constant 0 : i32
      %dma_wait3A_86 = arith.constant 0 : i32
      %dma_wait3A_87 = tpu.memref_slice %arg8[%dma_wait3A_85, %dma_wait3A_86] : memref<128x128xf32, #tpu.memory_space<vmem>> -> memref<120x128xf32, #tpu.memory_space<vmem>>
      tpu.wait_dma2 semaphore(%run_scoped3A : memref<!tpu.dma_semaphore, #tpu.memory_space<semaphore_mem>>) src(%dma_wait3A_87 : memref<120x128xf32, #tpu.memory_space<vmem>>) dst(%dma_wait3A_84 : memref<120x128xf32, #tpu.memory_space<vmem_shared>>)
      tpu.yield
    }) : () -> ()
    %barrier3A = arith.constant 0 : index
    tpu.barrier barrier_id(%barrier3A)
    %mul3A_24 = arith.constant 16 : i32
    %mul3A_25 = arith.muli %arg0, %mul3A_24 : i32
    %add3A_26 = arith.addi %mul3A_25, %arg1 : i32
    %mul3A_27 = arith.constant 81 : i32
    %mul3A_28 = arith.muli %add3A_26, %mul3A_27 : i32
    %add3A_29 = arith.constant 0 : i32
    %add3A_30 = arith.addi %mul3A_28, %add3A_29 : i32
    "tpu.region"() ({
      %run_scoped3A = tpu.sem_alloc : memref<!tpu.dma_semaphore, #tpu.memory_space<semaphore_mem>>
      %dma_start3A_69 = arith.constant 0 : i32
      %dma_start3A_70 = arith.constant 0 : i32
      %dma_start3A_71 = tpu.memref_slice %arg3[%add3A_30, %dma_start3A_69, %dma_start3A_70] : memref<2592x2x128xi32, #tpu.memory_space<hbm>> -> memref<1x2x128xi32, #tpu.memory_space<hbm>>
      %dma_start3A_72 = tpu.memref_squeeze %dma_start3A_71 : memref<1x2x128xi32, #tpu.memory_space<hbm>> -> memref<2x128xi32, #tpu.memory_space<hbm>>
      %dma_start3A_73 = arith.constant 0 : i32
      %dma_start3A_74 = arith.constant 0 : i32
      %dma_start3A_75 = tpu.memref_slice %arg3[%add3A_30, %dma_start3A_73, %dma_start3A_74] : memref<2592x2x128xi32, #tpu.memory_space<hbm>> -> memref<1x2x128xi32, #tpu.memory_space<hbm>>
      %dma_start3A_76 = tpu.memref_squeeze %dma_start3A_75 : memref<1x2x128xi32, #tpu.memory_space<hbm>> -> memref<2x128xi32, #tpu.memory_space<hbm>>
      tpu.enqueue_dma source(%dma_start3A_76 : memref<2x128xi32, #tpu.memory_space<hbm>>) target(%arg5 : memref<2x128xi32, #tpu.memory_space<vmem>>) target_semaphore(%run_scoped3A : memref<!tpu.dma_semaphore, #tpu.memory_space<semaphore_mem>>)
      %dma_wait3A = arith.constant 0 : i32
      %dma_wait3A_77 = arith.constant 0 : i32
      %dma_wait3A_78 = tpu.memref_slice %arg3[%add3A_30, %dma_wait3A, %dma_wait3A_77] : memref<2592x2x128xi32, #tpu.memory_space<hbm>> -> memref<1x2x128xi32, #tpu.memory_space<hbm>>
      %dma_wait3A_79 = tpu.memref_squeeze %dma_wait3A_78 : memref<1x2x128xi32, #tpu.memory_space<hbm>> -> memref<2x128xi32, #tpu.memory_space<hbm>>
      %dma_wait3A_80 = arith.constant 0 : i32
      %dma_wait3A_81 = arith.constant 0 : i32
      %dma_wait3A_82 = tpu.memref_slice %arg3[%add3A_30, %dma_wait3A_80, %dma_wait3A_81] : memref<2592x2x128xi32, #tpu.memory_space<hbm>> -> memref<1x2x128xi32, #tpu.memory_space<hbm>>
      %dma_wait3A_83 = tpu.memref_squeeze %dma_wait3A_82 : memref<1x2x128xi32, #tpu.memory_space<hbm>> -> memref<2x128xi32, #tpu.memory_space<hbm>>
      tpu.wait_dma2 semaphore(%run_scoped3A : memref<!tpu.dma_semaphore, #tpu.memory_space<semaphore_mem>>) src(%dma_wait3A_83 : memref<2x128xi32, #tpu.memory_space<hbm>>) dst(%arg5 : memref<2x128xi32, #tpu.memory_space<vmem>>)
      tpu.yield
    }) : () -> ()
    %dma_start3A = arith.constant 0 : i32
    %dma_start3A_31 = arith.constant 0 : i32
    %dma_start3A_32 = tpu.memref_slice %arg5[%dma_start3A, %dma_start3A_31] : memref<2x128xi32, #tpu.memory_space<vmem>> -> memref<1x128xi32, #tpu.memory_space<vmem>>
    %dma_start3A_33 = tpu.memref_squeeze %dma_start3A_32 : memref<1x128xi32, #tpu.memory_space<vmem>> -> memref<128xi32, #tpu.memory_space<vmem>>
    %dma_start3A_34 = arith.constant 0 : i32
    %dma_start3A_35 = arith.constant 0 : i32
    %dma_start3A_36 = tpu.memref_slice %arg2[%dma_start3A_34, %dma_start3A_35] : memref<10112x128xf32, #tpu.memory_space<hbm>> -> memref<10112x128xf32, #tpu.memory_space<hbm>>
    tpu.enqueue_indirect_dma source(%dma_start3A_36 : memref<10112x128xf32, #tpu.memory_space<hbm>>) target(%arg8 : memref<128x128xf32, #tpu.memory_space<vmem>>) offsets(%dma_start3A_33 : memref<128xi32, #tpu.memory_space<vmem>>) semaphore(%arg12 : memref<!tpu.dma_semaphore, #tpu.memory_space<semaphore_mem>>)
    %add3A_37 = arith.constant 1 : i32
    %add3A_38 = arith.addi %mul3A_28, %add3A_37 : i32
    "tpu.region"() ({
      %run_scoped3A = tpu.sem_alloc : memref<!tpu.dma_semaphore, #tpu.memory_space<semaphore_mem>>
      %dma_start3A_69 = arith.constant 0 : i32
      %dma_start3A_70 = arith.constant 0 : i32
      %dma_start3A_71 = tpu.memref_slice %arg3[%add3A_38, %dma_start3A_69, %dma_start3A_70] : memref<2592x2x128xi32, #tpu.memory_space<hbm>> -> memref<1x2x128xi32, #tpu.memory_space<hbm>>
      %dma_start3A_72 = tpu.memref_squeeze %dma_start3A_71 : memref<1x2x128xi32, #tpu.memory_space<hbm>> -> memref<2x128xi32, #tpu.memory_space<hbm>>
      %dma_start3A_73 = arith.constant 0 : i32
      %dma_start3A_74 = arith.constant 0 : i32
      %dma_start3A_75 = tpu.memref_slice %arg3[%add3A_38, %dma_start3A_73, %dma_start3A_74] : memref<2592x2x128xi32, #tpu.memory_space<hbm>> -> memref<1x2x128xi32, #tpu.memory_space<hbm>>
      %dma_start3A_76 = tpu.memref_squeeze %dma_start3A_75 : memref<1x2x128xi32, #tpu.memory_space<hbm>> -> memref<2x128xi32, #tpu.memory_space<hbm>>
      tpu.enqueue_dma source(%dma_start3A_76 : memref<2x128xi32, #tpu.memory_space<hbm>>) target(%arg6 : memref<2x128xi32, #tpu.memory_space<vmem>>) target_semaphore(%run_scoped3A : memref<!tpu.dma_semaphore, #tpu.memory_space<semaphore_mem>>)
      %dma_wait3A = arith.constant 0 : i32
      %dma_wait3A_77 = arith.constant 0 : i32
      %dma_wait3A_78 = tpu.memref_slice %arg3[%add3A_38, %dma_wait3A, %dma_wait3A_77] : memref<2592x2x128xi32, #tpu.memory_space<hbm>> -> memref<1x2x128xi32, #tpu.memory_space<hbm>>
      %dma_wait3A_79 = tpu.memref_squeeze %dma_wait3A_78 : memref<1x2x128xi32, #tpu.memory_space<hbm>> -> memref<2x128xi32, #tpu.memory_space<hbm>>
      %dma_wait3A_80 = arith.constant 0 : i32
      %dma_wait3A_81 = arith.constant 0 : i32
      %dma_wait3A_82 = tpu.memref_slice %arg3[%add3A_38, %dma_wait3A_80, %dma_wait3A_81] : memref<2592x2x128xi32, #tpu.memory_space<hbm>> -> memref<1x2x128xi32, #tpu.memory_space<hbm>>
      %dma_wait3A_83 = tpu.memref_squeeze %dma_wait3A_82 : memref<1x2x128xi32, #tpu.memory_space<hbm>> -> memref<2x128xi32, #tpu.memory_space<hbm>>
      tpu.wait_dma2 semaphore(%run_scoped3A : memref<!tpu.dma_semaphore, #tpu.memory_space<semaphore_mem>>) src(%dma_wait3A_83 : memref<2x128xi32, #tpu.memory_space<hbm>>) dst(%arg6 : memref<2x128xi32, #tpu.memory_space<vmem>>)
      tpu.yield
    }) : () -> ()
    %dma_start3A_39 = arith.constant 0 : i32
    %dma_start3A_40 = arith.constant 0 : i32
    %dma_start3A_41 = tpu.memref_slice %arg6[%dma_start3A_39, %dma_start3A_40] : memref<2x128xi32, #tpu.memory_space<vmem>> -> memref<1x128xi32, #tpu.memory_space<vmem>>
    %dma_start3A_42 = tpu.memref_squeeze %dma_start3A_41 : memref<1x128xi32, #tpu.memory_space<vmem>> -> memref<128xi32, #tpu.memory_space<vmem>>
    %dma_start3A_43 = arith.constant 0 : i32
    %dma_start3A_44 = arith.constant 0 : i32
    %dma_start3A_45 = tpu.memref_slice %arg2[%dma_start3A_43, %dma_start3A_44] : memref<10112x128xf32, #tpu.memory_space<hbm>> -> memref<10112x128xf32, #tpu.memory_space<hbm>>
    tpu.enqueue_indirect_dma source(%dma_start3A_45 : memref<10112x128xf32, #tpu.memory_space<hbm>>) target(%arg9 : memref<128x128xf32, #tpu.memory_space<vmem>>) offsets(%dma_start3A_42 : memref<128xi32, #tpu.memory_space<vmem>>) semaphore(%arg13 : memref<!tpu.dma_semaphore, #tpu.memory_space<semaphore_mem>>)
    %add3A_46 = arith.constant 2 : i32
    %add3A_47 = arith.addi %mul3A_28, %add3A_46 : i32
    "tpu.region"() ({
      %run_scoped3A = tpu.sem_alloc : memref<!tpu.dma_semaphore, #tpu.memory_space<semaphore_mem>>
      %dma_start3A_69 = arith.constant 0 : i32
      %dma_start3A_70 = arith.constant 0 : i32
      %dma_start3A_71 = tpu.memref_slice %arg3[%add3A_47, %dma_start3A_69, %dma_start3A_70] : memref<2592x2x128xi32, #tpu.memory_space<hbm>> -> memref<1x2x128xi32, #tpu.memory_space<hbm>>
      %dma_start3A_72 = tpu.memref_squeeze %dma_start3A_71 : memref<1x2x128xi32, #tpu.memory_space<hbm>> -> memref<2x128xi32, #tpu.memory_space<hbm>>
      %dma_start3A_73 = arith.constant 0 : i32
      %dma_start3A_74 = arith.constant 0 : i32
      %dma_start3A_75 = tpu.memref_slice %arg3[%add3A_47, %dma_start3A_73, %dma_start3A_74] : memref<2592x2x128xi32, #tpu.memory_space<hbm>> -> memref<1x2x128xi32, #tpu.memory_space<hbm>>
      %dma_start3A_76 = tpu.memref_squeeze %dma_start3A_75 : memref<1x2x128xi32, #tpu.memory_space<hbm>> -> memref<2x128xi32, #tpu.memory_space<hbm>>
      tpu.enqueue_dma source(%dma_start3A_76 : memref<2x128xi32, #tpu.memory_space<hbm>>) target(%arg7 : memref<2x128xi32, #tpu.memory_space<vmem>>) target_semaphore(%run_scoped3A : memref<!tpu.dma_semaphore, #tpu.memory_space<semaphore_mem>>)
      %dma_wait3A = arith.constant 0 : i32
      %dma_wait3A_77 = arith.constant 0 : i32
      %dma_wait3A_78 = tpu.memref_slice %arg3[%add3A_47, %dma_wait3A, %dma_wait3A_77] : memref<2592x2x128xi32, #tpu.memory_space<hbm>> -> memref<1x2x128xi32, #tpu.memory_space<hbm>>
      %dma_wait3A_79 = tpu.memref_squeeze %dma_wait3A_78 : memref<1x2x128xi32, #tpu.memory_space<hbm>> -> memref<2x128xi32, #tpu.memory_space<hbm>>
      %dma_wait3A_80 = arith.constant 0 : i32
      %dma_wait3A_81 = arith.constant 0 : i32
      %dma_wait3A_82 = tpu.memref_slice %arg3[%add3A_47, %dma_wait3A_80, %dma_wait3A_81] : memref<2592x2x128xi32, #tpu.memory_space<hbm>> -> memref<1x2x128xi32, #tpu.memory_space<hbm>>
      %dma_wait3A_83 = tpu.memref_squeeze %dma_wait3A_82 : memref<1x2x128xi32, #tpu.memory_space<hbm>> -> memref<2x128xi32, #tpu.memory_space<hbm>>
      tpu.wait_dma2 semaphore(%run_scoped3A : memref<!tpu.dma_semaphore, #tpu.memory_space<semaphore_mem>>) src(%dma_wait3A_83 : memref<2x128xi32, #tpu.memory_space<hbm>>) dst(%arg7 : memref<2x128xi32, #tpu.memory_space<vmem>>)
      tpu.yield
    }) : () -> ()
    %dma_start3A_48 = arith.constant 0 : i32
    %dma_start3A_49 = arith.constant 0 : i32
    %dma_start3A_50 = tpu.memref_slice %arg7[%dma_start3A_48, %dma_start3A_49] : memref<2x128xi32, #tpu.memory_space<vmem>> -> memref<1x128xi32, #tpu.memory_space<vmem>>
    %dma_start3A_51 = tpu.memref_squeeze %dma_start3A_50 : memref<1x128xi32, #tpu.memory_space<vmem>> -> memref<128xi32, #tpu.memory_space<vmem>>
    %dma_start3A_52 = arith.constant 0 : i32
    %dma_start3A_53 = arith.constant 0 : i32
    %dma_start3A_54 = tpu.memref_slice %arg2[%dma_start3A_52, %dma_start3A_53] : memref<10112x128xf32, #tpu.memory_space<hbm>> -> memref<10112x128xf32, #tpu.memory_space<hbm>>
    tpu.enqueue_indirect_dma source(%dma_start3A_54 : memref<10112x128xf32, #tpu.memory_space<hbm>>) target(%arg10 : memref<128x128xf32, #tpu.memory_space<vmem>>) offsets(%dma_start3A_51 : memref<128xi32, #tpu.memory_space<vmem>>) semaphore(%arg14 : memref<!tpu.dma_semaphore, #tpu.memory_space<semaphore_mem>>)
    %scan3A_55 = arith.constant 0 : i32
    %scan3A_56 = arith.constant 0 : i32
    %scan3A_57 = arith.constant 27 : i32
    %scan3A_58 = arith.addi %scan3A_56, %scan3A_57 : i32
    %scan3A_59 = arith.constant 1 : i32
    scf.for %scan3A_69 = %scan3A_56 to %scan3A_58 step %scan3A_59  : i32 {
      %mul3A_70 = arith.constant 3 : i32
      %mul3A_71 = arith.muli %mul3A_70, %scan3A_69 : i32
      %add3A_72 = arith.addi %mul3A_28, %mul3A_71 : i32
      %dma_wait3A = arith.constant 0 : i32
      %dma_wait3A_73 = arith.constant 0 : i32
      %dma_wait3A_74 = tpu.memref_slice %arg5[%dma_wait3A, %dma_wait3A_73] : memref<2x128xi32, #tpu.memory_space<vmem>> -> memref<1x128xi32, #tpu.memory_space<vmem>>
      %dma_wait3A_75 = tpu.memref_squeeze %dma_wait3A_74 : memref<1x128xi32, #tpu.memory_space<vmem>> -> memref<128xi32, #tpu.memory_space<vmem>>
      %dma_wait3A_76 = arith.constant 0 : i32
      %dma_wait3A_77 = arith.constant 0 : i32
      %dma_wait3A_78 = tpu.memref_slice %arg2[%dma_wait3A_76, %dma_wait3A_77] : memref<10112x128xf32, #tpu.memory_space<hbm>> -> memref<10112x128xf32, #tpu.memory_space<hbm>>
      tpu.wait_indirect_dma semaphore(%arg12 : memref<!tpu.dma_semaphore, #tpu.memory_space<semaphore_mem>>) src(%dma_wait3A_78 : memref<10112x128xf32, #tpu.memory_space<hbm>>) dst(%arg8 : memref<128x128xf32, #tpu.memory_space<vmem>>)
      %dma_start3A_79 = arith.constant 1 : i32
      %dma_start3A_80 = arith.constant 0 : i32
      %dma_start3A_81 = tpu.memref_slice %arg5[%dma_start3A_79, %dma_start3A_80] : memref<2x128xi32, #tpu.memory_space<vmem>> -> memref<1x128xi32, #tpu.memory_space<vmem>>
      %dma_start3A_82 = tpu.memref_squeeze %dma_start3A_81 : memref<1x128xi32, #tpu.memory_space<vmem>> -> memref<128xi32, #tpu.memory_space<vmem>>
      %dma_start3A_83 = arith.constant 0 : i32
      %dma_start3A_84 = arith.constant 0 : i32
      %dma_start3A_85 = tpu.memref_slice %arg11[%dma_start3A_83, %dma_start3A_84] : memref<10112x128xf32, #tpu.memory_space<vmem_shared>> -> memref<10112x128xf32, #tpu.memory_space<vmem_shared>>
      tpu.enqueue_indirect_dma source(%arg8 : memref<128x128xf32, #tpu.memory_space<vmem>>) target(%dma_start3A_85 : memref<10112x128xf32, #tpu.memory_space<vmem_shared>>) offsets(%dma_start3A_82 : memref<128xi32, #tpu.memory_space<vmem>>) semaphore(%arg15 : memref<!tpu.dma_semaphore, #tpu.memory_space<semaphore_mem>>) {add = true}
      %dma_wait3A_86 = arith.constant 0 : i32
      %dma_wait3A_87 = arith.constant 0 : i32
      %dma_wait3A_88 = tpu.memref_slice %arg6[%dma_wait3A_86, %dma_wait3A_87] : memref<2x128xi32, #tpu.memory_space<vmem>> -> memref<1x128xi32, #tpu.memory_space<vmem>>
      %dma_wait3A_89 = tpu.memref_squeeze %dma_wait3A_88 : memref<1x128xi32, #tpu.memory_space<vmem>> -> memref<128xi32, #tpu.memory_space<vmem>>
      %dma_wait3A_90 = arith.constant 0 : i32
      %dma_wait3A_91 = arith.constant 0 : i32
      %dma_wait3A_92 = tpu.memref_slice %arg2[%dma_wait3A_90, %dma_wait3A_91] : memref<10112x128xf32, #tpu.memory_space<hbm>> -> memref<10112x128xf32, #tpu.memory_space<hbm>>
      tpu.wait_indirect_dma semaphore(%arg13 : memref<!tpu.dma_semaphore, #tpu.memory_space<semaphore_mem>>) src(%dma_wait3A_92 : memref<10112x128xf32, #tpu.memory_space<hbm>>) dst(%arg9 : memref<128x128xf32, #tpu.memory_space<vmem>>)
      %dma_start3A_93 = arith.constant 1 : i32
      %dma_start3A_94 = arith.constant 0 : i32
      %dma_start3A_95 = tpu.memref_slice %arg6[%dma_start3A_93, %dma_start3A_94] : memref<2x128xi32, #tpu.memory_space<vmem>> -> memref<1x128xi32, #tpu.memory_space<vmem>>
      %dma_start3A_96 = tpu.memref_squeeze %dma_start3A_95 : memref<1x128xi32, #tpu.memory_space<vmem>> -> memref<128xi32, #tpu.memory_space<vmem>>
      %dma_start3A_97 = arith.constant 0 : i32
      %dma_start3A_98 = arith.constant 0 : i32
      %dma_start3A_99 = tpu.memref_slice %arg11[%dma_start3A_97, %dma_start3A_98] : memref<10112x128xf32, #tpu.memory_space<vmem_shared>> -> memref<10112x128xf32, #tpu.memory_space<vmem_shared>>
      tpu.enqueue_indirect_dma source(%arg9 : memref<128x128xf32, #tpu.memory_space<vmem>>) target(%dma_start3A_99 : memref<10112x128xf32, #tpu.memory_space<vmem_shared>>) offsets(%dma_start3A_96 : memref<128xi32, #tpu.memory_space<vmem>>) semaphore(%arg16 : memref<!tpu.dma_semaphore, #tpu.memory_space<semaphore_mem>>) {add = true}
      %dma_wait3A_100 = arith.constant 0 : i32
      %dma_wait3A_101 = arith.constant 0 : i32
      %dma_wait3A_102 = tpu.memref_slice %arg7[%dma_wait3A_100, %dma_wait3A_101] : memref<2x128xi32, #tpu.memory_space<vmem>> -> memref<1x128xi32, #tpu.memory_space<vmem>>
      %dma_wait3A_103 = tpu.memref_squeeze %dma_wait3A_102 : memref<1x128xi32, #tpu.memory_space<vmem>> -> memref<128xi32, #tpu.memory_space<vmem>>
      %dma_wait3A_104 = arith.constant 0 : i32
      %dma_wait3A_105 = arith.constant 0 : i32
      %dma_wait3A_106 = tpu.memref_slice %arg2[%dma_wait3A_104, %dma_wait3A_105] : memref<10112x128xf32, #tpu.memory_space<hbm>> -> memref<10112x128xf32, #tpu.memory_space<hbm>>
      tpu.wait_indirect_dma semaphore(%arg14 : memref<!tpu.dma_semaphore, #tpu.memory_space<semaphore_mem>>) src(%dma_wait3A_106 : memref<10112x128xf32, #tpu.memory_space<hbm>>) dst(%arg10 : memref<128x128xf32, #tpu.memory_space<vmem>>)
      %dma_start3A_107 = arith.constant 1 : i32
      %dma_start3A_108 = arith.constant 0 : i32
      %dma_start3A_109 = tpu.memref_slice %arg7[%dma_start3A_107, %dma_start3A_108] : memref<2x128xi32, #tpu.memory_space<vmem>> -> memref<1x128xi32, #tpu.memory_space<vmem>>
      %dma_start3A_110 = tpu.memref_squeeze %dma_start3A_109 : memref<1x128xi32, #tpu.memory_space<vmem>> -> memref<128xi32, #tpu.memory_space<vmem>>
      %dma_start3A_111 = arith.constant 0 : i32
      %dma_start3A_112 = arith.constant 0 : i32
      %dma_start3A_113 = tpu.memref_slice %arg11[%dma_start3A_111, %dma_start3A_112] : memref<10112x128xf32, #tpu.memory_space<vmem_shared>> -> memref<10112x128xf32, #tpu.memory_space<vmem_shared>>
      tpu.enqueue_indirect_dma source(%arg10 : memref<128x128xf32, #tpu.memory_space<vmem>>) target(%dma_start3A_113 : memref<10112x128xf32, #tpu.memory_space<vmem_shared>>) offsets(%dma_start3A_110 : memref<128xi32, #tpu.memory_space<vmem>>) semaphore(%arg17 : memref<!tpu.dma_semaphore, #tpu.memory_space<semaphore_mem>>) {add = true}
      %dma_wait3A_114 = arith.constant 1 : i32
      %dma_wait3A_115 = arith.constant 0 : i32
      %dma_wait3A_116 = tpu.memref_slice %arg5[%dma_wait3A_114, %dma_wait3A_115] : memref<2x128xi32, #tpu.memory_space<vmem>> -> memref<1x128xi32, #tpu.memory_space<vmem>>
      %dma_wait3A_117 = tpu.memref_squeeze %dma_wait3A_116 : memref<1x128xi32, #tpu.memory_space<vmem>> -> memref<128xi32, #tpu.memory_space<vmem>>
      %dma_wait3A_118 = arith.constant 0 : i32
      %dma_wait3A_119 = arith.constant 0 : i32
      %dma_wait3A_120 = tpu.memref_slice %arg11[%dma_wait3A_118, %dma_wait3A_119] : memref<10112x128xf32, #tpu.memory_space<vmem_shared>> -> memref<10112x128xf32, #tpu.memory_space<vmem_shared>>
      tpu.wait_indirect_dma semaphore(%arg15 : memref<!tpu.dma_semaphore, #tpu.memory_space<semaphore_mem>>) src(%arg8 : memref<128x128xf32, #tpu.memory_space<vmem>>) dst(%dma_wait3A_120 : memref<10112x128xf32, #tpu.memory_space<vmem_shared>>)
      %add3A_121 = arith.constant 1 : i32
      %add3A_122 = arith.addi %scan3A_69, %add3A_121 : i32
      %lt3A = arith.constant 27 : i32
      %lt3A_123 = arith.cmpi slt, %add3A_122, %lt3A : i32
      %convert_element_type3A = arith.extui %lt3A_123 : i1 to i32
      %cond3A = arith.constant 0 : i32
      %cond3A_124 = arith.cmpi ne, %convert_element_type3A, %cond3A : i32
      scf.if %cond3A_124 {
        %add3A_153 = arith.constant 0 : i32
        %add3A_154 = arith.addi %add3A_72, %add3A_153 : i32
        %add3A_155 = arith.constant 3 : i32
        %add3A_156 = arith.addi %add3A_154, %add3A_155 : i32
        "tpu.region"() ({
          %run_scoped3A = tpu.sem_alloc : memref<!tpu.dma_semaphore, #tpu.memory_space<semaphore_mem>>
          %dma_start3A_164 = arith.constant 0 : i32
          %dma_start3A_165 = arith.constant 0 : i32
          %dma_start3A_166 = tpu.memref_slice %arg3[%add3A_156, %dma_start3A_164, %dma_start3A_165] : memref<2592x2x128xi32, #tpu.memory_space<hbm>> -> memref<1x2x128xi32, #tpu.memory_space<hbm>>
          %dma_start3A_167 = tpu.memref_squeeze %dma_start3A_166 : memref<1x2x128xi32, #tpu.memory_space<hbm>> -> memref<2x128xi32, #tpu.memory_space<hbm>>
          %dma_start3A_168 = arith.constant 0 : i32
          %dma_start3A_169 = arith.constant 0 : i32
          %dma_start3A_170 = tpu.memref_slice %arg3[%add3A_156, %dma_start3A_168, %dma_start3A_169] : memref<2592x2x128xi32, #tpu.memory_space<hbm>> -> memref<1x2x128xi32, #tpu.memory_space<hbm>>
          %dma_start3A_171 = tpu.memref_squeeze %dma_start3A_170 : memref<1x2x128xi32, #tpu.memory_space<hbm>> -> memref<2x128xi32, #tpu.memory_space<hbm>>
          tpu.enqueue_dma source(%dma_start3A_171 : memref<2x128xi32, #tpu.memory_space<hbm>>) target(%arg5 : memref<2x128xi32, #tpu.memory_space<vmem>>) target_semaphore(%run_scoped3A : memref<!tpu.dma_semaphore, #tpu.memory_space<semaphore_mem>>)
          %dma_wait3A_172 = arith.constant 0 : i32
          %dma_wait3A_173 = arith.constant 0 : i32
          %dma_wait3A_174 = tpu.memref_slice %arg3[%add3A_156, %dma_wait3A_172, %dma_wait3A_173] : memref<2592x2x128xi32, #tpu.memory_space<hbm>> -> memref<1x2x128xi32, #tpu.memory_space<hbm>>
          %dma_wait3A_175 = tpu.memref_squeeze %dma_wait3A_174 : memref<1x2x128xi32, #tpu.memory_space<hbm>> -> memref<2x128xi32, #tpu.memory_space<hbm>>
          %dma_wait3A_176 = arith.constant 0 : i32
          %dma_wait3A_177 = arith.constant 0 : i32
          %dma_wait3A_178 = tpu.memref_slice %arg3[%add3A_156, %dma_wait3A_176, %dma_wait3A_177] : memref<2592x2x128xi32, #tpu.memory_space<hbm>> -> memref<1x2x128xi32, #tpu.memory_space<hbm>>
          %dma_wait3A_179 = tpu.memref_squeeze %dma_wait3A_178 : memref<1x2x128xi32, #tpu.memory_space<hbm>> -> memref<2x128xi32, #tpu.memory_space<hbm>>
          tpu.wait_dma2 semaphore(%run_scoped3A : memref<!tpu.dma_semaphore, #tpu.memory_space<semaphore_mem>>) src(%dma_wait3A_179 : memref<2x128xi32, #tpu.memory_space<hbm>>) dst(%arg5 : memref<2x128xi32, #tpu.memory_space<vmem>>)
          tpu.yield
        }) : () -> ()
        %dma_start3A_157 = arith.constant 0 : i32
        %dma_start3A_158 = arith.constant 0 : i32
        %dma_start3A_159 = tpu.memref_slice %arg5[%dma_start3A_157, %dma_start3A_158] : memref<2x128xi32, #tpu.memory_space<vmem>> -> memref<1x128xi32, #tpu.memory_space<vmem>>
        %dma_start3A_160 = tpu.memref_squeeze %dma_start3A_159 : memref<1x128xi32, #tpu.memory_space<vmem>> -> memref<128xi32, #tpu.memory_space<vmem>>
        %dma_start3A_161 = arith.constant 0 : i32
        %dma_start3A_162 = arith.constant 0 : i32
        %dma_start3A_163 = tpu.memref_slice %arg2[%dma_start3A_161, %dma_start3A_162] : memref<10112x128xf32, #tpu.memory_space<hbm>> -> memref<10112x128xf32, #tpu.memory_space<hbm>>
        tpu.enqueue_indirect_dma source(%dma_start3A_163 : memref<10112x128xf32, #tpu.memory_space<hbm>>) target(%arg8 : memref<128x128xf32, #tpu.memory_space<vmem>>) offsets(%dma_start3A_160 : memref<128xi32, #tpu.memory_space<vmem>>) semaphore(%arg12 : memref<!tpu.dma_semaphore, #tpu.memory_space<semaphore_mem>>)
      } else {
      }
      %dma_wait3A_125 = arith.constant 1 : i32
      %dma_wait3A_126 = arith.constant 0 : i32
      %dma_wait3A_127 = tpu.memref_slice %arg6[%dma_wait3A_125, %dma_wait3A_126] : memref<2x128xi32, #tpu.memory_space<vmem>> -> memref<1x128xi32, #tpu.memory_space<vmem>>
      %dma_wait3A_128 = tpu.memref_squeeze %dma_wait3A_127 : memref<1x128xi32, #tpu.memory_space<vmem>> -> memref<128xi32, #tpu.memory_space<vmem>>
      %dma_wait3A_129 = arith.constant 0 : i32
      %dma_wait3A_130 = arith.constant 0 : i32
      %dma_wait3A_131 = tpu.memref_slice %arg11[%dma_wait3A_129, %dma_wait3A_130] : memref<10112x128xf32, #tpu.memory_space<vmem_shared>> -> memref<10112x128xf32, #tpu.memory_space<vmem_shared>>
      tpu.wait_indirect_dma semaphore(%arg16 : memref<!tpu.dma_semaphore, #tpu.memory_space<semaphore_mem>>) src(%arg9 : memref<128x128xf32, #tpu.memory_space<vmem>>) dst(%dma_wait3A_131 : memref<10112x128xf32, #tpu.memory_space<vmem_shared>>)
      %add3A_132 = arith.constant 1 : i32
      %add3A_133 = arith.addi %scan3A_69, %add3A_132 : i32
      %lt3A_134 = arith.constant 27 : i32
      %lt3A_135 = arith.cmpi slt, %add3A_133, %lt3A_134 : i32
      %convert_element_type3A_136 = arith.extui %lt3A_135 : i1 to i32
      %cond3A_137 = arith.constant 0 : i32
      %cond3A_138 = arith.cmpi ne, %convert_element_type3A_136, %cond3A_137 : i32
      scf.if %cond3A_138 {
        %add3A_153 = arith.constant 1 : i32
        %add3A_154 = arith.addi %add3A_72, %add3A_153 : i32
        %add3A_155 = arith.constant 3 : i32
        %add3A_156 = arith.addi %add3A_154, %add3A_155 : i32
        "tpu.region"() ({
          %run_scoped3A = tpu.sem_alloc : memref<!tpu.dma_semaphore, #tpu.memory_space<semaphore_mem>>
          %dma_start3A_164 = arith.constant 0 : i32
          %dma_start3A_165 = arith.constant 0 : i32
          %dma_start3A_166 = tpu.memref_slice %arg3[%add3A_156, %dma_start3A_164, %dma_start3A_165] : memref<2592x2x128xi32, #tpu.memory_space<hbm>> -> memref<1x2x128xi32, #tpu.memory_space<hbm>>
          %dma_start3A_167 = tpu.memref_squeeze %dma_start3A_166 : memref<1x2x128xi32, #tpu.memory_space<hbm>> -> memref<2x128xi32, #tpu.memory_space<hbm>>
          %dma_start3A_168 = arith.constant 0 : i32
          %dma_start3A_169 = arith.constant 0 : i32
          %dma_start3A_170 = tpu.memref_slice %arg3[%add3A_156, %dma_start3A_168, %dma_start3A_169] : memref<2592x2x128xi32, #tpu.memory_space<hbm>> -> memref<1x2x128xi32, #tpu.memory_space<hbm>>
          %dma_start3A_171 = tpu.memref_squeeze %dma_start3A_170 : memref<1x2x128xi32, #tpu.memory_space<hbm>> -> memref<2x128xi32, #tpu.memory_space<hbm>>
          tpu.enqueue_dma source(%dma_start3A_171 : memref<2x128xi32, #tpu.memory_space<hbm>>) target(%arg6 : memref<2x128xi32, #tpu.memory_space<vmem>>) target_semaphore(%run_scoped3A : memref<!tpu.dma_semaphore, #tpu.memory_space<semaphore_mem>>)
          %dma_wait3A_172 = arith.constant 0 : i32
          %dma_wait3A_173 = arith.constant 0 : i32
          %dma_wait3A_174 = tpu.memref_slice %arg3[%add3A_156, %dma_wait3A_172, %dma_wait3A_173] : memref<2592x2x128xi32, #tpu.memory_space<hbm>> -> memref<1x2x128xi32, #tpu.memory_space<hbm>>
          %dma_wait3A_175 = tpu.memref_squeeze %dma_wait3A_174 : memref<1x2x128xi32, #tpu.memory_space<hbm>> -> memref<2x128xi32, #tpu.memory_space<hbm>>
          %dma_wait3A_176 = arith.constant 0 : i32
          %dma_wait3A_177 = arith.constant 0 : i32
          %dma_wait3A_178 = tpu.memref_slice %arg3[%add3A_156, %dma_wait3A_176, %dma_wait3A_177] : memref<2592x2x128xi32, #tpu.memory_space<hbm>> -> memref<1x2x128xi32, #tpu.memory_space<hbm>>
          %dma_wait3A_179 = tpu.memref_squeeze %dma_wait3A_178 : memref<1x2x128xi32, #tpu.memory_space<hbm>> -> memref<2x128xi32, #tpu.memory_space<hbm>>
          tpu.wait_dma2 semaphore(%run_scoped3A : memref<!tpu.dma_semaphore, #tpu.memory_space<semaphore_mem>>) src(%dma_wait3A_179 : memref<2x128xi32, #tpu.memory_space<hbm>>) dst(%arg6 : memref<2x128xi32, #tpu.memory_space<vmem>>)
          tpu.yield
        }) : () -> ()
        %dma_start3A_157 = arith.constant 0 : i32
        %dma_start3A_158 = arith.constant 0 : i32
        %dma_start3A_159 = tpu.memref_slice %arg6[%dma_start3A_157, %dma_start3A_158] : memref<2x128xi32, #tpu.memory_space<vmem>> -> memref<1x128xi32, #tpu.memory_space<vmem>>
        %dma_start3A_160 = tpu.memref_squeeze %dma_start3A_159 : memref<1x128xi32, #tpu.memory_space<vmem>> -> memref<128xi32, #tpu.memory_space<vmem>>
        %dma_start3A_161 = arith.constant 0 : i32
        %dma_start3A_162 = arith.constant 0 : i32
        %dma_start3A_163 = tpu.memref_slice %arg2[%dma_start3A_161, %dma_start3A_162] : memref<10112x128xf32, #tpu.memory_space<hbm>> -> memref<10112x128xf32, #tpu.memory_space<hbm>>
        tpu.enqueue_indirect_dma source(%dma_start3A_163 : memref<10112x128xf32, #tpu.memory_space<hbm>>) target(%arg9 : memref<128x128xf32, #tpu.memory_space<vmem>>) offsets(%dma_start3A_160 : memref<128xi32, #tpu.memory_space<vmem>>) semaphore(%arg13 : memref<!tpu.dma_semaphore, #tpu.memory_space<semaphore_mem>>)
      } else {
      }
      %dma_wait3A_139 = arith.constant 1 : i32
      %dma_wait3A_140 = arith.constant 0 : i32
      %dma_wait3A_141 = tpu.memref_slice %arg7[%dma_wait3A_139, %dma_wait3A_140] : memref<2x128xi32, #tpu.memory_space<vmem>> -> memref<1x128xi32, #tpu.memory_space<vmem>>
      %dma_wait3A_142 = tpu.memref_squeeze %dma_wait3A_141 : memref<1x128xi32, #tpu.memory_space<vmem>> -> memref<128xi32, #tpu.memory_space<vmem>>
      %dma_wait3A_143 = arith.constant 0 : i32
      %dma_wait3A_144 = arith.constant 0 : i32
      %dma_wait3A_145 = tpu.memref_slice %arg11[%dma_wait3A_143, %dma_wait3A_144] : memref<10112x128xf32, #tpu.memory_space<vmem_shared>> -> memref<10112x128xf32, #tpu.memory_space<vmem_shared>>
      tpu.wait_indirect_dma semaphore(%arg17 : memref<!tpu.dma_semaphore, #tpu.memory_space<semaphore_mem>>) src(%arg10 : memref<128x128xf32, #tpu.memory_space<vmem>>) dst(%dma_wait3A_145 : memref<10112x128xf32, #tpu.memory_space<vmem_shared>>)
      %add3A_146 = arith.constant 1 : i32
      %add3A_147 = arith.addi %scan3A_69, %add3A_146 : i32
      %lt3A_148 = arith.constant 27 : i32
      %lt3A_149 = arith.cmpi slt, %add3A_147, %lt3A_148 : i32
      %convert_element_type3A_150 = arith.extui %lt3A_149 : i1 to i32
      %cond3A_151 = arith.constant 0 : i32
      %cond3A_152 = arith.cmpi ne, %convert_element_type3A_150, %cond3A_151 : i32
      scf.if %cond3A_152 {
        %add3A_153 = arith.constant 2 : i32
        %add3A_154 = arith.addi %add3A_72, %add3A_153 : i32
        %add3A_155 = arith.constant 3 : i32
        %add3A_156 = arith.addi %add3A_154, %add3A_155 : i32
        "tpu.region"() ({
          %run_scoped3A = tpu.sem_alloc : memref<!tpu.dma_semaphore, #tpu.memory_space<semaphore_mem>>
          %dma_start3A_164 = arith.constant 0 : i32
          %dma_start3A_165 = arith.constant 0 : i32
          %dma_start3A_166 = tpu.memref_slice %arg3[%add3A_156, %dma_start3A_164, %dma_start3A_165] : memref<2592x2x128xi32, #tpu.memory_space<hbm>> -> memref<1x2x128xi32, #tpu.memory_space<hbm>>
          %dma_start3A_167 = tpu.memref_squeeze %dma_start3A_166 : memref<1x2x128xi32, #tpu.memory_space<hbm>> -> memref<2x128xi32, #tpu.memory_space<hbm>>
          %dma_start3A_168 = arith.constant 0 : i32
          %dma_start3A_169 = arith.constant 0 : i32
          %dma_start3A_170 = tpu.memref_slice %arg3[%add3A_156, %dma_start3A_168, %dma_start3A_169] : memref<2592x2x128xi32, #tpu.memory_space<hbm>> -> memref<1x2x128xi32, #tpu.memory_space<hbm>>
          %dma_start3A_171 = tpu.memref_squeeze %dma_start3A_170 : memref<1x2x128xi32, #tpu.memory_space<hbm>> -> memref<2x128xi32, #tpu.memory_space<hbm>>
          tpu.enqueue_dma source(%dma_start3A_171 : memref<2x128xi32, #tpu.memory_space<hbm>>) target(%arg7 : memref<2x128xi32, #tpu.memory_space<vmem>>) target_semaphore(%run_scoped3A : memref<!tpu.dma_semaphore, #tpu.memory_space<semaphore_mem>>)
          %dma_wait3A_172 = arith.constant 0 : i32
          %dma_wait3A_173 = arith.constant 0 : i32
          %dma_wait3A_174 = tpu.memref_slice %arg3[%add3A_156, %dma_wait3A_172, %dma_wait3A_173] : memref<2592x2x128xi32, #tpu.memory_space<hbm>> -> memref<1x2x128xi32, #tpu.memory_space<hbm>>
          %dma_wait3A_175 = tpu.memref_squeeze %dma_wait3A_174 : memref<1x2x128xi32, #tpu.memory_space<hbm>> -> memref<2x128xi32, #tpu.memory_space<hbm>>
          %dma_wait3A_176 = arith.constant 0 : i32
          %dma_wait3A_177 = arith.constant 0 : i32
          %dma_wait3A_178 = tpu.memref_slice %arg3[%add3A_156, %dma_wait3A_176, %dma_wait3A_177] : memref<2592x2x128xi32, #tpu.memory_space<hbm>> -> memref<1x2x128xi32, #tpu.memory_space<hbm>>
          %dma_wait3A_179 = tpu.memref_squeeze %dma_wait3A_178 : memref<1x2x128xi32, #tpu.memory_space<hbm>> -> memref<2x128xi32, #tpu.memory_space<hbm>>
          tpu.wait_dma2 semaphore(%run_scoped3A : memref<!tpu.dma_semaphore, #tpu.memory_space<semaphore_mem>>) src(%dma_wait3A_179 : memref<2x128xi32, #tpu.memory_space<hbm>>) dst(%arg7 : memref<2x128xi32, #tpu.memory_space<vmem>>)
          tpu.yield
        }) : () -> ()
        %dma_start3A_157 = arith.constant 0 : i32
        %dma_start3A_158 = arith.constant 0 : i32
        %dma_start3A_159 = tpu.memref_slice %arg7[%dma_start3A_157, %dma_start3A_158] : memref<2x128xi32, #tpu.memory_space<vmem>> -> memref<1x128xi32, #tpu.memory_space<vmem>>
        %dma_start3A_160 = tpu.memref_squeeze %dma_start3A_159 : memref<1x128xi32, #tpu.memory_space<vmem>> -> memref<128xi32, #tpu.memory_space<vmem>>
        %dma_start3A_161 = arith.constant 0 : i32
        %dma_start3A_162 = arith.constant 0 : i32
        %dma_start3A_163 = tpu.memref_slice %arg2[%dma_start3A_161, %dma_start3A_162] : memref<10112x128xf32, #tpu.memory_space<hbm>> -> memref<10112x128xf32, #tpu.memory_space<hbm>>
        tpu.enqueue_indirect_dma source(%dma_start3A_163 : memref<10112x128xf32, #tpu.memory_space<hbm>>) target(%arg10 : memref<128x128xf32, #tpu.memory_space<vmem>>) offsets(%dma_start3A_160 : memref<128xi32, #tpu.memory_space<vmem>>) semaphore(%arg14 : memref<!tpu.dma_semaphore, #tpu.memory_space<semaphore_mem>>)
      } else {
      }
    }
    %scan3A_60 = arith.constant 27 : i32
    %barrier3A_61 = arith.constant 0 : index
    tpu.barrier barrier_id(%barrier3A_61)
    %mul3A_62 = arith.constant 632 : i32
    %mul3A_63 = arith.muli %arg1, %mul3A_62 : i32
    %mul3A_64 = arith.constant 10112 : i32
    %mul3A_65 = arith.muli %arg0, %mul3A_64 : i32
    %mul3A_66 = arith.constant 632 : i32
    %mul3A_67 = arith.muli %arg1, %mul3A_66 : i32
    %add3A_68 = arith.addi %mul3A_65, %mul3A_67 : i32
    "tpu.region"() ({
      %run_scoped3A = tpu.sem_alloc : memref<!tpu.dma_semaphore, #tpu.memory_space<semaphore_mem>>
      %dma_start3A_69 = arith.constant 0 : i32
      %dma_start3A_70 = tpu.memref_slice %arg4[%add3A_68, %dma_start3A_69] : memref<20224x128xf32, #tpu.memory_space<hbm>> -> memref<632x128xf32, #tpu.memory_space<hbm>>
      %dma_start3A_71 = arith.constant 0 : i32
      %dma_start3A_72 = tpu.memref_slice %arg11[%mul3A_63, %dma_start3A_71] : memref<10112x128xf32, #tpu.memory_space<vmem_shared>> -> memref<632x128xf32, #tpu.memory_space<vmem_shared>>
      tpu.enqueue_dma source(%dma_start3A_72 : memref<632x128xf32, #tpu.memory_space<vmem_shared>>) target(%dma_start3A_70 : memref<632x128xf32, #tpu.memory_space<hbm>>) target_semaphore(%run_scoped3A : memref<!tpu.dma_semaphore, #tpu.memory_space<semaphore_mem>>)
      %dma_wait3A = arith.constant 0 : i32
      %dma_wait3A_73 = tpu.memref_slice %arg4[%add3A_68, %dma_wait3A] : memref<20224x128xf32, #tpu.memory_space<hbm>> -> memref<632x128xf32, #tpu.memory_space<hbm>>
      %dma_wait3A_74 = arith.constant 0 : i32
      %dma_wait3A_75 = tpu.memref_slice %arg11[%mul3A_63, %dma_wait3A_74] : memref<10112x128xf32, #tpu.memory_space<vmem_shared>> -> memref<632x128xf32, #tpu.memory_space<vmem_shared>>
      tpu.wait_dma2 semaphore(%run_scoped3A : memref<!tpu.dma_semaphore, #tpu.memory_space<semaphore_mem>>) src(%dma_wait3A_75 : memref<632x128xf32, #tpu.memory_space<vmem_shared>>) dst(%dma_wait3A_73 : memref<632x128xf32, #tpu.memory_space<hbm>>)
      tpu.yield
    }) : () -> ()
    return
  }
}

module attributes {stable_mosaic.version = 14 : i64} {
  func.func @_tc_a_body(%arg0: i32, %arg1: memref<632x128xf32, #tpu.memory_space<vmem>>, %arg2: memref<128x128xf32, #tpu.memory_space<vmem>>, %arg3: memref<1x128xf32, #tpu.memory_space<vmem>>, %arg4: memref<128x128xf32, #tpu.memory_space<vmem>>, %arg5: memref<1x128xf32, #tpu.memory_space<vmem>>, %arg6: memref<632x128xf32, #tpu.memory_space<vmem>>, %arg7: memref<632x128xf32, #tpu.memory_space<vmem>>) attributes {dimension_semantics = [#tpu.dimension_semantics<arbitrary>], iteration_bounds = array<i64: 16>, scalar_prefetch = 0 : i64, scratch_operands = 0 : i64, tpu.core_type = #tpu.core_type<tc>, window_params = [{transform_indices = @transform_0, window_bounds = array<i64: 632, 128>}, {pipeline_mode = #tpu.pipeline_mode<synchronous>, transform_indices = @transform_1, window_bounds = array<i64: 128, 128>}, {pipeline_mode = #tpu.pipeline_mode<synchronous>, transform_indices = @transform_2, window_bounds = array<i64: 1, 128>}, {pipeline_mode = #tpu.pipeline_mode<synchronous>, transform_indices = @transform_3, window_bounds = array<i64: 128, 128>}, {pipeline_mode = #tpu.pipeline_mode<synchronous>, transform_indices = @transform_4, window_bounds = array<i64: 1, 128>}, {transform_indices = @transform_5, window_bounds = array<i64: 632, 128>}, {transform_indices = @transform_6, window_bounds = array<i64: 632, 128>}]} {
    %get3A = arith.constant 0 : index
    %get3A_0 = arith.constant 0 : index
    %get3A_1 = vector.load %arg1[%get3A, %get3A_0] : memref<632x128xf32, #tpu.memory_space<vmem>>, vector<632x128xf32>
    %get3A_2 = arith.constant 0 : index
    %get3A_3 = arith.constant 0 : index
    %get3A_4 = vector.load %arg2[%get3A_2, %get3A_3] : memref<128x128xf32, #tpu.memory_space<vmem>>, vector<128x128xf32>
    %dot_general3A = arith.constant dense<0.000000e+00> : vector<632x128xf32>
    %dot_general3A_5 = tpu.matmul %get3A_1, %get3A_4, %dot_general3A {dimension_numbers = #tpu.dot_dimension_numbers<[1], [0], [0], [1], [0, 0, 1, 1], [], []>, transpose_lhs_hint = false} : vector<632x128xf32>, vector<128x128xf32>, vector<632x128xf32> -> vector<632x128xf32>
    %get3A_6 = arith.constant 0 : index
    %get3A_7 = arith.constant 0 : index
    %get3A_8 = vector.load %arg3[%get3A_6, %get3A_7] : memref<1x128xf32, #tpu.memory_space<vmem>>, vector<1x128xf32>
    %add3A = vector.broadcast %get3A_8 : vector<1x128xf32> to vector<632x128xf32>
    %add3A_9 = arith.addf %dot_general3A_5, %add3A : vector<632x128xf32>
    %max3A = arith.constant 0.000000e+00 : f32
    %max3A_10 = vector.broadcast %max3A : f32 to vector<632x128xf32>
    %max3A_11 = arith.maximumf %add3A_9, %max3A_10 : vector<632x128xf32>
    %get3A_12 = arith.constant 0 : index
    %get3A_13 = arith.constant 0 : index
    %get3A_14 = vector.load %arg4[%get3A_12, %get3A_13] : memref<128x128xf32, #tpu.memory_space<vmem>>, vector<128x128xf32>
    %dot_general3A_15 = arith.constant dense<0.000000e+00> : vector<632x128xf32>
    %dot_general3A_16 = tpu.matmul %max3A_11, %get3A_14, %dot_general3A_15 {dimension_numbers = #tpu.dot_dimension_numbers<[1], [0], [0], [1], [0, 0, 1, 1], [], []>, transpose_lhs_hint = false} : vector<632x128xf32>, vector<128x128xf32>, vector<632x128xf32> -> vector<632x128xf32>
    %get3A_17 = arith.constant 0 : index
    %get3A_18 = arith.constant 0 : index
    %get3A_19 = vector.load %arg5[%get3A_17, %get3A_18] : memref<1x128xf32, #tpu.memory_space<vmem>>, vector<1x128xf32>
    %add3A_20 = vector.broadcast %get3A_19 : vector<1x128xf32> to vector<632x128xf32>
    %add3A_21 = arith.addf %dot_general3A_16, %add3A_20 : vector<632x128xf32>
    %get3A_22 = arith.constant 0 : index
    %get3A_23 = arith.constant 0 : index
    %get3A_24 = vector.load %arg6[%get3A_22, %get3A_23] : memref<632x128xf32, #tpu.memory_space<vmem>>, vector<632x128xf32>
    %mul3A = arith.mulf %add3A_21, %get3A_24 : vector<632x128xf32>
    %swap3A = arith.constant 0 : index
    %swap3A_25 = arith.constant 0 : index
    %swap3A_26 = vector.load %arg7[%swap3A, %swap3A_25] : memref<632x128xf32, #tpu.memory_space<vmem>>, vector<632x128xf32>
    tpu.vector_store %arg7[%swap3A, %swap3A_25], %mul3A {strides = array<i32>} : memref<632x128xf32, #tpu.memory_space<vmem>>, vector<632x128xf32>,
    return
  }
  func.func @transform_0(%arg0: i32) -> (i32, i32) {
    %c0_i32 = arith.constant 0 : i32
    %c0_i32_0 = arith.constant 0 : i32
    return %arg0, %c0_i32 : i32, i32
  }
  func.func @transform_1(%arg0: i32) -> (i32, i32) {
    %c0_i32 = arith.constant 0 : i32
    %c0_i32_0 = arith.constant 0 : i32
    %c0_i32_1 = arith.constant 0 : i32
    return %c0_i32, %c0_i32_0 : i32, i32
  }
  func.func @transform_2(%arg0: i32) -> (i32, i32) {
    %c0_i32 = arith.constant 0 : i32
    %c0_i32_0 = arith.constant 0 : i32
    %c0_i32_1 = arith.constant 0 : i32
    return %c0_i32, %c0_i32_0 : i32, i32
  }
  func.func @transform_3(%arg0: i32) -> (i32, i32) {
    %c0_i32 = arith.constant 0 : i32
    %c0_i32_0 = arith.constant 0 : i32
    %c0_i32_1 = arith.constant 0 : i32
    return %c0_i32, %c0_i32_0 : i32, i32
  }
  func.func @transform_4(%arg0: i32) -> (i32, i32) {
    %c0_i32 = arith.constant 0 : i32
    %c0_i32_0 = arith.constant 0 : i32
    %c0_i32_1 = arith.constant 0 : i32
    return %c0_i32, %c0_i32_0 : i32, i32
  }
  func.func @transform_5(%arg0: i32) -> (i32, i32) {
    %c0_i32 = arith.constant 0 : i32
    %c0_i32_0 = arith.constant 0 : i32
    return %arg0, %c0_i32 : i32, i32
  }
  func.func @transform_6(%arg0: i32) -> (i32, i32) {
    %c0_i32 = arith.constant 0 : i32
    %c0_i32_0 = arith.constant 0 : i32
    return %arg0, %c0_i32 : i32, i32
  }
}

module attributes {stable_mosaic.version = 14 : i64} {
  func.func @_tc_comb_body(%arg0: i32, %arg1: memref<632x128xf32, #tpu.memory_space<vmem>>, %arg2: memref<632x128xf32, #tpu.memory_space<vmem>>, %arg3: memref<632x128xf32, #tpu.memory_space<vmem>>, %arg4: memref<632x128xf32, #tpu.memory_space<vmem>>) attributes {dimension_semantics = [#tpu.dimension_semantics<arbitrary>], iteration_bounds = array<i64: 16>, scalar_prefetch = 0 : i64, scratch_operands = 0 : i64, tpu.core_type = #tpu.core_type<tc>, window_params = [{transform_indices = @transform_0, window_bounds = array<i64: 632, 128>}, {transform_indices = @transform_1, window_bounds = array<i64: 632, 128>}, {transform_indices = @transform_2, window_bounds = array<i64: 632, 128>}, {transform_indices = @transform_3, window_bounds = array<i64: 632, 128>}]} {
    %get3A = arith.constant 0 : index
    %get3A_0 = arith.constant 0 : index
    %get3A_1 = vector.load %arg1[%get3A, %get3A_0] : memref<632x128xf32, #tpu.memory_space<vmem>>, vector<632x128xf32>
    %get3A_2 = arith.constant 0 : index
    %get3A_3 = arith.constant 0 : index
    %get3A_4 = vector.load %arg2[%get3A_2, %get3A_3] : memref<632x128xf32, #tpu.memory_space<vmem>>, vector<632x128xf32>
    %add3A = arith.addf %get3A_1, %get3A_4 : vector<632x128xf32>
    %get3A_5 = arith.constant 0 : index
    %get3A_6 = arith.constant 0 : index
    %get3A_7 = vector.load %arg3[%get3A_5, %get3A_6] : memref<632x128xf32, #tpu.memory_space<vmem>>, vector<632x128xf32>
    %mul3A = arith.mulf %add3A, %get3A_7 : vector<632x128xf32>
    %swap3A = arith.constant 0 : index
    %swap3A_8 = arith.constant 0 : index
    %swap3A_9 = vector.load %arg4[%swap3A, %swap3A_8] : memref<632x128xf32, #tpu.memory_space<vmem>>, vector<632x128xf32>
    tpu.vector_store %arg4[%swap3A, %swap3A_8], %mul3A {strides = array<i32>} : memref<632x128xf32, #tpu.memory_space<vmem>>, vector<632x128xf32>,
    return
  }
  func.func @transform_0(%arg0: i32) -> (i32, i32) {
    %c0_i32 = arith.constant 0 : i32
    %c0_i32_0 = arith.constant 0 : i32
    return %arg0, %c0_i32 : i32, i32
  }
  func.func @transform_1(%arg0: i32) -> (i32, i32) {
    %add3A = arith.constant 16 : i32
    %add3A_0 = arith.addi %arg0, %add3A : i32
    %c0_i32 = arith.constant 0 : i32
    %c0_i32_1 = arith.constant 0 : i32
    return %add3A_0, %c0_i32 : i32, i32
  }
  func.func @transform_2(%arg0: i32) -> (i32, i32) {
    %c0_i32 = arith.constant 0 : i32
    %c0_i32_0 = arith.constant 0 : i32
    return %arg0, %c0_i32 : i32, i32
  }
  func.func @transform_3(%arg0: i32) -> (i32, i32) {
    %c0_i32 = arith.constant 0 : i32
    %c0_i32_0 = arith.constant 0 : i32
    return %arg0, %c0_i32 : i32, i32
  }
}

module attributes {stable_mosaic.version = 14 : i64} {
  func.func @_tc_comb_body(%arg0: i32, %arg1: memref<632x128xf32, #tpu.memory_space<vmem>>, %arg2: memref<632x128xf32, #tpu.memory_space<vmem>>, %arg3: memref<632x128xf32, #tpu.memory_space<vmem>>, %arg4: memref<632x128xf32, #tpu.memory_space<vmem>>) attributes {dimension_semantics = [#tpu.dimension_semantics<arbitrary>], iteration_bounds = array<i64: 16>, scalar_prefetch = 0 : i64, scratch_operands = 0 : i64, tpu.core_type = #tpu.core_type<tc>, window_params = [{transform_indices = @transform_0, window_bounds = array<i64: 632, 128>}, {transform_indices = @transform_1, window_bounds = array<i64: 632, 128>}, {transform_indices = @transform_2, window_bounds = array<i64: 632, 128>}, {transform_indices = @transform_3, window_bounds = array<i64: 632, 128>}]} {
    %get3A = arith.constant 0 : index
    %get3A_0 = arith.constant 0 : index
    %get3A_1 = vector.load %arg1[%get3A, %get3A_0] : memref<632x128xf32, #tpu.memory_space<vmem>>, vector<632x128xf32>
    %get3A_2 = arith.constant 0 : index
    %get3A_3 = arith.constant 0 : index
    %get3A_4 = vector.load %arg2[%get3A_2, %get3A_3] : memref<632x128xf32, #tpu.memory_space<vmem>>, vector<632x128xf32>
    %add3A = arith.addf %get3A_1, %get3A_4 : vector<632x128xf32>
    %get3A_5 = arith.constant 0 : index
    %get3A_6 = arith.constant 0 : index
    %get3A_7 = vector.load %arg3[%get3A_5, %get3A_6] : memref<632x128xf32, #tpu.memory_space<vmem>>, vector<632x128xf32>
    %mul3A = arith.mulf %add3A, %get3A_7 : vector<632x128xf32>
    %swap3A = arith.constant 0 : index
    %swap3A_8 = arith.constant 0 : index
    %swap3A_9 = vector.load %arg4[%swap3A, %swap3A_8] : memref<632x128xf32, #tpu.memory_space<vmem>>, vector<632x128xf32>
    tpu.vector_store %arg4[%swap3A, %swap3A_8], %mul3A {strides = array<i32>} : memref<632x128xf32, #tpu.memory_space<vmem>>, vector<632x128xf32>,
    return
  }
  func.func @transform_0(%arg0: i32) -> (i32, i32) {
    %c0_i32 = arith.constant 0 : i32
    %c0_i32_0 = arith.constant 0 : i32
    return %arg0, %c0_i32 : i32, i32
  }
  func.func @transform_1(%arg0: i32) -> (i32, i32) {
    %add3A = arith.constant 16 : i32
    %add3A_0 = arith.addi %arg0, %add3A : i32
    %c0_i32 = arith.constant 0 : i32
    %c0_i32_1 = arith.constant 0 : i32
    return %add3A_0, %c0_i32 : i32, i32
  }
  func.func @transform_2(%arg0: i32) -> (i32, i32) {
    %c0_i32 = arith.constant 0 : i32
    %c0_i32_0 = arith.constant 0 : i32
    return %arg0, %c0_i32 : i32, i32
  }
  func.func @transform_3(%arg0: i32) -> (i32, i32) {
    %c0_i32 = arith.constant 0 : i32
    %c0_i32_0 = arith.constant 0 : i32
    return %arg0, %c0_i32 : i32, i32
  }
}

module attributes {stable_mosaic.version = 14 : i64} {
  func.func @_tc_b_body(%arg0: i32, %arg1: memref<632x128xf32, #tpu.memory_space<vmem>>, %arg2: memref<128x128xf32, #tpu.memory_space<vmem>>, %arg3: memref<1x128xf32, #tpu.memory_space<vmem>>, %arg4: memref<632x128xf32, #tpu.memory_space<vmem>>, %arg5: memref<632x128xf32, #tpu.memory_space<vmem>>) attributes {dimension_semantics = [#tpu.dimension_semantics<arbitrary>], iteration_bounds = array<i64: 16>, scalar_prefetch = 0 : i64, scratch_operands = 0 : i64, tpu.core_type = #tpu.core_type<tc>, window_params = [{transform_indices = @transform_0, window_bounds = array<i64: 632, 128>}, {pipeline_mode = #tpu.pipeline_mode<synchronous>, transform_indices = @transform_1, window_bounds = array<i64: 128, 128>}, {pipeline_mode = #tpu.pipeline_mode<synchronous>, transform_indices = @transform_2, window_bounds = array<i64: 1, 128>}, {transform_indices = @transform_3, window_bounds = array<i64: 632, 128>}, {transform_indices = @transform_4, window_bounds = array<i64: 632, 128>}]} {
    %get3A = arith.constant 0 : index
    %get3A_0 = arith.constant 0 : index
    %get3A_1 = vector.load %arg1[%get3A, %get3A_0] : memref<632x128xf32, #tpu.memory_space<vmem>>, vector<632x128xf32>
    %max3A = arith.constant 0.000000e+00 : f32
    %max3A_2 = vector.broadcast %max3A : f32 to vector<632x128xf32>
    %max3A_3 = arith.maximumf %get3A_1, %max3A_2 : vector<632x128xf32>
    %get3A_4 = arith.constant 0 : index
    %get3A_5 = arith.constant 0 : index
    %get3A_6 = vector.load %arg2[%get3A_4, %get3A_5] : memref<128x128xf32, #tpu.memory_space<vmem>>, vector<128x128xf32>
    %dot_general3A = arith.constant dense<0.000000e+00> : vector<632x128xf32>
    %dot_general3A_7 = tpu.matmul %max3A_3, %get3A_6, %dot_general3A {dimension_numbers = #tpu.dot_dimension_numbers<[1], [0], [0], [1], [0, 0, 1, 1], [], []>, transpose_lhs_hint = false} : vector<632x128xf32>, vector<128x128xf32>, vector<632x128xf32> -> vector<632x128xf32>
    %get3A_8 = arith.constant 0 : index
    %get3A_9 = arith.constant 0 : index
    %get3A_10 = vector.load %arg3[%get3A_8, %get3A_9] : memref<1x128xf32, #tpu.memory_space<vmem>>, vector<1x128xf32>
    %add3A = vector.broadcast %get3A_10 : vector<1x128xf32> to vector<632x128xf32>
    %add3A_11 = arith.addf %dot_general3A_7, %add3A : vector<632x128xf32>
    %get3A_12 = arith.constant 0 : index
    %get3A_13 = arith.constant 0 : index
    %get3A_14 = vector.load %arg4[%get3A_12, %get3A_13] : memref<632x128xf32, #tpu.memory_space<vmem>>, vector<632x128xf32>
    %mul3A = arith.mulf %add3A_11, %get3A_14 : vector<632x128xf32>
    %swap3A = arith.constant 0 : index
    %swap3A_15 = arith.constant 0 : index
    %swap3A_16 = vector.load %arg5[%swap3A, %swap3A_15] : memref<632x128xf32, #tpu.memory_space<vmem>>, vector<632x128xf32>
    tpu.vector_store %arg5[%swap3A, %swap3A_15], %mul3A {strides = array<i32>} : memref<632x128xf32, #tpu.memory_space<vmem>>, vector<632x128xf32>,
    return
  }
  func.func @transform_0(%arg0: i32) -> (i32, i32) {
    %c0_i32 = arith.constant 0 : i32
    %c0_i32_0 = arith.constant 0 : i32
    return %arg0, %c0_i32 : i32, i32
  }
  func.func @transform_1(%arg0: i32) -> (i32, i32) {
    %c0_i32 = arith.constant 0 : i32
    %c0_i32_0 = arith.constant 0 : i32
    %c0_i32_1 = arith.constant 0 : i32
    return %c0_i32, %c0_i32_0 : i32, i32
  }
  func.func @transform_2(%arg0: i32) -> (i32, i32) {
    %c0_i32 = arith.constant 0 : i32
    %c0_i32_0 = arith.constant 0 : i32
    %c0_i32_1 = arith.constant 0 : i32
    return %c0_i32, %c0_i32_0 : i32, i32
  }
  func.func @transform_3(%arg0: i32) -> (i32, i32) {
    %c0_i32 = arith.constant 0 : i32
    %c0_i32_0 = arith.constant 0 : i32
    return %arg0, %c0_i32 : i32, i32
  }
  func.func @transform_4(%arg0: i32) -> (i32, i32) {
    %c0_i32 = arith.constant 0 : i32
    %c0_i32_0 = arith.constant 0 : i32
    return %arg0, %c0_i32 : i32, i32
  }
}

</mosaic_0001>

<sc_bundles>
// kernel: body.10.cloned.1.call-start
scs
__scs_entry_jumppad:
0x0: {  	(pc) =	sbr.rel $0x88, $3  }
0x1: {  	(tag) =	ssettag $0x0;
	lr =	simm.s32 $0x1  }
0x2: {  	[smem:$0x3F98] =	sst lr;
	_ =	strace $0xD0000000  }
0x3: {  	_ = 	snop  }
0x4: {  	_ = 	snop  }
0x5: {  	_ = 	snop  }
0x6: {  	_ = 	snop  }
0x7: {  	_ = 	snop  }
__scs_overlays_trampoline_lowered:
0x8: {  	[smem:$0x3FA7] =	sst s0  }
0x9: {  	[smem:$0x3FA8] =	sst s1  }
0xa: {  	[smem:$0x3FA9] =	sst s2  }
0xb: {  	[smem:$0x3FAA] =	sst s3  }
0xc: {  	[smem:$0x3FAB] =	sst s4  }
0xd: {  	[smem:$0x3FAC] =	sst s5  }
0xe: {  	[smem:$0x3FAD] =	sst s6  }
0xf: {  	[smem:$0x3FAE] =	sst s7  }
0x10: {  	[smem:$0x3FAF] =	sst s8  }
0x11: {  	[smem:$0x3FB0] =	sst s9;
	s0 =	simm.s32 @!p0 $0x0  }
0x12: {  	s1 =	sld [smem:$0x3F96];
	s0 =	simm.s32 @p0 $0x1  }
0x13: {  	[smem:$0x3FB1] =	sst s0;
	s0 =	simm.s32 @!p1 $0x0  }
0x14: {  	s2 =	sld [smem:$0x3F95];
	s0 =	simm.s32 @p1 $0x1  }
0x15: {  	[smem:$0x3FB2] =	sst s0;
	s0 =	simm.s32 @!p2 $0x0  }
0x16: {  	s3 =	sld [smem:$0x3FDB];
	s0 =	simm.s32 @p2 $0x1  }
0x17: {  	s4 =	simm.s32 $0x1BF5;
	[smem:$0x3FB4] =	sst s0  }
0x18: {  	s0 =	sld [smem:$0x3F97];
	_ =	swait.ge [sflag:s4], $0x0  }
0x19: {  	s7 =	sld [smem:$0x3F98]  }
0x1a: {  	s8 =	sadd.s32 $0xFFFFE003, lr  }
0x1b: {  	s9 =	sadd.s32 $0xFFFFFEF7, lr;
	s5 =	simm.s32 $0xFFFFFFFF;
	p2 =	slt.u32 s8, $0xFFFFF086  }
0x1c: {  	p1 =	slt.u32 s9, $0xF7A;
	s5 =	simm.s32 @!p2 $0x0  }
0x1d: {  	s5 =	simm.s32 @p1 $0x1;
	p0 =	seq.s32 s7, s2  }
0x1e: {  	s7 =	smul.u32 @!p0 $0xF7A, s2;
	p2 =	seq.s32 @!p0 s5, $0x0  }
0x1f: {  	s9 =	smul.u32 $0xF7A, s1;
	s8 =	simm.s32 @!p0 $0x1BF5;
	p2 =	por !p2, p0  }
0x20: {  	[sflag:s8] =	ssyncset.s32 @!p0 $0xFFFFF086;
	s6 =	sadd.s32 @!p0 s3, s7;
	s7 =	simm.s32 @!p0 $0x108  }
0x21: {  	s3 =	sadd.s32 s3, s9;
	s6 =	sadd.s32 @!p0 $0x88, s6;
	s7 =	simm.s32 @p2 $0x1082  }
0x22: {  	[simem:s7], [sflag:s8] =	dma.local @!p0 [hbm:s6], $0xF7A  }
0x23: {  	s9 =	sor.u32 $0xD0000000, s2;
	s6 =	simm.s32 $0x108;
	_ =	swait.ge @!p0 [sflag:s8], $0x0  }
0x24: {  	s3 =	sadd.s32 $0x88, s3;
	s6 =	simm.s32 @!p1 $0x1082;
	[sflag:s4] =	ssyncset.s32 $0xFFFFF086  }
0x25: {  	[simem:s6], [sflag:s4] =	dma.local [hbm:s3], $0xF7A  }
0x26: {  	[smem:$0x3F98] =	sst s1;
	(tag) =	ssettag s2;
	_ =	strace s9  }
0x27: {  	s1 =	sld [smem:$0x3FA8]  }
0x28: {  	s2 =	sld [smem:$0x3FA9]  }
0x29: {  	s4 =	sld [smem:$0x3FAB]  }
0x2a: {  	p0 =	seq.s32 s5, $0x0;
	s5 =	sld [smem:$0x3FAC]  }
0x2b: {  	s6 =	sld [smem:$0x3FAD]  }
0x2c: {  	s7 =	sld [smem:$0x3FAE]  }
0x2d: {  	s3 =	simm.s32 $0x108;
	s8 =	sld [smem:$0x3FAF]  }
0x2e: {  	s3 =	simm.s32 @!p0 $0x1082;
	s9 =	sld [smem:$0x3FB0]  }
0x2f: {  	lr =	sadd.s32 s0, s3;
	s0 =	sld [smem:$0x3FA7]  }
0x30: {  	s3 =	sld [smem:$0x3FAA]  }
0x31: {  	[smem:$0x3FB3] =	sst s10  }
0x32: {  	s10 =	sld [smem:$0x3FB1];
	_ =	sdelay $0x3  }
0x33: {  	p0 =	seq.s32 s10, $0x1;
	s10 =	sld [smem:$0x3FB3];
	_ =	sdelay $0x3  }
0x34: {  	[smem:$0x3FB3] =	sst s10  }
0x35: {  	s10 =	sld [smem:$0x3FB2];
	_ =	sdelay $0x3  }
0x36: {  	p1 =	seq.s32 s10, $0x1;
	s10 =	sld [smem:$0x3FB3];
	_ =	sdelay $0x3  }
0x37: {  	[smem:$0x3FB3] =	sst s10  }
0x38: {  	s10 =	sld [smem:$0x3FB4]  }
0x39: {  	_ = 	snop;
	(pc) =	sbr.ind lr, $3  }
0x3a: {  	_ = 	snop  }
0x3b: {  	_ = 	snop  }
0x3c: {  	p2 =	seq.s32 s10, $0x1;
	s10 =	sld [smem:$0x3FB3]  }
0x3d: {  	_ =	shalt  }
0x3e: {  	_ =	shalt  }
0x3f: {  	_ =	shalt  }
0x40: {  	_ =	shalt  }
0x41: {  	_ =	shalt  }
0x42: {  	_ =	shalt  }
0x43: {  	_ =	shalt  }
0x44: {  	_ =	shalt  }
0x45: {  	_ =	shalt  }
0x46: {  	_ =	shalt  }
0x47: {  	_ =	shalt  }
0x48: {  	_ =	shalt  }
0x49: {  	_ =	shalt  }
0x4a: {  	_ =	shalt  }
0x4b: {  	_ =	shalt  }
0x4c: {  	_ =	shalt  }
0x4d: {  	_ =	shalt  }
0x4e: {  	_ =	shalt  }
0x4f: {  	_ =	shalt  }
0x50: {  	_ =	shalt  }
0x51: {  	_ =	shalt  }
0x52: {  	_ =	shalt  }
0x53: {  	_ =	shalt  }
0x54: {  	_ =	shalt  }
0x55: {  	_ =	shalt  }
0x56: {  	_ =	shalt  }
0x57: {  	_ =	shalt  }
0x58: {  	_ =	shalt  }
0x59: {  	_ =	shalt  }
0x5a: {  	_ =	shalt  }
0x5b: {  	_ =	shalt  }
0x5c: {  	_ =	shalt  }
0x5d: {  	_ =	shalt  }
0x5e: {  	_ =	shalt  }
0x5f: {  	_ =	shalt  }
0x60: {  	_ =	shalt  }
0x61: {  	_ =	shalt  }
0x62: {  	_ =	shalt  }
0x63: {  	_ =	shalt  }
0x64: {  	_ =	shalt  }
0x65: {  	_ =	shalt  }
0x66: {  	_ =	shalt  }
0x67: {  	_ =	shalt  }
0x68: {  	_ =	shalt  }
0x69: {  	_ =	shalt  }
0x6a: {  	_ =	shalt  }
0x6b: {  	_ =	shalt  }
0x6c: {  	_ =	shalt  }
0x6d: {  	_ =	shalt  }
0x6e: {  	_ =	shalt  }
0x6f: {  	_ =	shalt  }
0x70: {  	_ =	shalt  }
0x71: {  	_ =	shalt  }
0x72: {  	_ =	shalt  }
0x73: {  	_ =	shalt  }
0x74: {  	_ =	shalt  }
0x75: {  	_ =	shalt  }
0x76: {  	_ =	shalt  }
0x77: {  	_ =	shalt  }
0x78: {  	_ =	shalt  }
0x79: {  	_ =	shalt  }
0x7a: {  	_ =	shalt  }
0x7b: {  	_ =	shalt  }
0x7c: {  	_ =	shalt  }
0x7d: {  	_ =	shalt  }
0x7e: {  	_ =	shalt  }
0x7f: {  	_ =	shalt  }
0x80: {  	_ =	shalt  }
0x81: {  	_ =	shalt  }
0x82: {  	_ =	shalt  }
0x83: {  	_ =	shalt  }
0x84: {  	_ =	shalt  }
0x85: {  	_ =	shalt  }
0x86: {  	_ =	shalt  }
0x87: {  	_ =	shalt  }
.Lfunc_end0:
.L_simem_size_0:
called_computation.1_lowered:
.L_overlay_start_0:
0x88: {  	s2 =	sld [smem:$0x3FD9]  }
0x89: {  	s3 =	sld [smem:$0x3FFE];
	_ =	sdelay $0x1  }
0x8a: {  	s1 =	srdreg.scid  }
0x8b: {  	s0 =	sand.u32 $0x1, s1  }
0x8c: {  	s16 =	sshll.u32 s0, $0xA;
	s2 =	sadd.s32 s3, s2  }
0x8d: {  	s2 =	sadd.s32 s2, s16  }
0x8e: {  	[smem:$0x3FBF] =	sst s2  }
0x8f: {  	_ = 	snop  }
0x90: {  	(tm) =	ssettm $0x1  }
0x91: {  	s17 =	sld [smem:$0x3FFB];
	_ =	sdelay $0x3  }
0x92: {  	_ =	strace s17  }
0x93: {  	s2 =	sld [smem:$0x3FFC];
	_ =	sdelay $0x3  }
0x94: {  	_ =	strace s2  }
0x95: {  	s2 =	sld [smem:$0x3FFD];
	_ =	sdelay $0x3  }
0x96: {  	_ =	strace s2  }
0x97: {  	_ =	strace $0x8FFFFFFF  }
0x98: {  	s18 =	sld [smem:$0x3FDB];
	_ =	sdelay $0x1  }
0x99: {  	s19 =	simm.s32 $_scs_section_size  }
0x9a: {  	s4 =	simm.s32 $_size__tile_overlayer_lowered;
	s5 =	simm.s32 $_tile_overlayer_lowered  }
0x9b: {  	s22 =	simm.s32 $0x1BFF;
	s21 =	sshll.u32 s5, $0x1;
	s2 =	sadd.s32 s19, s18  }
0x9c: {  	s6 =	simm.s32 $0x0;
	s20 =	sshll.u32 s4, $0x1;
	s4 =	sadd.s32 s21, s2  }
0x9d: {  	[timem:s6], [sflag:s22] =	dma.local [hbm:s4], s20  }
0x9e: {  	_ =	swait.ge [sflag:s22], s20  }
0x9f: {  	s3 =	ssub.s32 $0x0, s20;
	[sflag:s22] =	ssyncset.done $0x0  }
0xa0: {  	[sflag:s22] =	ssyncadd.s32 s3;
	_ =	sdelay $0x1  }
0xa1: {  	s23 =	simm.s32 $0x1B8B  }
0xa2: {  	_ =	swait.ge [sflag:s23], $0x1  }
0xa3: {  	[sflag:s23] =	ssyncset.done $0x0  }
0xa4: {  	s25 =	simm.s32 $0x1B8E;
	s24 =	sld [smem:$0x3FFE];
	[sflag:s23] =	ssyncadd.s32 $0xFFFFFFFF  }
0xa5: {  	s26 =	simm.s32 $execute0_lowered;
	[smem:$0x3FD2] =	sst s25  }
0xa6: {  	s4 =	sshll.u32 s26, $0x1;
	_ =	strace $0x8000004F;
	[dreg:$0x1] =	wrdreg $0xFFFFFFFF  }
0xa7: {  	s28 =	simm.s32 $_size_execute0_lowered;
	s2 =	sadd.s32 s2, s4;
	[dreg:$0x0] =	wrdreg $0x0  }
0xa8: {  	s4 =	sshll.u32 s28, $0x1;
	[dreg:$0x2] =	wrdreg s2  }
0xa9: {  	[dreg:$0x3] =	wrdreg s4  }
0xaa: {  	[dreg:$0x4] =	wrdreg $0xC0  }
0xab: {  	_ =	task [dreg:s6], $0x5FFFF  }
0xac: {  	[dreg:$0x1] =	wrdreg $0xFFFFFFFF  }
0xad: {  	[dreg:$0x0] =	wrdreg $0x60  }
0xae: {  	[dreg:$0x2] =	wrdreg s24  }
0xaf: {  	[dreg:$0x3] =	wrdreg $0xC3000  }
0xb0: {  	[dreg:$0x4] =	wrdreg $0x9  }
0xb1: {  	_ =	task.clear_ibuf [dreg:s6], $0x5FFFF;
	_ =	strace $0x9000004F  }
0xb2: {  	s29 =	simm.s32 $0x9;
	_ =	strace $0x80000051  }
0xb3: {  	_ =	swait.ge [sflag:s29], $0x1  }
0xb4: {  	[sflag:s29] =	ssyncadd.s32 $0xFFFFFFFF  }
0xb5: {  	_ =	strace $0x90000051  }
0xb6: {  	_ =	sfence  }
0xb7: {  	s30 =	sld [smem:$0x0];
	_ =	sdelay $0x2  }
0xb8: {  	s31 =	sshll.u32 s1, $0xD;
	s1 =	sshrl.u32 s1, $0x2  }
0xb9: {  	s3 =	sand.u32 $0x4000, s31;
	s1 =	sadd.s32 s1, s30  }
0xba: {  	s0 =	sor.u32 s3, s0;
	s1 =	sshll.u32 s1, $0x11  }
0xbb: {  	s0 =	sor.u32 s1, s0  }
0xbc: {  	s0 =	sadd.s32 $0x8F2B, s0  }
0xbd: {  	[sflag:s0] =	ssyncadd.remote.s32 $0x1  }
0xbe: {  	_ =	sfence.sel $0xFFFF  }
0xbf: {  	[dreg:$0x0] =	wrdreg $0xFFFFFFFF;
	(pc) =	sbr.abs _section_cstart, $3  }
0xc0: {  	[dreg:$0x1] =	wrdreg $0xFFFFFFFF  }
0xc1: {  	_ =	task.clear_ibuf [dreg:s6], $0x2FFFF;
	_ =	strace $0x9FFFFFFF  }
0xc2: {  	(tm) =	ssettm $0x7FFFFFFF  }
0xc3: {  	_ =	shalt  }
tec
execute0_lowered:
.L_overlay_start_1:
0x0: {  	(tag) =	ssettag $0x1  }
0x1: {  	s0 =	rddreg [dreg:$0x0]  }
0x2: {  	s2 =	rddreg [dreg:$0x1];
	s1 =	srdreg.scid  }
0x3: {  	s12 =	stileid.u32;
	s3 =	simm.s32 $0x0;
	s17 =	simm.s32 $0x7  }
0x4: {  	s18 =	simm.s32 $0x80;
	s19 =	simm.s32 $0x100;
	s20 =	simm.s32 $0x4300  }
0x5: {  	s28 =	simm.s32 $0x280;
	s29 =	simm.s32 $0x4;
	s5 =	smul.u32 $0x2780, s12  }
0x6: {  	s30 =	simm.s32 $0x5;
	s31 =	simm.s32 $0x6;
	s21 =	smul.u32 $0x4F000, s12  }
0x7: {  	s1 =	sand.u32 $0x1, s1;
	[smem:$0x7FF] =	sst s3;
	s16 =	smul.u32 $0xA20, s12  }
0x8: {  	s4 =	sadd.s32 $0x48400, s0;
	s14 =	sadd.s32 $0x34000, s0;
	s6 =	smul.u32 $0x27800, s1  }
0x9: {  	_ =	strace $0x80000050;
	s22 =	sshll.u32 s1, $0x4;
	s7 =	ssub.s32 $0x2, s1  }
0xa: {  	s1 =	smul.u32 $0xA200, s1;
	s9 =	sor.u32 s12, s22;
	s8 =	sshrl.u32 s7, $0x1  }
0xb: {  	s22 =	simm.s32 $0x8300;
	s5 =	sadd.s32 s5, s6;
	s23 =	smul.u32 $0x5100, s9  }
0xc: {  	s6 =	sshrl.u32 s21, $0x2;
	s15 =	ssub.s32 s7, s8;
	s10 =	smul.u32 $0xA20, s9  }
0xd: {  	s26 =	sadd.s32 s1, s14;
	s0 =	sadd.s32 s5, s0;
	s5 =	sadd.s32 s6, s2  }
0xe: {  	s21 =	simm.s32 $0x200;
	s24 =	sadd.s32 $0x4000, s5;
	s25 =	sadd.s32 $0x8000, s5  }
0xf: {  	s8 =	sadd.s32 $0xC000, s5;
	s6 =	sshrl.u32 s23, $0x3;
	s9 =	sadd.s32 $0x10000, s5  }
0x10: {  	s10 =	sadd.s32 s14, s10;
	s13 =	sadd.s32 $0x6FC00, s0;
	[dreg:$0x3] =	wrdreg s24  }
0x11: {  	s23 =	simm.s32 $0x1;
	s0 =	simm.s32 $0x0;
	[dreg:$0x4] =	wrdreg s25  }
0x12: {  	s6 =	sadd.s32 s14, s6;
	s14 =	smax.u32 s15, $0x1;
	s15 =	sadd.s32 s16, s26  }
0x13: {  	s16 =	simm.s32 $0x300;
	s24 =	simm.s32 $0x2;
	s25 =	simm.s32 $0x180  }
0x14: {  	v0 =	vimm.f32 $0.0e+00;
	s26 =	simm.s32 $0x3;
	s11 =	sadd.s32 $0x20, s6;
	s12 =	sadd.s32 $0x40, s6  }
.LBB2_1:
0x15: {  	s1 =	simm.s32 $0x0;
	s6 =	simm.s32 $0x200  }
.LBB2_2:
0x16: {  	p0 =	sne.s32 s6, $0xFE00;
	[tilespmem:s1+$0x370] =	vst v0  }
0x17: {  	[tilespmem:s1+$0x300] =	vst v0  }
0x18: {  	[tilespmem:s1+$0x310] =	vst v0  }
.Ltmp0:
0x19: {  	[tilespmem:s1+$0x320] =	vst v0;
	(pc) =	sbr.rel @p0 .LBB2_2-.Ltmp0, $4  }
0x1a: {  	[tilespmem:s1+$0x330] =	vst v0  }
0x1b: {  	[tilespmem:s1+$0x340] =	vst v0  }
0x1c: {  	[tilespmem:s1+$0x350] =	vst v0  }
0x1d: {  	[tilespmem:s1+$0x360] =	vst v0;
	s1 =	sshra.s32 s6, $0x2;
	s6 =	sadd.s32 $0x200, s6  }
0x1e: {  	[tilespmem:s1+$0x370] =	vst v0  }
0x1f: {  	[tilespmem:s1+$0x300] =	vst v0  }
0x20: {  	[tilespmem:s1+$0x310] =	vst v0  }
0x21: {  	[tilespmem:s1+$0x320] =	vst v0  }
0x22: {  	[tilespmem:s1+$0x330] =	vst v0  }
0x23: {  	[tilespmem:s1+$0x340] =	vst v0  }
0x24: {  	[tilespmem:s1+$0x350] =	vst v0  }
0x25: {  	[tilespmem:s1+$0x360] =	vst v0  }
0x26: {  	[spmem:s5] =	stream.linear.scatter [tilespmem:s16], [sflag:$0x7], $0x4000, $0x38;
	[tilespmem:$0x1FF00] =	vst v63  }
0x27: {  	_ =	swait.ge [sflag:s17], $0x4000  }
0x28: {  	[sflag:s17] =	ssyncset.done $0x0  }
0x29: {  	s7 =	rddreg [dreg:$0x3];
	[sflag:s17] =	ssyncadd.s32 $0xFFFFC000  }
0x2a: {  	[spmem:s7] =	stream.linear.scatter [tilespmem:s16], [sflag:$0x7], $0x4000, $0x38;
	[tilespmem:$0x1FF00] =	vst v63  }
0x2b: {  	_ =	swait.ge [sflag:s17], $0x4000  }
0x2c: {  	[sflag:s17] =	ssyncset.done $0x0  }
0x2d: {  	s6 =	rddreg [dreg:$0x4];
	[sflag:s17] =	ssyncadd.s32 $0xFFFFC000  }
0x2e: {  	[spmem:s6] =	stream.linear.scatter [tilespmem:s16], [sflag:$0x7], $0x4000, $0x38;
	[tilespmem:$0x1FF00] =	vst v63  }
0x2f: {  	_ =	swait.ge [sflag:s17], $0x4000  }
0x30: {  	[sflag:s17] =	ssyncset.done $0x0  }
0x31: {  	[sflag:s17] =	ssyncadd.s32 $0xFFFFC000  }
0x32: {  	[spmem:s8] =	stream.linear.scatter [tilespmem:s16], [sflag:$0x7], $0x4000, $0x38;
	[tilespmem:$0x1FF00] =	vst v63  }
0x33: {  	_ =	swait.ge [sflag:s17], $0x4000  }
0x34: {  	[sflag:s17] =	ssyncset.done $0x0  }
0x35: {  	[sflag:s17] =	ssyncadd.s32 $0xFFFFC000  }
0x36: {  	[spmem:s9] =	stream.linear.scatter [tilespmem:s16], [sflag:$0x7], $0x3C00, $0x38;
	[tilespmem:$0x1FF00] =	vst v63  }
0x37: {  	_ =	swait.ge [sflag:s17], $0x3C00  }
0x38: {  	[sflag:s17] =	ssyncset.done $0x0  }
0x39: {  	[sflag:s17] =	ssyncadd.s32 $0xFFFFC400  }
0x3a: {  	[bflag:$0x0] =	sbarrier.arrive $0xFFFF  }
0x3b: {  	[tilespmem:s3], [sflag:$0x7] =	stream.linear.gather [hbm4b:s10+s3], $0x100, $0x38;
	[tilespmem:$0x1FF00] =	vst v63  }
0x3c: {  	_ =	swait.ge [sflag:s17], $0x100  }
0x3d: {  	[sflag:s17] =	ssyncset.done $0x0  }
0x3e: {  	[sflag:s17] =	ssyncadd.s32 $0xFFFFFF00  }
0x3f: {  	[tilespmem:s16], [sflag:$0x1] =	stream.indirect.gather [hbm4b:s4+s18], $0x80, s3, s18, $0xb8;
	[tilespmem:$0x1FF00] =	vst v63  }
0x40: {  	_ = 	snop  }
0x41: {  	[tilespmem:s19], [sflag:$0x7] =	stream.linear.gather [hbm4b:s11+s3], $0x100, $0x38;
	[tilespmem:$0x1FF00] =	vst v63  }
0x42: {  	_ =	swait.ge [sflag:s17], $0x100  }
0x43: {  	[sflag:s17] =	ssyncset.done $0x0  }
0x44: {  	[sflag:s17] =	ssyncadd.s32 $0xFFFFFF00  }
0x45: {  	[tilespmem:s20], [sflag:$0x2] =	stream.indirect.gather [hbm4b:s4+s18], $0x80, s19, s18, $0xb8;
	[tilespmem:$0x1FF00] =	vst v63  }
0x46: {  	_ = 	snop  }
0x47: {  	[tilespmem:s21], [sflag:$0x7] =	stream.linear.gather [hbm4b:s12+s3], $0x100, $0x38;
	[tilespmem:$0x1FF00] =	vst v63  }
0x48: {  	_ =	swait.ge [sflag:s17], $0x100  }
0x49: {  	[sflag:s17] =	ssyncset.done $0x0  }
0x4a: {  	[sflag:s17] =	ssyncadd.s32 $0xFFFFFF00  }
0x4b: {  	[tilespmem:s22], [sflag:$0x3] =	stream.indirect.gather [hbm4b:s4+s18], $0x80, s21, s18, $0xb8;
	[tilespmem:$0x1FF00] =	vst v63  }
0x4c: {  	_ =	swait.ge [sflag:s23], $0x4000  }
0x4d: {  	[sflag:s23] =	ssyncset.done $0x0  }
0x4e: {  	[sflag:s23] =	ssyncadd.s32 $0xFFFFC000  }
0x4f: {  	[spmem:s2] =	stream.indirect.scatter.add.f32 [tilespmem:s16], [sflag:$0x4], $0x80, s18, s18, $0xb8;
	[tilespmem:$0x1FF00] =	vst v63  }
0x50: {  	_ =	swait.ge [sflag:s24], $0x4000  }
0x51: {  	[sflag:s24] =	ssyncset.done $0x0  }
0x52: {  	[sflag:s24] =	ssyncadd.s32 $0xFFFFC000  }
0x53: {  	[spmem:s2] =	stream.indirect.scatter.add.f32 [tilespmem:s20], [sflag:$0x5], $0x80, s25, s18, $0xb8;
	[tilespmem:$0x1FF00] =	vst v63  }
0x54: {  	_ =	swait.ge [sflag:s26], $0x4000  }
0x55: {  	[sflag:s26] =	ssyncset.done $0x0  }
0x56: {  	[sflag:s26] =	ssyncadd.s32 $0xFFFFC000  }
0x57: {  	[spmem:s2] =	stream.indirect.scatter.add.f32 [tilespmem:s22], [sflag:$0x6], $0x80, s28, s18, $0xb8;
	[tilespmem:$0x1FF00] =	vst v63  }
0x58: {  	_ =	swait.ge [sflag:s29], $0x4000  }
0x59: {  	s1 =	sadd.s32 $0xFFFFF640, s15;
	[sflag:s29] =	ssyncset.done $0x0  }
0x5a: {  	s6 =	sadd.s32 $0xA20, s1;
	[sflag:s29] =	ssyncadd.s32 $0xFFFFC000  }
0x5b: {  	[tilespmem:s3], [sflag:$0x7] =	stream.linear.gather [hbm4b:s6+s3], $0x100, $0x38;
	[tilespmem:$0x1FF00] =	vst v63  }
0x5c: {  	_ =	swait.ge [sflag:s17], $0x100  }
0x5d: {  	[sflag:s17] =	ssyncset.done $0x0  }
0x5e: {  	[sflag:s17] =	ssyncadd.s32 $0xFFFFFF00  }
0x5f: {  	[tilespmem:s16], [sflag:$0x1] =	stream.indirect.gather [hbm4b:s4+s18], $0x80, s3, s18, $0xb8;
	[tilespmem:$0x1FF00] =	vst v63  }
0x60: {  	_ =	swait.ge [sflag:s30], $0x4000  }
0x61: {  	[sflag:s30] =	ssyncset.done $0x0  }
0x62: {  	s7 =	sadd.s32 $0xA40, s1;
	[sflag:s30] =	ssyncadd.s32 $0xFFFFC000  }
0x63: {  	[tilespmem:s19], [sflag:$0x7] =	stream.linear.gather [hbm4b:s7+s3], $0x100, $0x38;
	[tilespmem:$0x1FF00] =	vst v63  }
0x64: {  	_ =	swait.ge [sflag:s17], $0x100  }
0x65: {  	[sflag:s17] =	ssyncset.done $0x0  }
0x66: {  	[sflag:s17] =	ssyncadd.s32 $0xFFFFFF00  }
0x67: {  	[tilespmem:s20], [sflag:$0x2] =	stream.indirect.gather [hbm4b:s4+s18], $0x80, s19, s18, $0xb8;
	[tilespmem:$0x1FF00] =	vst v63  }
0x68: {  	_ =	swait.ge [sflag:s31], $0x4000  }
0x69: {  	[sflag:s31] =	ssyncset.done $0x0  }
0x6a: {  	s1 =	sadd.s32 $0xA60, s1;
	[sflag:s31] =	ssyncadd.s32 $0xFFFFC000  }
0x6b: {  	[tilespmem:s21], [sflag:$0x7] =	stream.linear.gather [hbm4b:s1+s3], $0x100, $0x38;
	[tilespmem:$0x1FF00] =	vst v63  }
0x6c: {  	_ =	swait.ge [sflag:s17], $0x100  }
0x6d: {  	[sflag:s17] =	ssyncset.done $0x0  }
0x6e: {  	s1 =	simm.s32 $0xFFFFF6A0;
	[sflag:s17] =	ssyncadd.s32 $0xFFFFFF00  }
.LBB2_4:
0x6f: {  	[tilespmem:s22], [sflag:$0x3] =	stream.indirect.gather [hbm4b:s4+s18], $0x80, s21, s18, $0xb8;
	[tilespmem:$0x1FF00] =	vst v63  }
0x70: {  	s6 =	smov.u32 s1  }
0x71: {  	p0 =	sne.s32 s1, $0xFFFFFFA0;
	s1 =	sadd.s32 $0x60, s1;
	_ =	swait.ge [sflag:s23], $0x4000  }
0x72: {  	[sflag:s23] =	ssyncset.done $0x0  }
0x73: {  	[sflag:s23] =	ssyncadd.s32 $0xFFFFC000  }
0x74: {  	[spmem:s2] =	stream.indirect.scatter.add.f32 [tilespmem:s16], [sflag:$0x4], $0x80, s18, s18, $0xb8;
	[tilespmem:$0x1FF00] =	vst v63  }
0x75: {  	_ =	swait.ge [sflag:s24], $0x4000  }
0x76: {  	[sflag:s24] =	ssyncset.done $0x0  }
0x77: {  	[sflag:s24] =	ssyncadd.s32 $0xFFFFC000  }
0x78: {  	[spmem:s2] =	stream.indirect.scatter.add.f32 [tilespmem:s20], [sflag:$0x5], $0x80, s25, s18, $0xb8;
	[tilespmem:$0x1FF00] =	vst v63  }
0x79: {  	_ =	swait.ge [sflag:s26], $0x4000  }
0x7a: {  	[sflag:s26] =	ssyncset.done $0x0  }
0x7b: {  	[sflag:s26] =	ssyncadd.s32 $0xFFFFC000  }
0x7c: {  	[spmem:s2] =	stream.indirect.scatter.add.f32 [tilespmem:s22], [sflag:$0x6], $0x80, s28, s18, $0xb8;
	[tilespmem:$0x1FF00] =	vst v63  }
0x7d: {  	_ =	swait.ge [sflag:s29], $0x4000  }
0x7e: {  	s6 =	sadd.s32 s6, s15;
	[sflag:s29] =	ssyncset.done $0x0  }
0x7f: {  	s7 =	sadd.s32 $0xA20, s6;
	[sflag:s29] =	ssyncadd.s32 $0xFFFFC000  }
0x80: {  	[tilespmem:s3], [sflag:$0x7] =	stream.linear.gather [hbm4b:s7+s3], $0x100, $0x38;
	[tilespmem:$0x1FF00] =	vst v63  }
0x81: {  	_ =	swait.ge [sflag:s17], $0x100  }
0x82: {  	[sflag:s17] =	ssyncset.done $0x0  }
0x83: {  	[sflag:s17] =	ssyncadd.s32 $0xFFFFFF00  }
0x84: {  	[tilespmem:s16], [sflag:$0x1] =	stream.indirect.gather [hbm4b:s4+s18], $0x80, s3, s18, $0xb8;
	[tilespmem:$0x1FF00] =	vst v63  }
0x85: {  	_ =	swait.ge [sflag:s30], $0x4000  }
0x86: {  	[sflag:s30] =	ssyncset.done $0x0  }
0x87: {  	s7 =	sadd.s32 $0xA40, s6;
	[sflag:s30] =	ssyncadd.s32 $0xFFFFC000  }
0x88: {  	[tilespmem:s19], [sflag:$0x7] =	stream.linear.gather [hbm4b:s7+s3], $0x100, $0x38;
	[tilespmem:$0x1FF00] =	vst v63  }
0x89: {  	_ =	swait.ge [sflag:s17], $0x100  }
0x8a: {  	[sflag:s17] =	ssyncset.done $0x0  }
0x8b: {  	[sflag:s17] =	ssyncadd.s32 $0xFFFFFF00  }
0x8c: {  	[tilespmem:s20], [sflag:$0x2] =	stream.indirect.gather [hbm4b:s4+s18], $0x80, s19, s18, $0xb8;
	[tilespmem:$0x1FF00] =	vst v63  }
0x8d: {  	_ =	swait.ge [sflag:s31], $0x4000  }
0x8e: {  	[sflag:s31] =	ssyncset.done $0x0  }
.Ltmp1:
0x8f: {  	s6 =	sadd.s32 $0xA60, s6;
	[sflag:s31] =	ssyncadd.s32 $0xFFFFC000;
	(pc) =	sbr.rel @p0 .LBB2_4-.Ltmp1, $4  }
0x90: {  	[tilespmem:s21], [sflag:$0x7] =	stream.linear.gather [hbm4b:s6+s3], $0x100, $0x38;
	[tilespmem:$0x1FF00] =	vst v63  }
0x91: {  	_ =	swait.ge [sflag:s17], $0x100  }
0x92: {  	[sflag:s17] =	ssyncset.done $0x0  }
0x93: {  	[sflag:s17] =	ssyncadd.s32 $0xFFFFFF00  }
0x94: {  	[tilespmem:s22], [sflag:$0x3] =	stream.indirect.gather [hbm4b:s4+s18], $0x80, s21, s18, $0xb8;
	[tilespmem:$0x1FF00] =	vst v63  }
0x95: {  	_ =	swait.ge [sflag:s23], $0x4000  }
0x96: {  	[sflag:s23] =	ssyncset.done $0x0  }
0x97: {  	[sflag:s23] =	ssyncadd.s32 $0xFFFFC000  }
0x98: {  	[spmem:s2] =	stream.indirect.scatter.add.f32 [tilespmem:s16], [sflag:$0x4], $0x80, s18, s18, $0xb8;
	[tilespmem:$0x1FF00] =	vst v63  }
0x99: {  	_ =	swait.ge [sflag:s24], $0x4000  }
0x9a: {  	[sflag:s24] =	ssyncset.done $0x0  }
0x9b: {  	[sflag:s24] =	ssyncadd.s32 $0xFFFFC000  }
0x9c: {  	[spmem:s2] =	stream.indirect.scatter.add.f32 [tilespmem:s20], [sflag:$0x5], $0x80, s25, s18, $0xb8;
	[tilespmem:$0x1FF00] =	vst v63  }
0x9d: {  	_ =	swait.ge [sflag:s26], $0x4000  }
0x9e: {  	[sflag:s26] =	ssyncset.done $0x0  }
0x9f: {  	[sflag:s26] =	ssyncadd.s32 $0xFFFFC000  }
0xa0: {  	[spmem:s2] =	stream.indirect.scatter.add.f32 [tilespmem:s22], [sflag:$0x6], $0x80, s28, s18, $0xb8;
	[tilespmem:$0x1FF00] =	vst v63  }
0xa1: {  	_ =	swait.ge [sflag:s29], $0x4000  }
0xa2: {  	[sflag:s29] =	ssyncset.done $0x0  }
0xa3: {  	[sflag:s29] =	ssyncadd.s32 $0xFFFFC000  }
0xa4: {  	_ =	swait.ge [sflag:s30], $0x4000  }
0xa5: {  	[sflag:s30] =	ssyncset.done $0x0  }
0xa6: {  	[sflag:s30] =	ssyncadd.s32 $0xFFFFC000  }
0xa7: {  	s1 =	stileid.u32;
	_ =	swait.ge [sflag:s31], $0x4000  }
0xa8: {  	s6 =	sshrl.u32 s5, $0x3;
	s0 =	sadd.s32 $0x1, s0;
	[sflag:s31] =	ssyncset.done $0x0  }
0xa9: {  	s1 =	sshll.u32 s1, $0x6;
	p0 =	sne.s32 s0, s14;
	[sflag:s31] =	ssyncadd.s32 $0xFFFFC000  }
.Ltmp2:
0xaa: {  	s1 =	sor.u32 $0x1C07, s1;
	[bflag:$0x0] =	sbarrier.arrive $0xFFFF;
	(pc) =	sbr.rel @p0 .LBB2_1-.Ltmp2, $4  }
0xab: {  	[hbm:s13], [sflag:s1] =	dma.local [spmem:s6], $0x2780  }
0xac: {  	_ =	swait.ge [sflag:s17], $0x2780  }
0xad: {  	[sflag:s17] =	ssyncset.done $0x0  }
0xae: {  	[sflag:s17] =	ssyncadd.s32 $0xFFFFD880  }
0xaf: {  	_ =	sfence.sel $0x180000  }
0xb0: {  	[bflag:$0x0] =	sbarrier.arrive $0xFFFF  }
0xb1: {  	_ =	strace $0x90000050  }
0xb2: {  	s0 =	stileid.u32;
	[bflag:$0x2] =	sbarrier.arrive $0xFFFF  }
0xb3: {  	p0 =	sne.s32 s0, $0x0;
	s0 =	rddreg [dreg:$0x2]  }
0xb4: {  	s0 =	sadd.s32 @!p0 $0x100000, s0  }
0xb5: {  	[sflag:s0] =	ssyncadd.tile.s32 @!p0 $0x1;
	_ =	shalt  }
.Lfunc_end2:
_tile_overlayer_lowered:
.L_overlay_start_2:
0xb6: {  	(tag) =	ssettag $0x2  }
0xb7: {  	s0 =	rddreg [dreg:$0x0];
	s2 =	stileid.u32  }
0xb8: {  	s1 =	rddreg [dreg:$0x1];
	p0 =	sne.s32 s2, $0x0  }
0xb9: {  	s3 =	rddreg [dreg:$0x2];
	[bflag:$0x3] =	sbarrier.arrive $0xFFFF;
	s2 =	simm.s32 @!p0 $0x1C07  }
0xba: {  	[timem:s3], [sflag:s2] =	dma.local @!p0 [hbm:s0], s1  }
0xbb: {  	s0 =	simm.s32 @!p0 $0x7  }
0xbc: {  	_ =	swait.ge @!p0 [sflag:s0], s1  }
0xbd: {  	s1 =	ssub.s32 @!p0 $0x0, s1;
	[sflag:s0] =	ssyncset.done @!p0 $0x0  }
0xbe: {  	[sflag:s0] =	ssyncadd.s32 @!p0 s1  }
0xbf: {  	[bflag:$0x3] =	sbarrier.arrive $0xFFFF  }
0xc0: {  	_ =	shalt  }

// kernel: kernel.11.cloned.1.call-start
scs
__scs_entry_jumppad:
0x0: {  	(pc) =	sbr.rel $0x88, $3  }
0x1: {  	(tag) =	ssettag $0x0;
	lr =	simm.s32 $0x1  }
0x2: {  	[smem:$0x3F98] =	sst lr;
	_ =	strace $0xD0000000  }
0x3: {  	_ = 	snop  }
0x4: {  	_ = 	snop  }
0x5: {  	_ = 	snop  }
0x6: {  	_ = 	snop  }
0x7: {  	_ = 	snop  }
__scs_overlays_trampoline_lowered:
0x8: {  	[smem:$0x3FA7] =	sst s0  }
0x9: {  	[smem:$0x3FA8] =	sst s1  }
0xa: {  	[smem:$0x3FA9] =	sst s2  }
0xb: {  	[smem:$0x3FAA] =	sst s3  }
0xc: {  	[smem:$0x3FAB] =	sst s4  }
0xd: {  	[smem:$0x3FAC] =	sst s5  }
0xe: {  	[smem:$0x3FAD] =	sst s6  }
0xf: {  	[smem:$0x3FAE] =	sst s7  }
0x10: {  	[smem:$0x3FAF] =	sst s8  }
0x11: {  	[smem:$0x3FB0] =	sst s9;
	s0 =	simm.s32 @!p0 $0x0  }
0x12: {  	s1 =	sld [smem:$0x3F96];
	s0 =	simm.s32 @p0 $0x1  }
0x13: {  	[smem:$0x3FB1] =	sst s0;
	s0 =	simm.s32 @!p1 $0x0  }
0x14: {  	s2 =	sld [smem:$0x3F95];
	s0 =	simm.s32 @p1 $0x1  }
0x15: {  	[smem:$0x3FB2] =	sst s0;
	s0 =	simm.s32 @!p2 $0x0  }
0x16: {  	s3 =	sld [smem:$0x3FDB];
	s0 =	simm.s32 @p2 $0x1  }
0x17: {  	s4 =	simm.s32 $0x1BF5;
	[smem:$0x3FB4] =	sst s0  }
0x18: {  	s0 =	sld [smem:$0x3F97];
	_ =	swait.ge [sflag:s4], $0x0  }
0x19: {  	s7 =	sld [smem:$0x3F98]  }
0x1a: {  	s8 =	sadd.s32 $0xFFFFE003, lr  }
0x1b: {  	s9 =	sadd.s32 $0xFFFFFEF7, lr;
	s5 =	simm.s32 $0xFFFFFFFF;
	p2 =	slt.u32 s8, $0xFFFFF086  }
0x1c: {  	p1 =	slt.u32 s9, $0xF7A;
	s5 =	simm.s32 @!p2 $0x0  }
0x1d: {  	s5 =	simm.s32 @p1 $0x1;
	p0 =	seq.s32 s7, s2  }
0x1e: {  	s7 =	smul.u32 @!p0 $0xF7A, s2;
	p2 =	seq.s32 @!p0 s5, $0x0  }
0x1f: {  	s9 =	smul.u32 $0xF7A, s1;
	s8 =	simm.s32 @!p0 $0x1BF5;
	p2 =	por !p2, p0  }
0x20: {  	[sflag:s8] =	ssyncset.s32 @!p0 $0xFFFFF086;
	s6 =	sadd.s32 @!p0 s3, s7;
	s7 =	simm.s32 @!p0 $0x108  }
0x21: {  	s3 =	sadd.s32 s3, s9;
	s6 =	sadd.s32 @!p0 $0x88, s6;
	s7 =	simm.s32 @p2 $0x1082  }
0x22: {  	[simem:s7], [sflag:s8] =	dma.local @!p0 [hbm:s6], $0xF7A  }
0x23: {  	s9 =	sor.u32 $0xD0000000, s2;
	s6 =	simm.s32 $0x108;
	_ =	swait.ge @!p0 [sflag:s8], $0x0  }
0x24: {  	s3 =	sadd.s32 $0x88, s3;
	s6 =	simm.s32 @!p1 $0x1082;
	[sflag:s4] =	ssyncset.s32 $0xFFFFF086  }
0x25: {  	[simem:s6], [sflag:s4] =	dma.local [hbm:s3], $0xF7A  }
0x26: {  	[smem:$0x3F98] =	sst s1;
	(tag) =	ssettag s2;
	_ =	strace s9  }
0x27: {  	s1 =	sld [smem:$0x3FA8]  }
0x28: {  	s2 =	sld [smem:$0x3FA9]  }
0x29: {  	s4 =	sld [smem:$0x3FAB]  }
0x2a: {  	p0 =	seq.s32 s5, $0x0;
	s5 =	sld [smem:$0x3FAC]  }
0x2b: {  	s6 =	sld [smem:$0x3FAD]  }
0x2c: {  	s7 =	sld [smem:$0x3FAE]  }
0x2d: {  	s3 =	simm.s32 $0x108;
	s8 =	sld [smem:$0x3FAF]  }
0x2e: {  	s3 =	simm.s32 @!p0 $0x1082;
	s9 =	sld [smem:$0x3FB0]  }
0x2f: {  	lr =	sadd.s32 s0, s3;
	s0 =	sld [smem:$0x3FA7]  }
0x30: {  	s3 =	sld [smem:$0x3FAA]  }
0x31: {  	[smem:$0x3FB3] =	sst s10  }
0x32: {  	s10 =	sld [smem:$0x3FB1];
	_ =	sdelay $0x3  }
0x33: {  	p0 =	seq.s32 s10, $0x1;
	s10 =	sld [smem:$0x3FB3];
	_ =	sdelay $0x3  }
0x34: {  	[smem:$0x3FB3] =	sst s10  }
0x35: {  	s10 =	sld [smem:$0x3FB2];
	_ =	sdelay $0x3  }
0x36: {  	p1 =	seq.s32 s10, $0x1;
	s10 =	sld [smem:$0x3FB3];
	_ =	sdelay $0x3  }
0x37: {  	[smem:$0x3FB3] =	sst s10  }
0x38: {  	s10 =	sld [smem:$0x3FB4]  }
0x39: {  	_ = 	snop;
	(pc) =	sbr.ind lr, $3  }
0x3a: {  	_ = 	snop  }
0x3b: {  	_ = 	snop  }
0x3c: {  	p2 =	seq.s32 s10, $0x1;
	s10 =	sld [smem:$0x3FB3]  }
0x3d: {  	_ =	shalt  }
0x3e: {  	_ =	shalt  }
0x3f: {  	_ =	shalt  }
0x40: {  	_ =	shalt  }
0x41: {  	_ =	shalt  }
0x42: {  	_ =	shalt  }
0x43: {  	_ =	shalt  }
0x44: {  	_ =	shalt  }
0x45: {  	_ =	shalt  }
0x46: {  	_ =	shalt  }
0x47: {  	_ =	shalt  }
0x48: {  	_ =	shalt  }
0x49: {  	_ =	shalt  }
0x4a: {  	_ =	shalt  }
0x4b: {  	_ =	shalt  }
0x4c: {  	_ =	shalt  }
0x4d: {  	_ =	shalt  }
0x4e: {  	_ =	shalt  }
0x4f: {  	_ =	shalt  }
0x50: {  	_ =	shalt  }
0x51: {  	_ =	shalt  }
0x52: {  	_ =	shalt  }
0x53: {  	_ =	shalt  }
0x54: {  	_ =	shalt  }
0x55: {  	_ =	shalt  }
0x56: {  	_ =	shalt  }
0x57: {  	_ =	shalt  }
0x58: {  	_ =	shalt  }
0x59: {  	_ =	shalt  }
0x5a: {  	_ =	shalt  }
0x5b: {  	_ =	shalt  }
0x5c: {  	_ =	shalt  }
0x5d: {  	_ =	shalt  }
0x5e: {  	_ =	shalt  }
0x5f: {  	_ =	shalt  }
0x60: {  	_ =	shalt  }
0x61: {  	_ =	shalt  }
0x62: {  	_ =	shalt  }
0x63: {  	_ =	shalt  }
0x64: {  	_ =	shalt  }
0x65: {  	_ =	shalt  }
0x66: {  	_ =	shalt  }
0x67: {  	_ =	shalt  }
0x68: {  	_ =	shalt  }
0x69: {  	_ =	shalt  }
0x6a: {  	_ =	shalt  }
0x6b: {  	_ =	shalt  }
0x6c: {  	_ =	shalt  }
0x6d: {  	_ =	shalt  }
0x6e: {  	_ =	shalt  }
0x6f: {  	_ =	shalt  }
0x70: {  	_ =	shalt  }
0x71: {  	_ =	shalt  }
0x72: {  	_ =	shalt  }
0x73: {  	_ =	shalt  }
0x74: {  	_ =	shalt  }
0x75: {  	_ =	shalt  }
0x76: {  	_ =	shalt  }
0x77: {  	_ =	shalt  }
0x78: {  	_ =	shalt  }
0x79: {  	_ =	shalt  }
0x7a: {  	_ =	shalt  }
0x7b: {  	_ =	shalt  }
0x7c: {  	_ =	shalt  }
0x7d: {  	_ =	shalt  }
0x7e: {  	_ =	shalt  }
0x7f: {  	_ =	shalt  }
0x80: {  	_ =	shalt  }
0x81: {  	_ =	shalt  }
0x82: {  	_ =	shalt  }
0x83: {  	_ =	shalt  }
0x84: {  	_ =	shalt  }
0x85: {  	_ =	shalt  }
0x86: {  	_ =	shalt  }
0x87: {  	_ =	shalt  }
.Lfunc_end0:
.L_simem_size_0:
called_computation.3_lowered:
.L_overlay_start_0:
0x88: {  	s2 =	sld [smem:$0x3FD9]  }
0x89: {  	s3 =	sld [smem:$0x3FFE];
	_ =	sdelay $0x1  }
0x8a: {  	s1 =	srdreg.scid  }
0x8b: {  	s0 =	sand.u32 $0x1, s1  }
0x8c: {  	s16 =	sshll.u32 s0, $0xA;
	s2 =	sadd.s32 s3, s2  }
0x8d: {  	s2 =	sadd.s32 s2, s16  }
0x8e: {  	[smem:$0x3FBF] =	sst s2  }
0x8f: {  	_ = 	snop  }
0x90: {  	(tm) =	ssettm $0x1  }
0x91: {  	s17 =	sld [smem:$0x3FFB];
	_ =	sdelay $0x3  }
0x92: {  	_ =	strace s17  }
0x93: {  	s2 =	sld [smem:$0x3FFC];
	_ =	sdelay $0x3  }
0x94: {  	_ =	strace s2  }
0x95: {  	s2 =	sld [smem:$0x3FFD];
	_ =	sdelay $0x3  }
0x96: {  	_ =	strace s2  }
0x97: {  	_ =	strace $0x8FFFFFFF  }
0x98: {  	s18 =	sld [smem:$0x3FDB];
	_ =	sdelay $0x1  }
0x99: {  	s19 =	simm.s32 $_scs_section_size  }
0x9a: {  	s4 =	simm.s32 $_size__tile_overlayer_lowered;
	s5 =	simm.s32 $_tile_overlayer_lowered  }
0x9b: {  	s22 =	simm.s32 $0x1BFF;
	s21 =	sshll.u32 s5, $0x1;
	s2 =	sadd.s32 s19, s18  }
0x9c: {  	s6 =	simm.s32 $0x0;
	s20 =	sshll.u32 s4, $0x1;
	s4 =	sadd.s32 s21, s2  }
0x9d: {  	[timem:s6], [sflag:s22] =	dma.local [hbm:s4], s20  }
0x9e: {  	_ =	swait.ge [sflag:s22], s20  }
0x9f: {  	s3 =	ssub.s32 $0x0, s20;
	[sflag:s22] =	ssyncset.done $0x0  }
0xa0: {  	[sflag:s22] =	ssyncadd.s32 s3;
	_ =	sdelay $0x1  }
0xa1: {  	s23 =	simm.s32 $0x1B8B  }
0xa2: {  	_ =	swait.ge [sflag:s23], $0x1  }
0xa3: {  	[sflag:s23] =	ssyncset.done $0x0  }
0xa4: {  	s25 =	simm.s32 $0x1B8E;
	s24 =	sld [smem:$0x3FFE];
	[sflag:s23] =	ssyncadd.s32 $0xFFFFFFFF  }
0xa5: {  	s26 =	simm.s32 $execute0_lowered;
	[smem:$0x3FD2] =	sst s25  }
0xa6: {  	s4 =	sshll.u32 s26, $0x1;
	_ =	strace $0x8000004C;
	[dreg:$0x1] =	wrdreg $0xFFFFFFFF  }
0xa7: {  	s28 =	simm.s32 $_size_execute0_lowered;
	s2 =	sadd.s32 s2, s4;
	[dreg:$0x0] =	wrdreg $0x0  }
0xa8: {  	s4 =	sshll.u32 s28, $0x1;
	[dreg:$0x2] =	wrdreg s2  }
0xa9: {  	[dreg:$0x3] =	wrdreg s4  }
0xaa: {  	[dreg:$0x4] =	wrdreg $0xC0  }
0xab: {  	_ =	task [dreg:s6], $0x5FFFF  }
0xac: {  	[dreg:$0x1] =	wrdreg $0xFFFFFFFF  }
0xad: {  	[dreg:$0x0] =	wrdreg $0x60  }
0xae: {  	[dreg:$0x2] =	wrdreg s24  }
0xaf: {  	[dreg:$0x3] =	wrdreg $0xC3000  }
0xb0: {  	[dreg:$0x4] =	wrdreg $0x9  }
0xb1: {  	_ =	task.clear_ibuf [dreg:s6], $0x5FFFF;
	_ =	strace $0x9000004C  }
0xb2: {  	s29 =	simm.s32 $0x9;
	_ =	strace $0x8000004E  }
0xb3: {  	_ =	swait.ge [sflag:s29], $0x1  }
0xb4: {  	[sflag:s29] =	ssyncadd.s32 $0xFFFFFFFF  }
0xb5: {  	_ =	strace $0x9000004E  }
0xb6: {  	_ =	sfence  }
0xb7: {  	s30 =	sld [smem:$0x0];
	_ =	sdelay $0x2  }
0xb8: {  	s31 =	sshll.u32 s1, $0xD;
	s1 =	sshrl.u32 s1, $0x2  }
0xb9: {  	s3 =	sand.u32 $0x4000, s31;
	s1 =	sadd.s32 s1, s30  }
0xba: {  	s0 =	sor.u32 s3, s0;
	s1 =	sshll.u32 s1, $0x11  }
0xbb: {  	s0 =	sor.u32 s1, s0  }
0xbc: {  	s0 =	sadd.s32 $0x8F2B, s0  }
0xbd: {  	[sflag:s0] =	ssyncadd.remote.s32 $0x1  }
0xbe: {  	_ =	sfence.sel $0xFFFF  }
0xbf: {  	[dreg:$0x0] =	wrdreg $0xFFFFFFFF;
	(pc) =	sbr.abs _section_cstart, $3  }
0xc0: {  	[dreg:$0x1] =	wrdreg $0xFFFFFFFF  }
0xc1: {  	_ =	task.clear_ibuf [dreg:s6], $0x2FFFF;
	_ =	strace $0x9FFFFFFF  }
0xc2: {  	(tm) =	ssettm $0x7FFFFFFF  }
0xc3: {  	_ =	shalt  }
tec
execute0_lowered:
.L_overlay_start_1:
0x0: {  	(tag) =	ssettag $0x1  }
0x1: {  	s0 =	rddreg [dreg:$0x0]  }
0x2: {  	s2 =	rddreg [dreg:$0x1];
	s1 =	srdreg.scid  }
0x3: {  	s12 =	stileid.u32;
	s3 =	simm.s32 $0x0;
	s17 =	simm.s32 $0x7  }
0x4: {  	s18 =	simm.s32 $0x80;
	s19 =	simm.s32 $0x100;
	s20 =	simm.s32 $0x4300  }
0x5: {  	s28 =	simm.s32 $0x280;
	s29 =	simm.s32 $0x4;
	s5 =	smul.u32 $0x2780, s12  }
0x6: {  	s30 =	simm.s32 $0x5;
	s31 =	simm.s32 $0x6;
	s21 =	smul.u32 $0x4F000, s12  }
0x7: {  	s1 =	sand.u32 $0x1, s1;
	[smem:$0x7FF] =	sst s3;
	s16 =	smul.u32 $0xA20, s12  }
0x8: {  	s4 =	sadd.s32 $0x2600, s0;
	s14 =	sadd.s32 $0x34000, s0;
	s6 =	smul.u32 $0x27800, s1  }
0x9: {  	_ =	strace $0x8000004D;
	s22 =	sshll.u32 s1, $0x4;
	s7 =	ssub.s32 $0x2, s1  }
0xa: {  	s1 =	smul.u32 $0xA200, s1;
	s9 =	sor.u32 s12, s22;
	s8 =	sshrl.u32 s7, $0x1  }
0xb: {  	s22 =	simm.s32 $0x8300;
	s5 =	sadd.s32 s5, s6;
	s23 =	smul.u32 $0x5100, s9  }
0xc: {  	s6 =	sshrl.u32 s21, $0x2;
	s15 =	ssub.s32 s7, s8;
	s10 =	smul.u32 $0xA20, s9  }
0xd: {  	s26 =	sadd.s32 s1, s14;
	s0 =	sadd.s32 s5, s0;
	s5 =	sadd.s32 s6, s2  }
0xe: {  	s21 =	simm.s32 $0x200;
	s24 =	sadd.s32 $0x4000, s5;
	s25 =	sadd.s32 $0x8000, s5  }
0xf: {  	s8 =	sadd.s32 $0xC000, s5;
	s6 =	sshrl.u32 s23, $0x3;
	s9 =	sadd.s32 $0x10000, s5  }
0x10: {  	s10 =	sadd.s32 s14, s10;
	s13 =	sadd.s32 $0x48400, s0;
	[dreg:$0x3] =	wrdreg s24  }
0x11: {  	s23 =	simm.s32 $0x1;
	s0 =	simm.s32 $0x0;
	[dreg:$0x4] =	wrdreg s25  }
0x12: {  	s6 =	sadd.s32 s14, s6;
	s14 =	smax.u32 s15, $0x1;
	s15 =	sadd.s32 s16, s26  }
0x13: {  	s16 =	simm.s32 $0x300;
	s24 =	simm.s32 $0x2;
	s25 =	simm.s32 $0x180  }
0x14: {  	v0 =	vimm.f32 $0.0e+00;
	s26 =	simm.s32 $0x3;
	s11 =	sadd.s32 $0x20, s6;
	s12 =	sadd.s32 $0x40, s6  }
.LBB2_1:
0x15: {  	s1 =	simm.s32 $0x0;
	s6 =	simm.s32 $0x200  }
.LBB2_2:
0x16: {  	p0 =	sne.s32 s6, $0xFE00;
	[tilespmem:s1+$0x370] =	vst v0  }
0x17: {  	[tilespmem:s1+$0x300] =	vst v0  }
0x18: {  	[tilespmem:s1+$0x310] =	vst v0  }
.Ltmp0:
0x19: {  	[tilespmem:s1+$0x320] =	vst v0;
	(pc) =	sbr.rel @p0 .LBB2_2-.Ltmp0, $4  }
0x1a: {  	[tilespmem:s1+$0x330] =	vst v0  }
0x1b: {  	[tilespmem:s1+$0x340] =	vst v0  }
0x1c: {  	[tilespmem:s1+$0x350] =	vst v0  }
0x1d: {  	[tilespmem:s1+$0x360] =	vst v0;
	s1 =	sshra.s32 s6, $0x2;
	s6 =	sadd.s32 $0x200, s6  }
0x1e: {  	[tilespmem:s1+$0x370] =	vst v0  }
0x1f: {  	[tilespmem:s1+$0x300] =	vst v0  }
0x20: {  	[tilespmem:s1+$0x310] =	vst v0  }
0x21: {  	[tilespmem:s1+$0x320] =	vst v0  }
0x22: {  	[tilespmem:s1+$0x330] =	vst v0  }
0x23: {  	[tilespmem:s1+$0x340] =	vst v0  }
0x24: {  	[tilespmem:s1+$0x350] =	vst v0  }
0x25: {  	[tilespmem:s1+$0x360] =	vst v0  }
0x26: {  	[spmem:s5] =	stream.linear.scatter [tilespmem:s16], [sflag:$0x7], $0x4000, $0x38;
	[tilespmem:$0x1FF00] =	vst v63  }
0x27: {  	_ =	swait.ge [sflag:s17], $0x4000  }
0x28: {  	[sflag:s17] =	ssyncset.done $0x0  }
0x29: {  	s7 =	rddreg [dreg:$0x3];
	[sflag:s17] =	ssyncadd.s32 $0xFFFFC000  }
0x2a: {  	[spmem:s7] =	stream.linear.scatter [tilespmem:s16], [sflag:$0x7], $0x4000, $0x38;
	[tilespmem:$0x1FF00] =	vst v63  }
0x2b: {  	_ =	swait.ge [sflag:s17], $0x4000  }
0x2c: {  	[sflag:s17] =	ssyncset.done $0x0  }
0x2d: {  	s6 =	rddreg [dreg:$0x4];
	[sflag:s17] =	ssyncadd.s32 $0xFFFFC000  }
0x2e: {  	[spmem:s6] =	stream.linear.scatter [tilespmem:s16], [sflag:$0x7], $0x4000, $0x38;
	[tilespmem:$0x1FF00] =	vst v63  }
0x2f: {  	_ =	swait.ge [sflag:s17], $0x4000  }
0x30: {  	[sflag:s17] =	ssyncset.done $0x0  }
0x31: {  	[sflag:s17] =	ssyncadd.s32 $0xFFFFC000  }
0x32: {  	[spmem:s8] =	stream.linear.scatter [tilespmem:s16], [sflag:$0x7], $0x4000, $0x38;
	[tilespmem:$0x1FF00] =	vst v63  }
0x33: {  	_ =	swait.ge [sflag:s17], $0x4000  }
0x34: {  	[sflag:s17] =	ssyncset.done $0x0  }
0x35: {  	[sflag:s17] =	ssyncadd.s32 $0xFFFFC000  }
0x36: {  	[spmem:s9] =	stream.linear.scatter [tilespmem:s16], [sflag:$0x7], $0x3C00, $0x38;
	[tilespmem:$0x1FF00] =	vst v63  }
0x37: {  	_ =	swait.ge [sflag:s17], $0x3C00  }
0x38: {  	[sflag:s17] =	ssyncset.done $0x0  }
0x39: {  	[sflag:s17] =	ssyncadd.s32 $0xFFFFC400  }
0x3a: {  	[bflag:$0x0] =	sbarrier.arrive $0xFFFF  }
0x3b: {  	[tilespmem:s3], [sflag:$0x7] =	stream.linear.gather [hbm4b:s10+s3], $0x100, $0x38;
	[tilespmem:$0x1FF00] =	vst v63  }
0x3c: {  	_ =	swait.ge [sflag:s17], $0x100  }
0x3d: {  	[sflag:s17] =	ssyncset.done $0x0  }
0x3e: {  	[sflag:s17] =	ssyncadd.s32 $0xFFFFFF00  }
0x3f: {  	[tilespmem:s16], [sflag:$0x1] =	stream.indirect.gather [hbm4b:s4+s18], $0x80, s3, s18, $0xb8;
	[tilespmem:$0x1FF00] =	vst v63  }
0x40: {  	_ = 	snop  }
0x41: {  	[tilespmem:s19], [sflag:$0x7] =	stream.linear.gather [hbm4b:s11+s3], $0x100, $0x38;
	[tilespmem:$0x1FF00] =	vst v63  }
0x42: {  	_ =	swait.ge [sflag:s17], $0x100  }
0x43: {  	[sflag:s17] =	ssyncset.done $0x0  }
0x44: {  	[sflag:s17] =	ssyncadd.s32 $0xFFFFFF00  }
0x45: {  	[tilespmem:s20], [sflag:$0x2] =	stream.indirect.gather [hbm4b:s4+s18], $0x80, s19, s18, $0xb8;
	[tilespmem:$0x1FF00] =	vst v63  }
0x46: {  	_ = 	snop  }
0x47: {  	[tilespmem:s21], [sflag:$0x7] =	stream.linear.gather [hbm4b:s12+s3], $0x100, $0x38;
	[tilespmem:$0x1FF00] =	vst v63  }
0x48: {  	_ =	swait.ge [sflag:s17], $0x100  }
0x49: {  	[sflag:s17] =	ssyncset.done $0x0  }
0x4a: {  	[sflag:s17] =	ssyncadd.s32 $0xFFFFFF00  }
0x4b: {  	[tilespmem:s22], [sflag:$0x3] =	stream.indirect.gather [hbm4b:s4+s18], $0x80, s21, s18, $0xb8;
	[tilespmem:$0x1FF00] =	vst v63  }
0x4c: {  	_ =	swait.ge [sflag:s23], $0x4000  }
0x4d: {  	[sflag:s23] =	ssyncset.done $0x0  }
0x4e: {  	[sflag:s23] =	ssyncadd.s32 $0xFFFFC000  }
0x4f: {  	[spmem:s2] =	stream.indirect.scatter.add.f32 [tilespmem:s16], [sflag:$0x4], $0x80, s18, s18, $0xb8;
	[tilespmem:$0x1FF00] =	vst v63  }
0x50: {  	_ =	swait.ge [sflag:s24], $0x4000  }
0x51: {  	[sflag:s24] =	ssyncset.done $0x0  }
0x52: {  	[sflag:s24] =	ssyncadd.s32 $0xFFFFC000  }
0x53: {  	[spmem:s2] =	stream.indirect.scatter.add.f32 [tilespmem:s20], [sflag:$0x5], $0x80, s25, s18, $0xb8;
	[tilespmem:$0x1FF00] =	vst v63  }
0x54: {  	_ =	swait.ge [sflag:s26], $0x4000  }
0x55: {  	[sflag:s26] =	ssyncset.done $0x0  }
0x56: {  	[sflag:s26] =	ssyncadd.s32 $0xFFFFC000  }
0x57: {  	[spmem:s2] =	stream.indirect.scatter.add.f32 [tilespmem:s22], [sflag:$0x6], $0x80, s28, s18, $0xb8;
	[tilespmem:$0x1FF00] =	vst v63  }
0x58: {  	_ =	swait.ge [sflag:s29], $0x4000  }
0x59: {  	s1 =	sadd.s32 $0xFFFFF640, s15;
	[sflag:s29] =	ssyncset.done $0x0  }
0x5a: {  	s6 =	sadd.s32 $0xA20, s1;
	[sflag:s29] =	ssyncadd.s32 $0xFFFFC000  }
0x5b: {  	[tilespmem:s3], [sflag:$0x7] =	stream.linear.gather [hbm4b:s6+s3], $0x100, $0x38;
	[tilespmem:$0x1FF00] =	vst v63  }
0x5c: {  	_ =	swait.ge [sflag:s17], $0x100  }
0x5d: {  	[sflag:s17] =	ssyncset.done $0x0  }
0x5e: {  	[sflag:s17] =	ssyncadd.s32 $0xFFFFFF00  }
0x5f: {  	[tilespmem:s16], [sflag:$0x1] =	stream.indirect.gather [hbm4b:s4+s18], $0x80, s3, s18, $0xb8;
	[tilespmem:$0x1FF00] =	vst v63  }
0x60: {  	_ =	swait.ge [sflag:s30], $0x4000  }
0x61: {  	[sflag:s30] =	ssyncset.done $0x0  }
0x62: {  	s7 =	sadd.s32 $0xA40, s1;
	[sflag:s30] =	ssyncadd.s32 $0xFFFFC000  }
0x63: {  	[tilespmem:s19], [sflag:$0x7] =	stream.linear.gather [hbm4b:s7+s3], $0x100, $0x38;
	[tilespmem:$0x1FF00] =	vst v63  }
0x64: {  	_ =	swait.ge [sflag:s17], $0x100  }
0x65: {  	[sflag:s17] =	ssyncset.done $0x0  }
0x66: {  	[sflag:s17] =	ssyncadd.s32 $0xFFFFFF00  }
0x67: {  	[tilespmem:s20], [sflag:$0x2] =	stream.indirect.gather [hbm4b:s4+s18], $0x80, s19, s18, $0xb8;
	[tilespmem:$0x1FF00] =	vst v63  }
0x68: {  	_ =	swait.ge [sflag:s31], $0x4000  }
0x69: {  	[sflag:s31] =	ssyncset.done $0x0  }
0x6a: {  	s1 =	sadd.s32 $0xA60, s1;
	[sflag:s31] =	ssyncadd.s32 $0xFFFFC000  }
0x6b: {  	[tilespmem:s21], [sflag:$0x7] =	stream.linear.gather [hbm4b:s1+s3], $0x100, $0x38;
	[tilespmem:$0x1FF00] =	vst v63  }
0x6c: {  	_ =	swait.ge [sflag:s17], $0x100  }
0x6d: {  	[sflag:s17] =	ssyncset.done $0x0  }
0x6e: {  	s1 =	simm.s32 $0xFFFFF6A0;
	[sflag:s17] =	ssyncadd.s32 $0xFFFFFF00  }
.LBB2_4:
0x6f: {  	[tilespmem:s22], [sflag:$0x3] =	stream.indirect.gather [hbm4b:s4+s18], $0x80, s21, s18, $0xb8;
	[tilespmem:$0x1FF00] =	vst v63  }
0x70: {  	s6 =	smov.u32 s1  }
0x71: {  	p0 =	sne.s32 s1, $0xFFFFFFA0;
	s1 =	sadd.s32 $0x60, s1;
	_ =	swait.ge [sflag:s23], $0x4000  }
0x72: {  	[sflag:s23] =	ssyncset.done $0x0  }
0x73: {  	[sflag:s23] =	ssyncadd.s32 $0xFFFFC000  }
0x74: {  	[spmem:s2] =	stream.indirect.scatter.add.f32 [tilespmem:s16], [sflag:$0x4], $0x80, s18, s18, $0xb8;
	[tilespmem:$0x1FF00] =	vst v63  }
0x75: {  	_ =	swait.ge [sflag:s24], $0x4000  }
0x76: {  	[sflag:s24] =	ssyncset.done $0x0  }
0x77: {  	[sflag:s24] =	ssyncadd.s32 $0xFFFFC000  }
0x78: {  	[spmem:s2] =	stream.indirect.scatter.add.f32 [tilespmem:s20], [sflag:$0x5], $0x80, s25, s18, $0xb8;
	[tilespmem:$0x1FF00] =	vst v63  }
0x79: {  	_ =	swait.ge [sflag:s26], $0x4000  }
0x7a: {  	[sflag:s26] =	ssyncset.done $0x0  }
0x7b: {  	[sflag:s26] =	ssyncadd.s32 $0xFFFFC000  }
0x7c: {  	[spmem:s2] =	stream.indirect.scatter.add.f32 [tilespmem:s22], [sflag:$0x6], $0x80, s28, s18, $0xb8;
	[tilespmem:$0x1FF00] =	vst v63  }
0x7d: {  	_ =	swait.ge [sflag:s29], $0x4000  }
0x7e: {  	s6 =	sadd.s32 s6, s15;
	[sflag:s29] =	ssyncset.done $0x0  }
0x7f: {  	s7 =	sadd.s32 $0xA20, s6;
	[sflag:s29] =	ssyncadd.s32 $0xFFFFC000  }
0x80: {  	[tilespmem:s3], [sflag:$0x7] =	stream.linear.gather [hbm4b:s7+s3], $0x100, $0x38;
	[tilespmem:$0x1FF00] =	vst v63  }
0x81: {  	_ =	swait.ge [sflag:s17], $0x100  }
0x82: {  	[sflag:s17] =	ssyncset.done $0x0  }
0x83: {  	[sflag:s17] =	ssyncadd.s32 $0xFFFFFF00  }
0x84: {  	[tilespmem:s16], [sflag:$0x1] =	stream.indirect.gather [hbm4b:s4+s18], $0x80, s3, s18, $0xb8;
	[tilespmem:$0x1FF00] =	vst v63  }
0x85: {  	_ =	swait.ge [sflag:s30], $0x4000  }
0x86: {  	[sflag:s30] =	ssyncset.done $0x0  }
0x87: {  	s7 =	sadd.s32 $0xA40, s6;
	[sflag:s30] =	ssyncadd.s32 $0xFFFFC000  }
0x88: {  	[tilespmem:s19], [sflag:$0x7] =	stream.linear.gather [hbm4b:s7+s3], $0x100, $0x38;
	[tilespmem:$0x1FF00] =	vst v63  }
0x89: {  	_ =	swait.ge [sflag:s17], $0x100  }
0x8a: {  	[sflag:s17] =	ssyncset.done $0x0  }
0x8b: {  	[sflag:s17] =	ssyncadd.s32 $0xFFFFFF00  }
0x8c: {  	[tilespmem:s20], [sflag:$0x2] =	stream.indirect.gather [hbm4b:s4+s18], $0x80, s19, s18, $0xb8;
	[tilespmem:$0x1FF00] =	vst v63  }
0x8d: {  	_ =	swait.ge [sflag:s31], $0x4000  }
0x8e: {  	[sflag:s31] =	ssyncset.done $0x0  }
.Ltmp1:
0x8f: {  	s6 =	sadd.s32 $0xA60, s6;
	[sflag:s31] =	ssyncadd.s32 $0xFFFFC000;
	(pc) =	sbr.rel @p0 .LBB2_4-.Ltmp1, $4  }
0x90: {  	[tilespmem:s21], [sflag:$0x7] =	stream.linear.gather [hbm4b:s6+s3], $0x100, $0x38;
	[tilespmem:$0x1FF00] =	vst v63  }
0x91: {  	_ =	swait.ge [sflag:s17], $0x100  }
0x92: {  	[sflag:s17] =	ssyncset.done $0x0  }
0x93: {  	[sflag:s17] =	ssyncadd.s32 $0xFFFFFF00  }
0x94: {  	[tilespmem:s22], [sflag:$0x3] =	stream.indirect.gather [hbm4b:s4+s18], $0x80, s21, s18, $0xb8;
	[tilespmem:$0x1FF00] =	vst v63  }
0x95: {  	_ =	swait.ge [sflag:s23], $0x4000  }
0x96: {  	[sflag:s23] =	ssyncset.done $0x0  }
0x97: {  	[sflag:s23] =	ssyncadd.s32 $0xFFFFC000  }
0x98: {  	[spmem:s2] =	stream.indirect.scatter.add.f32 [tilespmem:s16], [sflag:$0x4], $0x80, s18, s18, $0xb8;
	[tilespmem:$0x1FF00] =	vst v63  }
0x99: {  	_ =	swait.ge [sflag:s24], $0x4000  }
0x9a: {  	[sflag:s24] =	ssyncset.done $0x0  }
0x9b: {  	[sflag:s24] =	ssyncadd.s32 $0xFFFFC000  }
0x9c: {  	[spmem:s2] =	stream.indirect.scatter.add.f32 [tilespmem:s20], [sflag:$0x5], $0x80, s25, s18, $0xb8;
	[tilespmem:$0x1FF00] =	vst v63  }
0x9d: {  	_ =	swait.ge [sflag:s26], $0x4000  }
0x9e: {  	[sflag:s26] =	ssyncset.done $0x0  }
0x9f: {  	[sflag:s26] =	ssyncadd.s32 $0xFFFFC000  }
0xa0: {  	[spmem:s2] =	stream.indirect.scatter.add.f32 [tilespmem:s22], [sflag:$0x6], $0x80, s28, s18, $0xb8;
	[tilespmem:$0x1FF00] =	vst v63  }
0xa1: {  	_ =	swait.ge [sflag:s29], $0x4000  }
0xa2: {  	[sflag:s29] =	ssyncset.done $0x0  }
0xa3: {  	[sflag:s29] =	ssyncadd.s32 $0xFFFFC000  }
0xa4: {  	_ =	swait.ge [sflag:s30], $0x4000  }
0xa5: {  	[sflag:s30] =	ssyncset.done $0x0  }
0xa6: {  	[sflag:s30] =	ssyncadd.s32 $0xFFFFC000  }
0xa7: {  	s1 =	stileid.u32;
	_ =	swait.ge [sflag:s31], $0x4000  }
0xa8: {  	s6 =	sshrl.u32 s5, $0x3;
	s0 =	sadd.s32 $0x1, s0;
	[sflag:s31] =	ssyncset.done $0x0  }
0xa9: {  	s1 =	sshll.u32 s1, $0x6;
	p0 =	sne.s32 s0, s14;
	[sflag:s31] =	ssyncadd.s32 $0xFFFFC000  }
.Ltmp2:
0xaa: {  	s1 =	sor.u32 $0x1C07, s1;
	[bflag:$0x0] =	sbarrier.arrive $0xFFFF;
	(pc) =	sbr.rel @p0 .LBB2_1-.Ltmp2, $4  }
0xab: {  	[hbm:s13], [sflag:s1] =	dma.local [spmem:s6], $0x2780  }
0xac: {  	_ =	swait.ge [sflag:s17], $0x2780  }
0xad: {  	[sflag:s17] =	ssyncset.done $0x0  }
0xae: {  	[sflag:s17] =	ssyncadd.s32 $0xFFFFD880  }
0xaf: {  	_ =	sfence.sel $0x180000  }
0xb0: {  	[bflag:$0x0] =	sbarrier.arrive $0xFFFF  }
0xb1: {  	_ =	strace $0x9000004D  }
0xb2: {  	s0 =	stileid.u32;
	[bflag:$0x2] =	sbarrier.arrive $0xFFFF  }
0xb3: {  	p0 =	sne.s32 s0, $0x0;
	s0 =	rddreg [dreg:$0x2]  }
0xb4: {  	s0 =	sadd.s32 @!p0 $0x100000, s0  }
0xb5: {  	[sflag:s0] =	ssyncadd.tile.s32 @!p0 $0x1;
	_ =	shalt  }
.Lfunc_end2:
_tile_overlayer_lowered:
.L_overlay_start_2:
0xb6: {  	(tag) =	ssettag $0x2  }
0xb7: {  	s0 =	rddreg [dreg:$0x0];
	s2 =	stileid.u32  }
0xb8: {  	s1 =	rddreg [dreg:$0x1];
	p0 =	sne.s32 s2, $0x0  }
0xb9: {  	s3 =	rddreg [dreg:$0x2];
	[bflag:$0x3] =	sbarrier.arrive $0xFFFF;
	s2 =	simm.s32 @!p0 $0x1C07  }
0xba: {  	[timem:s3], [sflag:s2] =	dma.local @!p0 [hbm:s0], s1  }
0xbb: {  	s0 =	simm.s32 @!p0 $0x7  }
0xbc: {  	_ =	swait.ge @!p0 [sflag:s0], s1  }
0xbd: {  	s1 =	ssub.s32 @!p0 $0x0, s1;
	[sflag:s0] =	ssyncset.done @!p0 $0x0  }
0xbe: {  	[sflag:s0] =	ssyncadd.s32 @!p0 s1  }
0xbf: {  	[bflag:$0x3] =	sbarrier.arrive $0xFFFF  }
0xc0: {  	_ =	shalt  }

// kernel: kernel.8.cloned.1.call-start
scs
__scs_entry_jumppad:
0x0: {  	(pc) =	sbr.rel $0x88, $3  }
0x1: {  	(tag) =	ssettag $0x0;
	lr =	simm.s32 $0x1  }
0x2: {  	[smem:$0x3F98] =	sst lr;
	_ =	strace $0xD0000000  }
0x3: {  	_ = 	snop  }
0x4: {  	_ = 	snop  }
0x5: {  	_ = 	snop  }
0x6: {  	_ = 	snop  }
0x7: {  	_ = 	snop  }
__scs_overlays_trampoline_lowered:
0x8: {  	[smem:$0x3FA7] =	sst s0  }
0x9: {  	[smem:$0x3FA8] =	sst s1  }
0xa: {  	[smem:$0x3FA9] =	sst s2  }
0xb: {  	[smem:$0x3FAA] =	sst s3  }
0xc: {  	[smem:$0x3FAB] =	sst s4  }
0xd: {  	[smem:$0x3FAC] =	sst s5  }
0xe: {  	[smem:$0x3FAD] =	sst s6  }
0xf: {  	[smem:$0x3FAE] =	sst s7  }
0x10: {  	[smem:$0x3FAF] =	sst s8  }
0x11: {  	[smem:$0x3FB0] =	sst s9;
	s0 =	simm.s32 @!p0 $0x0  }
0x12: {  	s1 =	sld [smem:$0x3F96];
	s0 =	simm.s32 @p0 $0x1  }
0x13: {  	[smem:$0x3FB1] =	sst s0;
	s0 =	simm.s32 @!p1 $0x0  }
0x14: {  	s2 =	sld [smem:$0x3F95];
	s0 =	simm.s32 @p1 $0x1  }
0x15: {  	[smem:$0x3FB2] =	sst s0;
	s0 =	simm.s32 @!p2 $0x0  }
0x16: {  	s3 =	sld [smem:$0x3FDB];
	s0 =	simm.s32 @p2 $0x1  }
0x17: {  	s4 =	simm.s32 $0x1BF5;
	[smem:$0x3FB4] =	sst s0  }
0x18: {  	s0 =	sld [smem:$0x3F97];
	_ =	swait.ge [sflag:s4], $0x0  }
0x19: {  	s7 =	sld [smem:$0x3F98]  }
0x1a: {  	s8 =	sadd.s32 $0xFFFFE003, lr  }
0x1b: {  	s9 =	sadd.s32 $0xFFFFFEF7, lr;
	s5 =	simm.s32 $0xFFFFFFFF;
	p2 =	slt.u32 s8, $0xFFFFF086  }
0x1c: {  	p1 =	slt.u32 s9, $0xF7A;
	s5 =	simm.s32 @!p2 $0x0  }
0x1d: {  	s5 =	simm.s32 @p1 $0x1;
	p0 =	seq.s32 s7, s2  }
0x1e: {  	s7 =	smul.u32 @!p0 $0xF7A, s2;
	p2 =	seq.s32 @!p0 s5, $0x0  }
0x1f: {  	s9 =	smul.u32 $0xF7A, s1;
	s8 =	simm.s32 @!p0 $0x1BF5;
	p2 =	por !p2, p0  }
0x20: {  	[sflag:s8] =	ssyncset.s32 @!p0 $0xFFFFF086;
	s6 =	sadd.s32 @!p0 s3, s7;
	s7 =	simm.s32 @!p0 $0x108  }
0x21: {  	s3 =	sadd.s32 s3, s9;
	s6 =	sadd.s32 @!p0 $0x88, s6;
	s7 =	simm.s32 @p2 $0x1082  }
0x22: {  	[simem:s7], [sflag:s8] =	dma.local @!p0 [hbm:s6], $0xF7A  }
0x23: {  	s9 =	sor.u32 $0xD0000000, s2;
	s6 =	simm.s32 $0x108;
	_ =	swait.ge @!p0 [sflag:s8], $0x0  }
0x24: {  	s3 =	sadd.s32 $0x88, s3;
	s6 =	simm.s32 @!p1 $0x1082;
	[sflag:s4] =	ssyncset.s32 $0xFFFFF086  }
0x25: {  	[simem:s6], [sflag:s4] =	dma.local [hbm:s3], $0xF7A  }
0x26: {  	[smem:$0x3F98] =	sst s1;
	(tag) =	ssettag s2;
	_ =	strace s9  }
0x27: {  	s1 =	sld [smem:$0x3FA8]  }
0x28: {  	s2 =	sld [smem:$0x3FA9]  }
0x29: {  	s4 =	sld [smem:$0x3FAB]  }
0x2a: {  	p0 =	seq.s32 s5, $0x0;
	s5 =	sld [smem:$0x3FAC]  }
0x2b: {  	s6 =	sld [smem:$0x3FAD]  }
0x2c: {  	s7 =	sld [smem:$0x3FAE]  }
0x2d: {  	s3 =	simm.s32 $0x108;
	s8 =	sld [smem:$0x3FAF]  }
0x2e: {  	s3 =	simm.s32 @!p0 $0x1082;
	s9 =	sld [smem:$0x3FB0]  }
0x2f: {  	lr =	sadd.s32 s0, s3;
	s0 =	sld [smem:$0x3FA7]  }
0x30: {  	s3 =	sld [smem:$0x3FAA]  }
0x31: {  	[smem:$0x3FB3] =	sst s10  }
0x32: {  	s10 =	sld [smem:$0x3FB1];
	_ =	sdelay $0x3  }
0x33: {  	p0 =	seq.s32 s10, $0x1;
	s10 =	sld [smem:$0x3FB3];
	_ =	sdelay $0x3  }
0x34: {  	[smem:$0x3FB3] =	sst s10  }
0x35: {  	s10 =	sld [smem:$0x3FB2];
	_ =	sdelay $0x3  }
0x36: {  	p1 =	seq.s32 s10, $0x1;
	s10 =	sld [smem:$0x3FB3];
	_ =	sdelay $0x3  }
0x37: {  	[smem:$0x3FB3] =	sst s10  }
0x38: {  	s10 =	sld [smem:$0x3FB4]  }
0x39: {  	_ = 	snop;
	(pc) =	sbr.ind lr, $3  }
0x3a: {  	_ = 	snop  }
0x3b: {  	_ = 	snop  }
0x3c: {  	p2 =	seq.s32 s10, $0x1;
	s10 =	sld [smem:$0x3FB3]  }
0x3d: {  	_ =	shalt  }
0x3e: {  	_ =	shalt  }
0x3f: {  	_ =	shalt  }
0x40: {  	_ =	shalt  }
0x41: {  	_ =	shalt  }
0x42: {  	_ =	shalt  }
0x43: {  	_ =	shalt  }
0x44: {  	_ =	shalt  }
0x45: {  	_ =	shalt  }
0x46: {  	_ =	shalt  }
0x47: {  	_ =	shalt  }
0x48: {  	_ =	shalt  }
0x49: {  	_ =	shalt  }
0x4a: {  	_ =	shalt  }
0x4b: {  	_ =	shalt  }
0x4c: {  	_ =	shalt  }
0x4d: {  	_ =	shalt  }
0x4e: {  	_ =	shalt  }
0x4f: {  	_ =	shalt  }
0x50: {  	_ =	shalt  }
0x51: {  	_ =	shalt  }
0x52: {  	_ =	shalt  }
0x53: {  	_ =	shalt  }
0x54: {  	_ =	shalt  }
0x55: {  	_ =	shalt  }
0x56: {  	_ =	shalt  }
0x57: {  	_ =	shalt  }
0x58: {  	_ =	shalt  }
0x59: {  	_ =	shalt  }
0x5a: {  	_ =	shalt  }
0x5b: {  	_ =	shalt  }
0x5c: {  	_ =	shalt  }
0x5d: {  	_ =	shalt  }
0x5e: {  	_ =	shalt  }
0x5f: {  	_ =	shalt  }
0x60: {  	_ =	shalt  }
0x61: {  	_ =	shalt  }
0x62: {  	_ =	shalt  }
0x63: {  	_ =	shalt  }
0x64: {  	_ =	shalt  }
0x65: {  	_ =	shalt  }
0x66: {  	_ =	shalt  }
0x67: {  	_ =	shalt  }
0x68: {  	_ =	shalt  }
0x69: {  	_ =	shalt  }
0x6a: {  	_ =	shalt  }
0x6b: {  	_ =	shalt  }
0x6c: {  	_ =	shalt  }
0x6d: {  	_ =	shalt  }
0x6e: {  	_ =	shalt  }
0x6f: {  	_ =	shalt  }
0x70: {  	_ =	shalt  }
0x71: {  	_ =	shalt  }
0x72: {  	_ =	shalt  }
0x73: {  	_ =	shalt  }
0x74: {  	_ =	shalt  }
0x75: {  	_ =	shalt  }
0x76: {  	_ =	shalt  }
0x77: {  	_ =	shalt  }
0x78: {  	_ =	shalt  }
0x79: {  	_ =	shalt  }
0x7a: {  	_ =	shalt  }
0x7b: {  	_ =	shalt  }
0x7c: {  	_ =	shalt  }
0x7d: {  	_ =	shalt  }
0x7e: {  	_ =	shalt  }
0x7f: {  	_ =	shalt  }
0x80: {  	_ =	shalt  }
0x81: {  	_ =	shalt  }
0x82: {  	_ =	shalt  }
0x83: {  	_ =	shalt  }
0x84: {  	_ =	shalt  }
0x85: {  	_ =	shalt  }
0x86: {  	_ =	shalt  }
0x87: {  	_ =	shalt  }
.Lfunc_end0:
.L_simem_size_0:
called_computation.2_lowered:
.L_overlay_start_0:
0x88: {  	s2 =	sld [smem:$0x3FD9]  }
0x89: {  	s3 =	sld [smem:$0x3FFE];
	_ =	sdelay $0x1  }
0x8a: {  	s1 =	srdreg.scid  }
0x8b: {  	s0 =	sand.u32 $0x1, s1  }
0x8c: {  	s16 =	sshll.u32 s0, $0xA;
	s2 =	sadd.s32 s3, s2  }
0x8d: {  	s2 =	sadd.s32 s2, s16  }
0x8e: {  	[smem:$0x3FBF] =	sst s2  }
0x8f: {  	_ = 	snop  }
0x90: {  	(tm) =	ssettm $0x1  }
0x91: {  	s17 =	sld [smem:$0x3FFB];
	_ =	sdelay $0x3  }
0x92: {  	_ =	strace s17  }
0x93: {  	s2 =	sld [smem:$0x3FFC];
	_ =	sdelay $0x3  }
0x94: {  	_ =	strace s2  }
0x95: {  	s2 =	sld [smem:$0x3FFD];
	_ =	sdelay $0x3  }
0x96: {  	_ =	strace s2  }
0x97: {  	_ =	strace $0x8FFFFFFF  }
0x98: {  	s18 =	sld [smem:$0x3FDB];
	_ =	sdelay $0x1  }
0x99: {  	s19 =	simm.s32 $_scs_section_size  }
0x9a: {  	s4 =	simm.s32 $_size__tile_overlayer_lowered;
	s5 =	simm.s32 $_tile_overlayer_lowered  }
0x9b: {  	s22 =	simm.s32 $0x1BFF;
	s21 =	sshll.u32 s5, $0x1;
	s2 =	sadd.s32 s19, s18  }
0x9c: {  	s6 =	simm.s32 $0x0;
	s20 =	sshll.u32 s4, $0x1;
	s4 =	sadd.s32 s21, s2  }
0x9d: {  	[timem:s6], [sflag:s22] =	dma.local [hbm:s4], s20  }
0x9e: {  	_ =	swait.ge [sflag:s22], s20  }
0x9f: {  	s3 =	ssub.s32 $0x0, s20;
	[sflag:s22] =	ssyncset.done $0x0  }
0xa0: {  	[sflag:s22] =	ssyncadd.s32 s3;
	_ =	sdelay $0x1  }
0xa1: {  	s23 =	simm.s32 $0x1B8B  }
0xa2: {  	_ =	swait.ge [sflag:s23], $0x1  }
0xa3: {  	[sflag:s23] =	ssyncset.done $0x0  }
0xa4: {  	s25 =	simm.s32 $0x1B8E;
	s24 =	sld [smem:$0x3FFE];
	[sflag:s23] =	ssyncadd.s32 $0xFFFFFFFF  }
0xa5: {  	s26 =	simm.s32 $execute0_lowered;
	[smem:$0x3FD2] =	sst s25  }
0xa6: {  	s4 =	sshll.u32 s26, $0x1;
	_ =	strace $0x80000049;
	[dreg:$0x1] =	wrdreg $0xFFFFFFFF  }
0xa7: {  	s28 =	simm.s32 $_size_execute0_lowered;
	s2 =	sadd.s32 s2, s4;
	[dreg:$0x0] =	wrdreg $0x0  }
0xa8: {  	s4 =	sshll.u32 s28, $0x1;
	[dreg:$0x2] =	wrdreg s2  }
0xa9: {  	[dreg:$0x3] =	wrdreg s4  }
0xaa: {  	[dreg:$0x4] =	wrdreg $0xC0  }
0xab: {  	_ =	task [dreg:s6], $0x5FFFF  }
0xac: {  	[dreg:$0x1] =	wrdreg $0xFFFFFFFF  }
0xad: {  	[dreg:$0x0] =	wrdreg $0x60  }
0xae: {  	[dreg:$0x2] =	wrdreg s24  }
0xaf: {  	[dreg:$0x3] =	wrdreg $0xC3000  }
0xb0: {  	[dreg:$0x4] =	wrdreg $0x9  }
0xb1: {  	_ =	task.clear_ibuf [dreg:s6], $0x5FFFF;
	_ =	strace $0x90000049  }
0xb2: {  	s29 =	simm.s32 $0x9;
	_ =	strace $0x8000004B  }
0xb3: {  	_ =	swait.ge [sflag:s29], $0x1  }
0xb4: {  	[sflag:s29] =	ssyncadd.s32 $0xFFFFFFFF  }
0xb5: {  	_ =	strace $0x9000004B  }
0xb6: {  	_ =	sfence  }
0xb7: {  	s30 =	sld [smem:$0x0];
	_ =	sdelay $0x2  }
0xb8: {  	s31 =	sshll.u32 s1, $0xD;
	s1 =	sshrl.u32 s1, $0x2  }
0xb9: {  	s3 =	sand.u32 $0x4000, s31;
	s1 =	sadd.s32 s1, s30  }
0xba: {  	s0 =	sor.u32 s3, s0;
	s1 =	sshll.u32 s1, $0x11  }
0xbb: {  	s0 =	sor.u32 s1, s0  }
0xbc: {  	s0 =	sadd.s32 $0x8F2B, s0  }
0xbd: {  	[sflag:s0] =	ssyncadd.remote.s32 $0x1  }
0xbe: {  	_ =	sfence.sel $0xFFFF  }
0xbf: {  	[dreg:$0x0] =	wrdreg $0xFFFFFFFF;
	(pc) =	sbr.abs _section_cstart, $3  }
0xc0: {  	[dreg:$0x1] =	wrdreg $0xFFFFFFFF  }
0xc1: {  	_ =	task.clear_ibuf [dreg:s6], $0x2FFFF;
	_ =	strace $0x9FFFFFFF  }
0xc2: {  	(tm) =	ssettm $0x7FFFFFFF  }
0xc3: {  	_ =	shalt  }
tec
execute0_lowered:
.L_overlay_start_1:
0x0: {  	(tag) =	ssettag $0x1  }
0x1: {  	s0 =	rddreg [dreg:$0x0]  }
0x2: {  	s2 =	rddreg [dreg:$0x1];
	s1 =	srdreg.scid  }
0x3: {  	s12 =	stileid.u32;
	s3 =	simm.s32 $0x0;
	s17 =	simm.s32 $0x7  }
0x4: {  	s18 =	simm.s32 $0x80;
	s19 =	simm.s32 $0x100;
	s20 =	simm.s32 $0x4300  }
0x5: {  	s28 =	simm.s32 $0x280;
	s29 =	simm.s32 $0x4;
	s5 =	smul.u32 $0x2780, s12  }
0x6: {  	s30 =	simm.s32 $0x5;
	s31 =	simm.s32 $0x6;
	s21 =	smul.u32 $0x4F000, s12  }
0x7: {  	s1 =	sand.u32 $0x1, s1;
	[smem:$0x7FF] =	sst s3;
	s16 =	smul.u32 $0xA20, s12  }
0x8: {  	s4 =	sadd.s32 $0x48400, s0;
	s14 =	sadd.s32 $0x34000, s0;
	s6 =	smul.u32 $0x27800, s1  }
0x9: {  	_ =	strace $0x8000004A;
	s22 =	sshll.u32 s1, $0x4;
	s7 =	ssub.s32 $0x2, s1  }
0xa: {  	s1 =	smul.u32 $0xA200, s1;
	s9 =	sor.u32 s12, s22;
	s8 =	sshrl.u32 s7, $0x1  }
0xb: {  	s22 =	simm.s32 $0x8300;
	s5 =	sadd.s32 s5, s6;
	s23 =	smul.u32 $0x5100, s9  }
0xc: {  	s6 =	sshrl.u32 s21, $0x2;
	s15 =	ssub.s32 s7, s8;
	s10 =	smul.u32 $0xA20, s9  }
0xd: {  	s26 =	sadd.s32 s1, s14;
	s0 =	sadd.s32 s5, s0;
	s5 =	sadd.s32 s6, s2  }
0xe: {  	s21 =	simm.s32 $0x200;
	s24 =	sadd.s32 $0x4000, s5;
	s25 =	sadd.s32 $0x8000, s5  }
0xf: {  	s8 =	sadd.s32 $0xC000, s5;
	s6 =	sshrl.u32 s23, $0x3;
	s9 =	sadd.s32 $0x10000, s5  }
0x10: {  	s10 =	sadd.s32 s14, s10;
	s13 =	sadd.s32 $0x6FC00, s0;
	[dreg:$0x3] =	wrdreg s24  }
0x11: {  	s23 =	simm.s32 $0x1;
	s0 =	simm.s32 $0x0;
	[dreg:$0x4] =	wrdreg s25  }
0x12: {  	s6 =	sadd.s32 s14, s6;
	s14 =	smax.u32 s15, $0x1;
	s15 =	sadd.s32 s16, s26  }
0x13: {  	s16 =	simm.s32 $0x300;
	s24 =	simm.s32 $0x2;
	s25 =	simm.s32 $0x180  }
0x14: {  	v0 =	vimm.f32 $0.0e+00;
	s26 =	simm.s32 $0x3;
	s11 =	sadd.s32 $0x20, s6;
	s12 =	sadd.s32 $0x40, s6  }
.LBB2_1:
0x15: {  	s1 =	simm.s32 $0x0;
	s6 =	simm.s32 $0x200  }
.LBB2_2:
0x16: {  	p0 =	sne.s32 s6, $0xFE00;
	[tilespmem:s1+$0x370] =	vst v0  }
0x17: {  	[tilespmem:s1+$0x300] =	vst v0  }
0x18: {  	[tilespmem:s1+$0x310] =	vst v0  }
.Ltmp0:
0x19: {  	[tilespmem:s1+$0x320] =	vst v0;
	(pc) =	sbr.rel @p0 .LBB2_2-.Ltmp0, $4  }
0x1a: {  	[tilespmem:s1+$0x330] =	vst v0  }
0x1b: {  	[tilespmem:s1+$0x340] =	vst v0  }
0x1c: {  	[tilespmem:s1+$0x350] =	vst v0  }
0x1d: {  	[tilespmem:s1+$0x360] =	vst v0;
	s1 =	sshra.s32 s6, $0x2;
	s6 =	sadd.s32 $0x200, s6  }
0x1e: {  	[tilespmem:s1+$0x370] =	vst v0  }
0x1f: {  	[tilespmem:s1+$0x300] =	vst v0  }
0x20: {  	[tilespmem:s1+$0x310] =	vst v0  }
0x21: {  	[tilespmem:s1+$0x320] =	vst v0  }
0x22: {  	[tilespmem:s1+$0x330] =	vst v0  }
0x23: {  	[tilespmem:s1+$0x340] =	vst v0  }
0x24: {  	[tilespmem:s1+$0x350] =	vst v0  }
0x25: {  	[tilespmem:s1+$0x360] =	vst v0  }
0x26: {  	[spmem:s5] =	stream.linear.scatter [tilespmem:s16], [sflag:$0x7], $0x4000, $0x38;
	[tilespmem:$0x1FF00] =	vst v63  }
0x27: {  	_ =	swait.ge [sflag:s17], $0x4000  }
0x28: {  	[sflag:s17] =	ssyncset.done $0x0  }
0x29: {  	s7 =	rddreg [dreg:$0x3];
	[sflag:s17] =	ssyncadd.s32 $0xFFFFC000  }
0x2a: {  	[spmem:s7] =	stream.linear.scatter [tilespmem:s16], [sflag:$0x7], $0x4000, $0x38;
	[tilespmem:$0x1FF00] =	vst v63  }
0x2b: {  	_ =	swait.ge [sflag:s17], $0x4000  }
0x2c: {  	[sflag:s17] =	ssyncset.done $0x0  }
0x2d: {  	s6 =	rddreg [dreg:$0x4];
	[sflag:s17] =	ssyncadd.s32 $0xFFFFC000  }
0x2e: {  	[spmem:s6] =	stream.linear.scatter [tilespmem:s16], [sflag:$0x7], $0x4000, $0x38;
	[tilespmem:$0x1FF00] =	vst v63  }
0x2f: {  	_ =	swait.ge [sflag:s17], $0x4000  }
0x30: {  	[sflag:s17] =	ssyncset.done $0x0  }
0x31: {  	[sflag:s17] =	ssyncadd.s32 $0xFFFFC000  }
0x32: {  	[spmem:s8] =	stream.linear.scatter [tilespmem:s16], [sflag:$0x7], $0x4000, $0x38;
	[tilespmem:$0x1FF00] =	vst v63  }
0x33: {  	_ =	swait.ge [sflag:s17], $0x4000  }
0x34: {  	[sflag:s17] =	ssyncset.done $0x0  }
0x35: {  	[sflag:s17] =	ssyncadd.s32 $0xFFFFC000  }
0x36: {  	[spmem:s9] =	stream.linear.scatter [tilespmem:s16], [sflag:$0x7], $0x3C00, $0x38;
	[tilespmem:$0x1FF00] =	vst v63  }
0x37: {  	_ =	swait.ge [sflag:s17], $0x3C00  }
0x38: {  	[sflag:s17] =	ssyncset.done $0x0  }
0x39: {  	[sflag:s17] =	ssyncadd.s32 $0xFFFFC400  }
0x3a: {  	[bflag:$0x0] =	sbarrier.arrive $0xFFFF  }
0x3b: {  	[tilespmem:s3], [sflag:$0x7] =	stream.linear.gather [hbm4b:s10+s3], $0x100, $0x38;
	[tilespmem:$0x1FF00] =	vst v63  }
0x3c: {  	_ =	swait.ge [sflag:s17], $0x100  }
0x3d: {  	[sflag:s17] =	ssyncset.done $0x0  }
0x3e: {  	[sflag:s17] =	ssyncadd.s32 $0xFFFFFF00  }
0x3f: {  	[tilespmem:s16], [sflag:$0x1] =	stream.indirect.gather [hbm4b:s4+s18], $0x80, s3, s18, $0xb8;
	[tilespmem:$0x1FF00] =	vst v63  }
0x40: {  	_ = 	snop  }
0x41: {  	[tilespmem:s19], [sflag:$0x7] =	stream.linear.gather [hbm4b:s11+s3], $0x100, $0x38;
	[tilespmem:$0x1FF00] =	vst v63  }
0x42: {  	_ =	swait.ge [sflag:s17], $0x100  }
0x43: {  	[sflag:s17] =	ssyncset.done $0x0  }
0x44: {  	[sflag:s17] =	ssyncadd.s32 $0xFFFFFF00  }
0x45: {  	[tilespmem:s20], [sflag:$0x2] =	stream.indirect.gather [hbm4b:s4+s18], $0x80, s19, s18, $0xb8;
	[tilespmem:$0x1FF00] =	vst v63  }
0x46: {  	_ = 	snop  }
0x47: {  	[tilespmem:s21], [sflag:$0x7] =	stream.linear.gather [hbm4b:s12+s3], $0x100, $0x38;
	[tilespmem:$0x1FF00] =	vst v63  }
0x48: {  	_ =	swait.ge [sflag:s17], $0x100  }
0x49: {  	[sflag:s17] =	ssyncset.done $0x0  }
0x4a: {  	[sflag:s17] =	ssyncadd.s32 $0xFFFFFF00  }
0x4b: {  	[tilespmem:s22], [sflag:$0x3] =	stream.indirect.gather [hbm4b:s4+s18], $0x80, s21, s18, $0xb8;
	[tilespmem:$0x1FF00] =	vst v63  }
0x4c: {  	_ =	swait.ge [sflag:s23], $0x4000  }
0x4d: {  	[sflag:s23] =	ssyncset.done $0x0  }
0x4e: {  	[sflag:s23] =	ssyncadd.s32 $0xFFFFC000  }
0x4f: {  	[spmem:s2] =	stream.indirect.scatter.add.f32 [tilespmem:s16], [sflag:$0x4], $0x80, s18, s18, $0xb8;
	[tilespmem:$0x1FF00] =	vst v63  }
0x50: {  	_ =	swait.ge [sflag:s24], $0x4000  }
0x51: {  	[sflag:s24] =	ssyncset.done $0x0  }
0x52: {  	[sflag:s24] =	ssyncadd.s32 $0xFFFFC000  }
0x53: {  	[spmem:s2] =	stream.indirect.scatter.add.f32 [tilespmem:s20], [sflag:$0x5], $0x80, s25, s18, $0xb8;
	[tilespmem:$0x1FF00] =	vst v63  }
0x54: {  	_ =	swait.ge [sflag:s26], $0x4000  }
0x55: {  	[sflag:s26] =	ssyncset.done $0x0  }
0x56: {  	[sflag:s26] =	ssyncadd.s32 $0xFFFFC000  }
0x57: {  	[spmem:s2] =	stream.indirect.scatter.add.f32 [tilespmem:s22], [sflag:$0x6], $0x80, s28, s18, $0xb8;
	[tilespmem:$0x1FF00] =	vst v63  }
0x58: {  	_ =	swait.ge [sflag:s29], $0x4000  }
0x59: {  	s1 =	sadd.s32 $0xFFFFF640, s15;
	[sflag:s29] =	ssyncset.done $0x0  }
0x5a: {  	s6 =	sadd.s32 $0xA20, s1;
	[sflag:s29] =	ssyncadd.s32 $0xFFFFC000  }
0x5b: {  	[tilespmem:s3], [sflag:$0x7] =	stream.linear.gather [hbm4b:s6+s3], $0x100, $0x38;
	[tilespmem:$0x1FF00] =	vst v63  }
0x5c: {  	_ =	swait.ge [sflag:s17], $0x100  }
0x5d: {  	[sflag:s17] =	ssyncset.done $0x0  }
0x5e: {  	[sflag:s17] =	ssyncadd.s32 $0xFFFFFF00  }
0x5f: {  	[tilespmem:s16], [sflag:$0x1] =	stream.indirect.gather [hbm4b:s4+s18], $0x80, s3, s18, $0xb8;
	[tilespmem:$0x1FF00] =	vst v63  }
0x60: {  	_ =	swait.ge [sflag:s30], $0x4000  }
0x61: {  	[sflag:s30] =	ssyncset.done $0x0  }
0x62: {  	s7 =	sadd.s32 $0xA40, s1;
	[sflag:s30] =	ssyncadd.s32 $0xFFFFC000  }
0x63: {  	[tilespmem:s19], [sflag:$0x7] =	stream.linear.gather [hbm4b:s7+s3], $0x100, $0x38;
	[tilespmem:$0x1FF00] =	vst v63  }
0x64: {  	_ =	swait.ge [sflag:s17], $0x100  }
0x65: {  	[sflag:s17] =	ssyncset.done $0x0  }
0x66: {  	[sflag:s17] =	ssyncadd.s32 $0xFFFFFF00  }
0x67: {  	[tilespmem:s20], [sflag:$0x2] =	stream.indirect.gather [hbm4b:s4+s18], $0x80, s19, s18, $0xb8;
	[tilespmem:$0x1FF00] =	vst v63  }
0x68: {  	_ =	swait.ge [sflag:s31], $0x4000  }
0x69: {  	[sflag:s31] =	ssyncset.done $0x0  }
0x6a: {  	s1 =	sadd.s32 $0xA60, s1;
	[sflag:s31] =	ssyncadd.s32 $0xFFFFC000  }
0x6b: {  	[tilespmem:s21], [sflag:$0x7] =	stream.linear.gather [hbm4b:s1+s3], $0x100, $0x38;
	[tilespmem:$0x1FF00] =	vst v63  }
0x6c: {  	_ =	swait.ge [sflag:s17], $0x100  }
0x6d: {  	[sflag:s17] =	ssyncset.done $0x0  }
0x6e: {  	s1 =	simm.s32 $0xFFFFF6A0;
	[sflag:s17] =	ssyncadd.s32 $0xFFFFFF00  }
.LBB2_4:
0x6f: {  	[tilespmem:s22], [sflag:$0x3] =	stream.indirect.gather [hbm4b:s4+s18], $0x80, s21, s18, $0xb8;
	[tilespmem:$0x1FF00] =	vst v63  }
0x70: {  	s6 =	smov.u32 s1  }
0x71: {  	p0 =	sne.s32 s1, $0xFFFFFFA0;
	s1 =	sadd.s32 $0x60, s1;
	_ =	swait.ge [sflag:s23], $0x4000  }
0x72: {  	[sflag:s23] =	ssyncset.done $0x0  }
0x73: {  	[sflag:s23] =	ssyncadd.s32 $0xFFFFC000  }
0x74: {  	[spmem:s2] =	stream.indirect.scatter.add.f32 [tilespmem:s16], [sflag:$0x4], $0x80, s18, s18, $0xb8;
	[tilespmem:$0x1FF00] =	vst v63  }
0x75: {  	_ =	swait.ge [sflag:s24], $0x4000  }
0x76: {  	[sflag:s24] =	ssyncset.done $0x0  }
0x77: {  	[sflag:s24] =	ssyncadd.s32 $0xFFFFC000  }
0x78: {  	[spmem:s2] =	stream.indirect.scatter.add.f32 [tilespmem:s20], [sflag:$0x5], $0x80, s25, s18, $0xb8;
	[tilespmem:$0x1FF00] =	vst v63  }
0x79: {  	_ =	swait.ge [sflag:s26], $0x4000  }
0x7a: {  	[sflag:s26] =	ssyncset.done $0x0  }
0x7b: {  	[sflag:s26] =	ssyncadd.s32 $0xFFFFC000  }
0x7c: {  	[spmem:s2] =	stream.indirect.scatter.add.f32 [tilespmem:s22], [sflag:$0x6], $0x80, s28, s18, $0xb8;
	[tilespmem:$0x1FF00] =	vst v63  }
0x7d: {  	_ =	swait.ge [sflag:s29], $0x4000  }
0x7e: {  	s6 =	sadd.s32 s6, s15;
	[sflag:s29] =	ssyncset.done $0x0  }
0x7f: {  	s7 =	sadd.s32 $0xA20, s6;
	[sflag:s29] =	ssyncadd.s32 $0xFFFFC000  }
0x80: {  	[tilespmem:s3], [sflag:$0x7] =	stream.linear.gather [hbm4b:s7+s3], $0x100, $0x38;
	[tilespmem:$0x1FF00] =	vst v63  }
0x81: {  	_ =	swait.ge [sflag:s17], $0x100  }
0x82: {  	[sflag:s17] =	ssyncset.done $0x0  }
0x83: {  	[sflag:s17] =	ssyncadd.s32 $0xFFFFFF00  }
0x84: {  	[tilespmem:s16], [sflag:$0x1] =	stream.indirect.gather [hbm4b:s4+s18], $0x80, s3, s18, $0xb8;
	[tilespmem:$0x1FF00] =	vst v63  }
0x85: {  	_ =	swait.ge [sflag:s30], $0x4000  }
0x86: {  	[sflag:s30] =	ssyncset.done $0x0  }
0x87: {  	s7 =	sadd.s32 $0xA40, s6;
	[sflag:s30] =	ssyncadd.s32 $0xFFFFC000  }
0x88: {  	[tilespmem:s19], [sflag:$0x7] =	stream.linear.gather [hbm4b:s7+s3], $0x100, $0x38;
	[tilespmem:$0x1FF00] =	vst v63  }
0x89: {  	_ =	swait.ge [sflag:s17], $0x100  }
0x8a: {  	[sflag:s17] =	ssyncset.done $0x0  }
0x8b: {  	[sflag:s17] =	ssyncadd.s32 $0xFFFFFF00  }
0x8c: {  	[tilespmem:s20], [sflag:$0x2] =	stream.indirect.gather [hbm4b:s4+s18], $0x80, s19, s18, $0xb8;
	[tilespmem:$0x1FF00] =	vst v63  }
0x8d: {  	_ =	swait.ge [sflag:s31], $0x4000  }
0x8e: {  	[sflag:s31] =	ssyncset.done $0x0  }
.Ltmp1:
0x8f: {  	s6 =	sadd.s32 $0xA60, s6;
	[sflag:s31] =	ssyncadd.s32 $0xFFFFC000;
	(pc) =	sbr.rel @p0 .LBB2_4-.Ltmp1, $4  }
0x90: {  	[tilespmem:s21], [sflag:$0x7] =	stream.linear.gather [hbm4b:s6+s3], $0x100, $0x38;
	[tilespmem:$0x1FF00] =	vst v63  }
0x91: {  	_ =	swait.ge [sflag:s17], $0x100  }
0x92: {  	[sflag:s17] =	ssyncset.done $0x0  }
0x93: {  	[sflag:s17] =	ssyncadd.s32 $0xFFFFFF00  }
0x94: {  	[tilespmem:s22], [sflag:$0x3] =	stream.indirect.gather [hbm4b:s4+s18], $0x80, s21, s18, $0xb8;
	[tilespmem:$0x1FF00] =	vst v63  }
0x95: {  	_ =	swait.ge [sflag:s23], $0x4000  }
0x96: {  	[sflag:s23] =	ssyncset.done $0x0  }
0x97: {  	[sflag:s23] =	ssyncadd.s32 $0xFFFFC000  }
0x98: {  	[spmem:s2] =	stream.indirect.scatter.add.f32 [tilespmem:s16], [sflag:$0x4], $0x80, s18, s18, $0xb8;
	[tilespmem:$0x1FF00] =	vst v63  }
0x99: {  	_ =	swait.ge [sflag:s24], $0x4000  }
0x9a: {  	[sflag:s24] =	ssyncset.done $0x0  }
0x9b: {  	[sflag:s24] =	ssyncadd.s32 $0xFFFFC000  }
0x9c: {  	[spmem:s2] =	stream.indirect.scatter.add.f32 [tilespmem:s20], [sflag:$0x5], $0x80, s25, s18, $0xb8;
	[tilespmem:$0x1FF00] =	vst v63  }
0x9d: {  	_ =	swait.ge [sflag:s26], $0x4000  }
0x9e: {  	[sflag:s26] =	ssyncset.done $0x0  }
0x9f: {  	[sflag:s26] =	ssyncadd.s32 $0xFFFFC000  }
0xa0: {  	[spmem:s2] =	stream.indirect.scatter.add.f32 [tilespmem:s22], [sflag:$0x6], $0x80, s28, s18, $0xb8;
	[tilespmem:$0x1FF00] =	vst v63  }
0xa1: {  	_ =	swait.ge [sflag:s29], $0x4000  }
0xa2: {  	[sflag:s29] =	ssyncset.done $0x0  }
0xa3: {  	[sflag:s29] =	ssyncadd.s32 $0xFFFFC000  }
0xa4: {  	_ =	swait.ge [sflag:s30], $0x4000  }
0xa5: {  	[sflag:s30] =	ssyncset.done $0x0  }
0xa6: {  	[sflag:s30] =	ssyncadd.s32 $0xFFFFC000  }
0xa7: {  	s1 =	stileid.u32;
	_ =	swait.ge [sflag:s31], $0x4000  }
0xa8: {  	s6 =	sshrl.u32 s5, $0x3;
	s0 =	sadd.s32 $0x1, s0;
	[sflag:s31] =	ssyncset.done $0x0  }
0xa9: {  	s1 =	sshll.u32 s1, $0x6;
	p0 =	sne.s32 s0, s14;
	[sflag:s31] =	ssyncadd.s32 $0xFFFFC000  }
.Ltmp2:
0xaa: {  	s1 =	sor.u32 $0x1C07, s1;
	[bflag:$0x0] =	sbarrier.arrive $0xFFFF;
	(pc) =	sbr.rel @p0 .LBB2_1-.Ltmp2, $4  }
0xab: {  	[hbm:s13], [sflag:s1] =	dma.local [spmem:s6], $0x2780  }
0xac: {  	_ =	swait.ge [sflag:s17], $0x2780  }
0xad: {  	[sflag:s17] =	ssyncset.done $0x0  }
0xae: {  	[sflag:s17] =	ssyncadd.s32 $0xFFFFD880  }
0xaf: {  	_ =	sfence.sel $0x180000  }
0xb0: {  	[bflag:$0x0] =	sbarrier.arrive $0xFFFF  }
0xb1: {  	_ =	strace $0x9000004A  }
0xb2: {  	s0 =	stileid.u32;
	[bflag:$0x2] =	sbarrier.arrive $0xFFFF  }
0xb3: {  	p0 =	sne.s32 s0, $0x0;
	s0 =	rddreg [dreg:$0x2]  }
0xb4: {  	s0 =	sadd.s32 @!p0 $0x100000, s0  }
0xb5: {  	[sflag:s0] =	ssyncadd.tile.s32 @!p0 $0x1;
	_ =	shalt  }
.Lfunc_end2:
_tile_overlayer_lowered:
.L_overlay_start_2:
0xb6: {  	(tag) =	ssettag $0x2  }
0xb7: {  	s0 =	rddreg [dreg:$0x0];
	s2 =	stileid.u32  }
0xb8: {  	s1 =	rddreg [dreg:$0x1];
	p0 =	sne.s32 s2, $0x0  }
0xb9: {  	s3 =	rddreg [dreg:$0x2];
	[bflag:$0x3] =	sbarrier.arrive $0xFFFF;
	s2 =	simm.s32 @!p0 $0x1C07  }
0xba: {  	[timem:s3], [sflag:s2] =	dma.local @!p0 [hbm:s0], s1  }
0xbb: {  	s0 =	simm.s32 @!p0 $0x7  }
0xbc: {  	_ =	swait.ge @!p0 [sflag:s0], s1  }
0xbd: {  	s1 =	ssub.s32 @!p0 $0x0, s1;
	[sflag:s0] =	ssyncset.done @!p0 $0x0  }
0xbe: {  	[sflag:s0] =	ssyncadd.s32 @!p0 s1  }
0xbf: {  	[bflag:$0x3] =	sbarrier.arrive $0xFFFF  }
0xc0: {  	_ =	shalt  }

// kernel: scatter_offload_async_start
scs
__scs_entry_jumppad:
0x0: {  	(pc) =	sbr.rel $0x88, $3  }
0x1: {  	(tag) =	ssettag $0x0;
	lr =	simm.s32 $0x1  }
0x2: {  	[smem:$0x3F98] =	sst lr;
	_ =	strace $0xD0000000  }
0x3: {  	_ = 	snop  }
0x4: {  	_ = 	snop  }
0x5: {  	_ = 	snop  }
0x6: {  	_ = 	snop  }
0x7: {  	_ = 	snop  }
__scs_overlays_trampoline_lowered:
0x8: {  	[smem:$0x3FA7] =	sst s0  }
0x9: {  	[smem:$0x3FA8] =	sst s1  }
0xa: {  	[smem:$0x3FA9] =	sst s2  }
0xb: {  	[smem:$0x3FAA] =	sst s3  }
0xc: {  	[smem:$0x3FAB] =	sst s4  }
0xd: {  	[smem:$0x3FAC] =	sst s5  }
0xe: {  	[smem:$0x3FAD] =	sst s6  }
0xf: {  	[smem:$0x3FAE] =	sst s7  }
0x10: {  	[smem:$0x3FAF] =	sst s8  }
0x11: {  	[smem:$0x3FB0] =	sst s9;
	s0 =	simm.s32 @!p0 $0x0  }
0x12: {  	s1 =	sld [smem:$0x3F96];
	s0 =	simm.s32 @p0 $0x1  }
0x13: {  	[smem:$0x3FB1] =	sst s0;
	s0 =	simm.s32 @!p1 $0x0  }
0x14: {  	s2 =	sld [smem:$0x3F95];
	s0 =	simm.s32 @p1 $0x1  }
0x15: {  	[smem:$0x3FB2] =	sst s0;
	s0 =	simm.s32 @!p2 $0x0  }
0x16: {  	s3 =	sld [smem:$0x3FDB];
	s0 =	simm.s32 @p2 $0x1  }
0x17: {  	s4 =	simm.s32 $0x1BF5;
	[smem:$0x3FB4] =	sst s0  }
0x18: {  	s0 =	sld [smem:$0x3F97];
	_ =	swait.ge [sflag:s4], $0x0  }
0x19: {  	s7 =	sld [smem:$0x3F98]  }
0x1a: {  	s8 =	sadd.s32 $0xFFFFE003, lr  }
0x1b: {  	s9 =	sadd.s32 $0xFFFFFEF7, lr;
	s5 =	simm.s32 $0xFFFFFFFF;
	p2 =	slt.u32 s8, $0xFFFFF086  }
0x1c: {  	p1 =	slt.u32 s9, $0xF7A;
	s5 =	simm.s32 @!p2 $0x0  }
0x1d: {  	s5 =	simm.s32 @p1 $0x1;
	p0 =	seq.s32 s7, s2  }
0x1e: {  	s7 =	smul.u32 @!p0 $0xF7A, s2;
	p2 =	seq.s32 @!p0 s5, $0x0  }
0x1f: {  	s9 =	smul.u32 $0xF7A, s1;
	s8 =	simm.s32 @!p0 $0x1BF5;
	p2 =	por !p2, p0  }
0x20: {  	[sflag:s8] =	ssyncset.s32 @!p0 $0xFFFFF086;
	s6 =	sadd.s32 @!p0 s3, s7;
	s7 =	simm.s32 @!p0 $0x108  }
0x21: {  	s3 =	sadd.s32 s3, s9;
	s6 =	sadd.s32 @!p0 $0x88, s6;
	s7 =	simm.s32 @p2 $0x1082  }
0x22: {  	[simem:s7], [sflag:s8] =	dma.local @!p0 [hbm:s6], $0xF7A  }
0x23: {  	s9 =	sor.u32 $0xD0000000, s2;
	s6 =	simm.s32 $0x108;
	_ =	swait.ge @!p0 [sflag:s8], $0x0  }
0x24: {  	s3 =	sadd.s32 $0x88, s3;
	s6 =	simm.s32 @!p1 $0x1082;
	[sflag:s4] =	ssyncset.s32 $0xFFFFF086  }
0x25: {  	[simem:s6], [sflag:s4] =	dma.local [hbm:s3], $0xF7A  }
0x26: {  	[smem:$0x3F98] =	sst s1;
	(tag) =	ssettag s2;
	_ =	strace s9  }
0x27: {  	s1 =	sld [smem:$0x3FA8]  }
0x28: {  	s2 =	sld [smem:$0x3FA9]  }
0x29: {  	s4 =	sld [smem:$0x3FAB]  }
0x2a: {  	p0 =	seq.s32 s5, $0x0;
	s5 =	sld [smem:$0x3FAC]  }
0x2b: {  	s6 =	sld [smem:$0x3FAD]  }
0x2c: {  	s7 =	sld [smem:$0x3FAE]  }
0x2d: {  	s3 =	simm.s32 $0x108;
	s8 =	sld [smem:$0x3FAF]  }
0x2e: {  	s3 =	simm.s32 @!p0 $0x1082;
	s9 =	sld [smem:$0x3FB0]  }
0x2f: {  	lr =	sadd.s32 s0, s3;
	s0 =	sld [smem:$0x3FA7]  }
0x30: {  	s3 =	sld [smem:$0x3FAA]  }
0x31: {  	[smem:$0x3FB3] =	sst s10  }
0x32: {  	s10 =	sld [smem:$0x3FB1];
	_ =	sdelay $0x3  }
0x33: {  	p0 =	seq.s32 s10, $0x1;
	s10 =	sld [smem:$0x3FB3];
	_ =	sdelay $0x3  }
0x34: {  	[smem:$0x3FB3] =	sst s10  }
0x35: {  	s10 =	sld [smem:$0x3FB2];
	_ =	sdelay $0x3  }
0x36: {  	p1 =	seq.s32 s10, $0x1;
	s10 =	sld [smem:$0x3FB3];
	_ =	sdelay $0x3  }
0x37: {  	[smem:$0x3FB3] =	sst s10  }
0x38: {  	s10 =	sld [smem:$0x3FB4]  }
0x39: {  	_ = 	snop;
	(pc) =	sbr.ind lr, $3  }
0x3a: {  	_ = 	snop  }
0x3b: {  	_ = 	snop  }
0x3c: {  	p2 =	seq.s32 s10, $0x1;
	s10 =	sld [smem:$0x3FB3]  }
0x3d: {  	_ =	shalt  }
0x3e: {  	_ =	shalt  }
0x3f: {  	_ =	shalt  }
0x40: {  	_ =	shalt  }
0x41: {  	_ =	shalt  }
0x42: {  	_ =	shalt  }
0x43: {  	_ =	shalt  }
0x44: {  	_ =	shalt  }
0x45: {  	_ =	shalt  }
0x46: {  	_ =	shalt  }
0x47: {  	_ =	shalt  }
0x48: {  	_ =	shalt  }
0x49: {  	_ =	shalt  }
0x4a: {  	_ =	shalt  }
0x4b: {  	_ =	shalt  }
0x4c: {  	_ =	shalt  }
0x4d: {  	_ =	shalt  }
0x4e: {  	_ =	shalt  }
0x4f: {  	_ =	shalt  }
0x50: {  	_ =	shalt  }
0x51: {  	_ =	shalt  }
0x52: {  	_ =	shalt  }
0x53: {  	_ =	shalt  }
0x54: {  	_ =	shalt  }
0x55: {  	_ =	shalt  }
0x56: {  	_ =	shalt  }
0x57: {  	_ =	shalt  }
0x58: {  	_ =	shalt  }
0x59: {  	_ =	shalt  }
0x5a: {  	_ =	shalt  }
0x5b: {  	_ =	shalt  }
0x5c: {  	_ =	shalt  }
0x5d: {  	_ =	shalt  }
0x5e: {  	_ =	shalt  }
0x5f: {  	_ =	shalt  }
0x60: {  	_ =	shalt  }
0x61: {  	_ =	shalt  }
0x62: {  	_ =	shalt  }
0x63: {  	_ =	shalt  }
0x64: {  	_ =	shalt  }
0x65: {  	_ =	shalt  }
0x66: {  	_ =	shalt  }
0x67: {  	_ =	shalt  }
0x68: {  	_ =	shalt  }
0x69: {  	_ =	shalt  }
0x6a: {  	_ =	shalt  }
0x6b: {  	_ =	shalt  }
0x6c: {  	_ =	shalt  }
0x6d: {  	_ =	shalt  }
0x6e: {  	_ =	shalt  }
0x6f: {  	_ =	shalt  }
0x70: {  	_ =	shalt  }
0x71: {  	_ =	shalt  }
0x72: {  	_ =	shalt  }
0x73: {  	_ =	shalt  }
0x74: {  	_ =	shalt  }
0x75: {  	_ =	shalt  }
0x76: {  	_ =	shalt  }
0x77: {  	_ =	shalt  }
0x78: {  	_ =	shalt  }
0x79: {  	_ =	shalt  }
0x7a: {  	_ =	shalt  }
0x7b: {  	_ =	shalt  }
0x7c: {  	_ =	shalt  }
0x7d: {  	_ =	shalt  }
0x7e: {  	_ =	shalt  }
0x7f: {  	_ =	shalt  }
0x80: {  	_ =	shalt  }
0x81: {  	_ =	shalt  }
0x82: {  	_ =	shalt  }
0x83: {  	_ =	shalt  }
0x84: {  	_ =	shalt  }
0x85: {  	_ =	shalt  }
0x86: {  	_ =	shalt  }
0x87: {  	_ =	shalt  }
.Lfunc_end0:
.L_simem_size_0:
called_computation_lowered:
.L_overlay_start_0:
0x88: {  	s0 =	sld [smem:$0x3FD9]  }
0x89: {  	s1 =	sld [smem:$0x3FFE];
	_ =	sdelay $0x3  }
0x8a: {  	s0 =	sadd.s32 s1, s0  }
0x8b: {  	[smem:$0x3FBF] =	sst s0  }
0x8c: {  	_ = 	snop  }
0x8d: {  	s0 =	sld [smem:$0x3FD0];
	(tm) =	ssettm $0x1  }
0x8e: {  	s16 =	sld [smem:$0x3FFB];
	_ =	sdelay $0x3  }
0x8f: {  	_ =	strace s16  }
0x90: {  	s1 =	sld [smem:$0x3FFC];
	_ =	sdelay $0x3  }
0x91: {  	_ =	strace s1  }
0x92: {  	s1 =	sld [smem:$0x3FFD];
	_ =	sdelay $0x3  }
0x93: {  	_ =	strace s1  }
0x94: {  	_ =	strace $0x8FFFFFFF  }
0x95: {  	s17 =	sld [smem:$0x3FDB];
	_ =	sdelay $0x1  }
0x96: {  	s2 =	simm.s32 $_scs_section_size  }
0x97: {  	s3 =	simm.s32 $_size__tile_overlayer_lowered;
	s4 =	simm.s32 $_tile_overlayer_lowered  }
0x98: {  	s20 =	simm.s32 $0x1BFF;
	s19 =	sshll.u32 s4, $0x1;
	s1 =	sadd.s32 s2, s17  }
0x99: {  	s5 =	simm.s32 $0x0;
	s18 =	sshll.u32 s3, $0x1;
	s3 =	sadd.s32 s19, s1  }
0x9a: {  	[timem:s5], [sflag:s20] =	dma.local [hbm:s3], s18  }
0x9b: {  	_ =	swait.ge [sflag:s20], s18  }
0x9c: {  	s2 =	ssub.s32 $0x0, s18;
	[sflag:s20] =	ssyncset.done $0x0  }
0x9d: {  	[sflag:s20] =	ssyncadd.s32 s2;
	_ =	sdelay $0x1  }
0x9e: {  	s21 =	simm.s32 $0x1B8B  }
0x9f: {  	_ =	swait.ge [sflag:s21], $0x1  }
0xa0: {  	[sflag:s21] =	ssyncset.done $0x0  }
0xa1: {  	s23 =	simm.s32 $0x1B8E;
	s22 =	sld [smem:$0x3FFE];
	[sflag:s21] =	ssyncadd.s32 $0xFFFFFFFF  }
0xa2: {  	s24 =	simm.s32 $execute0_lowered;
	[smem:$0x3FD2] =	sst s23  }
0xa3: {  	s3 =	sshll.u32 s24, $0x1;
	_ =	strace $0x80000046;
	[dreg:$0x1] =	wrdreg $0xFFFFFFFF  }
0xa4: {  	s25 =	simm.s32 $_size_execute0_lowered;
	s1 =	sadd.s32 s1, s3;
	[dreg:$0x0] =	wrdreg $0x0  }
0xa5: {  	s3 =	sshll.u32 s25, $0x1;
	[dreg:$0x2] =	wrdreg s1  }
0xa6: {  	[dreg:$0x3] =	wrdreg s3  }
0xa7: {  	[dreg:$0x4] =	wrdreg $0xC0  }
0xa8: {  	_ =	task [dreg:s5], $0x5FFFF  }
0xa9: {  	[dreg:$0x1] =	wrdreg $0xFFFFFFFF  }
0xaa: {  	[dreg:$0x0] =	wrdreg $0x60  }
0xab: {  	[dreg:$0x2] =	wrdreg s22  }
0xac: {  	[dreg:$0x3] =	wrdreg s0  }
0xad: {  	[dreg:$0x4] =	wrdreg $0x9  }
0xae: {  	_ =	task.clear_ibuf [dreg:s5], $0x5FFFF;
	_ =	strace $0x90000046  }
0xaf: {  	s26 =	simm.s32 $0x9;
	_ =	strace $0x80000048  }
0xb0: {  	_ =	swait.ge [sflag:s26], $0x1  }
0xb1: {  	[sflag:s26] =	ssyncadd.s32 $0xFFFFFFFF  }
0xb2: {  	_ =	strace $0x90000048  }
0xb3: {  	_ =	sfence  }
0xb4: {  	s28 =	sld [smem:$0x0];
	_ =	sdelay $0x1  }
0xb5: {  	s29 =	srdreg.scid  }
0xb6: {  	s30 =	sshll.u32 s29, $0xD;
	s31 =	sshrl.u32 s29, $0x2  }
0xb7: {  	s2 =	sand.u32 $0x4000, s30;
	s1 =	sand.u32 $0x1, s29;
	s0 =	sadd.s32 s31, s28  }
0xb8: {  	s1 =	sor.u32 s2, s1;
	s0 =	sshll.u32 s0, $0x11  }
0xb9: {  	s0 =	sor.u32 s0, s1  }
0xba: {  	s0 =	sadd.s32 $0x8F2B, s0  }
0xbb: {  	[sflag:s0] =	ssyncadd.remote.s32 $0x1  }
0xbc: {  	_ =	sfence.sel $0xFFFF  }
0xbd: {  	[dreg:$0x0] =	wrdreg $0xFFFFFFFF;
	(pc) =	sbr.abs _section_cstart, $3  }
0xbe: {  	[dreg:$0x1] =	wrdreg $0xFFFFFFFF  }
0xbf: {  	_ =	task.clear_ibuf [dreg:s5], $0x2FFFF;
	_ =	strace $0x9FFFFFFF  }
0xc0: {  	(tm) =	ssettm $0x7FFFFFFF  }
0xc1: {  	_ =	shalt  }
tec
execute0_lowered:
.L_overlay_start_1:
0x0: {  	(tag) =	ssettag $0x1  }
0x1: {  	s3 =	stileid.u32  }
0x2: {  	s0 =	rddreg [dreg:$0x0];
	s1 =	smul.u32 $0x3, s3  }
0x3: {  	_ =	strace $0x80000047;
	s2 =	simm.s32 $0x1;
	s4 =	smin.u32 s3, $0x7  }
0x4: {  	v1 =	vimm.s32 $0xFFFFFFFF;
	[sflag:s2] =	ssyncpa.u1 $0x0;
	s1 =	sadd.s32 s4, s1  }
0x5: {  	p0 =	slt.u32 s3, $0x7;
	[tilespmem:$0x10] =	vst v1;
	s4 =	smul.u32 $0x1770, s1;
	s1 =	simm.s32 $0x5DC0  }
0x6: {  	v0 =	vimm.f32 $0.0e+00;
	[tilespmem:$0x20] =	vst v1;
	s1 =	simm.s32 @!p0 $0x4650  }
0x7: {  	[tilespmem:$0x30] =	vst v0;
	s1 =	sadd.s32 s1, s4  }
0x8: {  	[tilespmem:$0x40] =	vst v0;
	s5 =	smin.u32 s1, $0x50910  }
0x9: {  	[tilespmem:$0x50] =	vst v0;
	s9 =	ssub.s32 s5, s4  }
0xa: {  	s7 =	simm.s32 $0x2;
	[tilespmem:$0x60] =	vst v1;
	p0 =	sgt.s32 s9, $0x0  }
0xb: {  	s8 =	simm.s32 $0x8;
	s31 =	simm.s32 $0x9;
	[tilespmem:$0x70] =	vst v1;
	s9 =	simm.s32 @!p0 $0x0  }
0xc: {  	s16 =	simm.s32 $0x0;
	s17 =	simm.s32 $0xF0;
	[tilespmem:$0x80] =	vst v1;
	s30 =	smulhi.u32 $0x57619F1, s9  }
0xd: {  	s18 =	simm.s32 $0xFFFFFFFF;
	s19 =	simm.s32 $0xFFFFD220;
	s20 =	simm.s32 $0xFFFFFFFE;
	v1 =	vimm.s32 $0x0;
	[tilespmem:$0xB0] =	vst v0  }
0xe: {  	s21 =	simm.s32 $0xF;
	s25 =	simm.s32 $0x0;
	[tilespmem:$0x90] =	vst v1;
	s10 =	sshrl.u32 s30, $0x7  }
0xf: {  	[tilespmem:$0xA0] =	vst v1;
	[sflag:s7] =	ssyncpa.u1 $0x0;
	s7 =	simm.s32 $0x7;
	s11 =	smul.u32 $0x1770, s10  }
0x10: {  	s24 =	simm.s32 $0x0;
	s6 =	sadd.s32 $0x29C00, s0;
	[sflag:s7] =	ssyncpa.u1 $0x0  }
.Ltmp0:
0x11: {  	[sflag:s8] =	ssyncpa.u1 $0x0;
	p0 =	sne.s32 s9, s11;
	(pc) =	sbr.rel .LBB2_1-.Ltmp0, $4  }
0x12: {  	s14 =	sshllo.u32 s3, $0x1;
	[sflag:s31] =	ssyncpa.u1 $0x0;
	s2 =	simm.s32 @!p0 $0x0  }
0x13: {  	s23 =	smov.u32 s4;
	s1 =	sadd.s32 $0x48400, s0;
	s9 =	sadd.s32 s2, s10  }
0x14: {  	vm0 =	vmmov $0xffff;
	v2 =	vlaneseq.u32;
	p0 =	por $0x0, $0x0;
	s10 =	sshll.u32 s3, $0x1;
	s11 =	sadd.s32 $0x1, s9  }
0x15: {  	vm1 =	vmxor vm1, vm1;
	vm2 =	vmmov $0x1;
	vm3 =	vcmask $0x3F3C;
	s12 =	sadd.s32 $0x2, s9;
	s13 =	sor.u32 $0x81, s10;
	s15 =	sor.u32 $0x80, s10  }
.LBB2_9:
0x16: {  	p1 =	slt.u32 s24, $0x3  }
0x17: {  	s0 =	simm.s32 @!p1 $0x2  }
0x18: {  	_ =	swait.ge @!p1 [sflag:s0], $0x1770  }
0x19: {  	[sflag:s0] =	ssyncset.done @!p1 $0x0  }
0x1a: {  	[sflag:s0] =	ssyncadd.s32 @!p1 $0xFFFFE890;
	s0 =	simm.s32 @!p1 $0x9  }
0x1b: {  	_ =	swait.ge @!p1 [sflag:s0], $0x10  }
0x1c: {  	[sflag:s0] =	ssyncset.done @!p1 $0x0  }
0x1d: {  	[sflag:s0] =	ssyncadd.s32 @!p1 $0xFFFFFFF0;
	p1 =	sne.s32 s24, s12  }
.Ltmp1:
0x1e: {  	s2 =	sadd.s32 $0x1770, s23;
	(pc) =	sbr.rel @!p1 .LBB2_10-.Ltmp1, $4  }
0x1f: {  	s3 =	smov.u32 s4;
	s31 =	sadd.s32 $0x1, s24;
	s17 =	sadd.s32 $0x1770, s17  }
0x20: {  	s18 =	sadd.s32 $0x1, s18;
	s25 =	smov.u32 s23;
	p2 =	slt.s32 s2, s5  }
0x21: {  	p0 =	por !p0, !p0;
	s19 =	sadd.s32 $0x1770, s19;
	s3 =	smov.u32 @p2 s2  }
0x22: {  	s20 =	sadd.s32 $0x1, s20;
	s23 =	smov.u32 s3;
	s24 =	smov.u32 s31  }
.LBB2_1:
0x23: {  	p1 =	sge.u32 s24, s9  }
0x24: {  	s0 =	smulhi.u32 @!p1 $0xAAAAAAAB, s24;
	_ =	sdelay $0x1  }
0x25: {  	s0 =	sshrl.u32 @!p1 s0, $0x1  }
0x26: {  	s0 =	smul.u32 @!p1 $0x3, s0;
	_ =	sdelay $0x1  }
0x27: {  	s0 =	ssub.s32 @!p1 s24, s0  }
0x28: {  	s0 =	smul.u32 @!p1 $0x5DC0, s0;
	_ =	sdelay $0x1  }
0x29: {  	s3 =	rddreg [dreg:$0x1];
	s2 =	sshrl.u32 @!p1 s23, $0x3;
	s0 =	sshrl.u32 @!p1 s0, $0x2  }
0x2a: {  	s22 =	sand.u32 @!p1 $0x7, s23;
	s2 =	sadd.s32 @!p1 s3, s2;
	s0 =	sadd.s32 @!p1 $0x100, s0  }
0x2b: {  	[tilespmem:s0], [sflag:$0x7] =	stream.linear.gather @!p1 [hbm4b:s2+s22], $0x1770, $0x38;
	[tilespmem:$0xD410] =	vst v63  }
0x2c: {  	s0 =	sadd.s32 $0xFFFFFFFF, s24  }
0x2d: {  	p1 =	sge.u32 s0, s9  }
.Ltmp2:
0x2e: {  	_ = 	snop;
	(pc) =	sbr.rel @p1 .LBB2_5-.Ltmp2, $1  }
0x2f: {  	_ =	sdelay $0x3  }
0x30: {  	s2 =	smulhi.u32 $0xAAAAAAAB, s0;
	_ =	sdelay $0x1  }
0x31: {  	s2 =	sshrl.u32 s2, $0x1  }
0x32: {  	s2 =	smul.u32 $0x3, s2;
	_ =	sdelay $0x1  }
0x33: {  	s2 =	ssub.s32 s0, s2  }
0x34: {  	s2 =	smul.u32 $0x5DC0, s2  }
0x35: {  	_ =	swait.ge [sflag:s7], $0x1770  }
0x36: {  	[sflag:s7] =	ssyncset.done $0x0;
	s2 =	sshrl.u32 s2, $0x2  }
0x37: {  	[sflag:s7] =	ssyncadd.s32 $0xFFFFE890;
	(ifvalue) =	ssetifvalue $0xFFFFFFFF;
	v3 =	vld.msk [tilespmem:s2+$0x100 ss:$0x1], $0xffff;
	_ =	sdelay $0x2  }
0x38: {  	s30 =	smulhi.u32 $0xAAAAAAAB, s18;
	p1 =	sne.s32 s24, $0x1  }
0x39: {  	v4 =	vimm.s32 @!p1 $0x0  }
0x3a: {  	s2 =	sshrl.u32 s30, $0x1;
	v4 =	vperm.xlane @!p1 v3, v4  }
0x3b: {  	s22 =	sshll.u32 s24, $0x4;
	s2 =	smul.u32 $0xFFFEE6C0, s2;
	vm4 =	vlt.u32 v3, $0x2800  }
0x3c: {  	s22 =	sand.u32 $0x10, s22;
	v3 =	vnsel vm4, $0xFFFFFFFE, v3;
	vm4 =	vlt.u32 @!p1 v4, $0x2800  }
0x3d: {  	s2 =	sshra.s32 s2, $0x2;
	[tilespmem:s22+$0x60] =	vst v3;
	v3 =	vnsel @!p1 vm4, $0xFFFFFFFE, v4  }
0x3e: {  	s28 =	sadd.s32 s2, s17;
	[tilespmem:$0x80] =	vst @!p1 v3  }
0x3f: {  	v3 =	vld.msk [tilespmem:s28+$0x0 ss:$0x1], $0xffff;
	_ =	sdelay $0x4  }
0x40: {  	(xrf1) =	vunique.msk.u32 $0xffff, v3;
	_ =	sdelay $0xd  }
0x41: {  	v4 =	vimm.s32 $0xFFFFFFFF;
	v5, _, _ =	vpop (xrf1)  }
0x42: {  	vm5 =	vne.s32 v3, v4;
	vm4 =	veq.s32 v5, v2  }
0x43: {  	vm6 =	vlt.u32 v3, $0x2800;
	vm4 =	vmand vm5, vm4  }
0x44: {  	vm4 =	vmand vm6, vm4  }
0x45: {  	v4 =	vnsel vm4, $0xFFFFFFFF, v3  }
0x46: {  	s31 =	sand.u32 $0x1, s0  }
0x47: {  	s0 =	simm.s32 $0x1770;
	p1 =	seq.s32 s31, $0x1  }
0x48: {  	s0 =	simm.s32 @!p1 $0x0  }
0x49: {  	s26 =	sadd.s32 $0x5EB0, s0;
	(ifvalue) =	ssetifvalue $0xFFFFFFFF  }
0x4a: {  	v3 =	vperm.xlane v3, v1;
	[tilespmem:s26], [sflag:$0x8] =	stream.indirect_vreg.gather [hbm4b:s1+s16], $0x1, v4, vm0, $0x4038;
	v4 =	vnsel vm6, $0xFFFFFFFE, v4;
	[tilespmem:$0xD410] =	vst v63  }
0x4b: {  	s2 =	simm.s32 $0x0;
	s22 =	sadd.s32 $0xFFFFFFF0, s28;
	[tilespmem:s28+$0x0] =	vst v4  }
.LBB2_3:
0x4c: {  	v4 =	vld.msk [tilespmem:s22+$0x0 ss:$0x1], $0xffff;
	s2 =	sadd.s32 $0x10, s2;
	v5 =	vmov v3;
	s28 =	smov.u32 s22  }
0x4d: {  	p1 =	slt.u32 s2, $0x1760;
	_ =	sdelay $0x4  }
0x4e: {  	v3 =	vperm.xlane v4, v1;
	(xrf1) =	vunique.msk.u32 $0xffff, v4;
	_ =	sdelay $0xd  }
0x4f: {  	v6, _, _ =	vpop (xrf1)  }
0x50: {  	vm5 =	vne.s32 v4, v5;
	vm4 =	veq.s32 v6, v2  }
0x51: {  	vm6 =	vlt.u32 v4, $0x2800;
	vm4 =	vmand vm5, vm4  }
0x52: {  	vm4 =	vmand vm6, vm4  }
0x53: {  	v4 =	vnsel vm4, $0xFFFFFFFF, v4  }
.Ltmp3:
0x54: {  	v5 =	vnsel vm6, $0xFFFFFFFE, v4;
	(pc) =	sbr.rel @p1 .LBB2_3-.Ltmp3, $3  }
0x55: {  	_ =	sdelay $0x1  }
0x56: {  	s22 =	sadd.s32 $0xFFFFFFF0, s22;
	s26 =	sadd.s32 $0xFFFFFFF0, s26;
	(ifvalue) =	ssetifvalue $0xFFFFFFFF  }
0x57: {  	[tilespmem:s26], [sflag:$0x8] =	stream.indirect_vreg.gather [hbm4b:s1+s16], $0x1, v4, vm0, $0x4038;
	[tilespmem:s28+$0x0] =	vst v5  }
0x58: {  	s2 =	sshrl.u32 s25, $0x3  }
0x59: {  	s0 =	sadd.s32 $0x7630, s0;
	s2 =	sadd.s32 s6, s2  }
0x5a: {  	[tilespmem:s0], [sflag:$0x8] =	stream.linear.gather [hbm:s2], $0x1770, $0x38;
	[tilespmem:$0xD410] =	vst v63  }
.LBB2_5:
0x5b: {  	p1 =	slt.u32 s24, $0x2  }
0x5c: {  	p2 =	sge.u32 @!p1 s24, s12  }
0x5d: {  	p1 =	por p1, p2  }
.Ltmp4:
0x5e: {  	_ = 	snop;
	(pc) =	sbr.rel @p1 .LBB2_9-.Ltmp4, $1  }
0x5f: {  	_ =	sdelay $0x3  }
0x60: {  	s0 =	sadd.s32 $0xFFFFFFFE, s24  }
0x61: {  	s2 =	smulhi.u32 $0xAAAAAAAB, s0;
	_ =	sdelay $0x1  }
0x62: {  	s2 =	sshrl.u32 s2, $0x1  }
0x63: {  	s2 =	smul.u32 $0x3, s2;
	_ =	sdelay $0x1  }
0x64: {  	s0 =	ssub.s32 s0, s2  }
0x65: {  	_ =	swait.ge [sflag:s8], $0x2EE0;
	s0 =	smul.u32 $0x1770, s0  }
0x66: {  	p1 =	sne.s32 s24, s11;
	[sflag:s8] =	ssyncset.done $0x0  }
0x67: {  	[sflag:s8] =	ssyncadd.s32 $0xFFFFD120;
	s2 =	sadd.s32 @!p1 $0x186F, s0  }
0x68: {  	[spmem:s13] =	stream.linear.scatter @!p1 [tilespmem:s2], [sflag:$0x1], $0x1, $0x38;
	[tilespmem:$0xD410] =	vst v63  }
0x69: {  	s2 =	simm.s32 @!p1 $0x1  }
0x6a: {  	_ =	swait.ge @!p1 [sflag:s2], $0x1  }
0x6b: {  	s22 =	sshll.u32 s24, $0x4;
	[sflag:s2] =	ssyncset.done @!p1 $0x0  }
0x6c: {  	s25 =	sand.u32 $0x10, s22;
	[sflag:s2] =	ssyncadd.s32 @!p1 $0xFFFFFFFF  }
0x6d: {  	s2 =	sxor.u32 $0x10, s25;
	v4 =	vld [tilespmem:s25+$0x10]  }
0x6e: {  	v5 =	vld [tilespmem:s2+$0x60]  }
0x6f: {  	v3 =	vld [tilespmem:$0x80];
	_ =	sdelay $0x2  }
0x70: {  	(v2sf) =	vpush v4, $0x0  }
0x71: {  	(v2sf) =	vpush v5, $0x0  }
0x72: {  	(v2sf) =	vpush v3, $0x0;
	_ =	sdelay $0xc  }
0x73: {  	s3 =	spop (v2sf)  }
0x74: {  	s28 =	spop (v2sf)  }
0x75: {  	s26 =	spop (v2sf)  }
0x76: {  	p2 =	seq.s32 s3, s28;
	p3 =	seq.s32 s26, s3  }
0x77: {  	p3 =	por p2, p3  }
0x78: {  	s3 =	sand.u32 $0x1, s24;
	v4 =	vpsel p3, $0xFFFFFFFF, v4  }
0x79: {  	s28 =	smul.u32 $0x1770, s3;
	[tilespmem:s25+$0x10] =	vst.msk $0x1, v4  }
0x7a: {  	v4 =	vld [tilespmem:$0x30]  }
0x7b: {  	v5 =	vld [tilespmem:s28+$0x7630]  }
0x7c: {  	v6 =	vld [tilespmem:s25+$0x40];
	_ =	sdelay $0x3  }
0x7d: {  	vm4 =	vmmov vm1;
	v5 =	vadd.f32 v5, v4  }
0x7e: {  	vm5 =	vmmov vm2;
	vm4 =	vmmov @p2 vm2;
	v4 =	vadd.f32 v6, v4  }
0x7f: {  	s22 =	sshll.u32 s3, $0x4;
	vm5 =	vmmov @p3 vm1;
	[tilespmem:s28+$0x7630] =	vst.msk vm4, v5  }
0x80: {  	[tilespmem:s22+$0xD3F0] =	vst.msk vm5, v4  }
0x81: {  	v4 =	vld [tilespmem:s28+$0x5EB0];
	_ =	sdelay $0x3  }
0x82: {  	v5 =	vimm.f32 $0.0e+00  }
0x83: {  	v4 =	vshift.insert v4, v5, s21  }
0x84: {  	s29 =	sor.u32 $0x40, s2  }
0x85: {  	[tilespmem:s29+$0x0] =	vst.msk $0x1, v4  }
0x86: {  	[tilespmem:s28+$0x5EBF] =	vst.msk $0x1, v5  }
0x87: {  	v4 =	vld [tilespmem:s0+$0x1860];
	_ =	sdelay $0x1  }
0x88: {  	s29 =	smulhi.u32 $0xAAAAAAAB, s20;
	s0 =	simm.s32 $0x1  }
0x89: {  	s0 =	simm.s32 @!p0 $0x0  }
0x8a: {  	s29 =	sshrl.u32 s29, $0x1;
	s0 =	smul.u32 $0x5DC0, s0  }
0x8b: {  	s29 =	smul.u32 $0xFFFEE6C0, s29;
	v4 =	vshift.insert v4, v1, s21  }
0x8c: {  	s0 =	sshrl.u32 s0, $0x2  }
0x8d: {  	s29 =	sshra.s32 s29, $0x2;
	s30 =	sadd.s32 $0x7630, s0;
	[tilespmem:s2+$0x10] =	vst.msk $0x1, v4  }
0x8e: {  	s3 =	sadd.s32 s29, s19;
	v6 =	vld [tilespmem:s30+$0x0]  }
0x8f: {  	v7 =	vld [tilespmem:s3+$0x0];
	_ =	sdelay $0x3  }
0x90: {  	v5 =	vadd.f32 v6, v5  }
0x91: {  	vm4 =	vne.s32 v7, $0xFFFFFFFF  }
0x92: {  	(xrf2) =	vadd.seg.scan.f32 vm4, v5;
	_ =	sdelay $0x3  }
0x93: {  	s31 =	sadd.s32 $0x4750, s0;
	v5 =	vperm.xlane v4, v1  }
0x94: {  	v6 =	vld [tilespmem:s31+$0x0]  }
0x95: {  	vm5 =	veq.s32 v7, v3;
	vm6 =	veq.s32 v7, v5  }
0x96: {  	vm7 =	vgt.u32 v7, $0xFFFFFFFD;
	vm6 =	vmor vm6, vm5  }
0x97: {  	vm6 =	vmor vm6, vm7  }
0x98: {  	v9 =	vld [tilespmem:$0xA0];
	v7 =	vsel vm6, $0xFFFFFFFF, v7  }
0x99: {  	v10 =	vld [tilespmem:$0x90];
	v6 =	vsel vm5, $0x0, v6;
	v8, _, _ =	vpop (xrf2)  }
0x9a: {  	v6 =	vadd.f32 v8, v6  }
0x9b: {  	s0 =	sadd.s32 $0xA510, s0  }
0x9c: {  	vm4 =	vmand vm4, vm3;
	[tilespmem:s0+$0x0] =	vst v6;
	(ifvalue) =	ssetifvalue $0xFFFFFFFF  }
0x9d: {  	vm6 =	veq.s32 v9, $0x1;
	[hbm4b:s1+s16] =	stream.indirect_vreg.scatter [tilespmem:s0], [sflag:$0x2], $0x1, v7, vm0, $0x4038;
	v7 =	vsel vm4, $0x0, v8;
	[tilespmem:$0xD410] =	vst v63  }
0x9e: {  	s29 =	sadd.s32 $0xD3F0, s22;
	s22 =	sadd.s32 $0x10, s3;
	s2 =	simm.s32 $0x0;
	vm4 =	vmor vm6, vm5;
	v6 =	vsel vm5, v8, v10;
	v7 =	vshift.insert v7, v0, s21  }
.LBB2_7:
0x9f: {  	v8 =	vld [tilespmem:s22+$0x0];
	s30 =	sadd.s32 $0x10, s30  }
0xa0: {  	s31 =	sadd.s32 $0x10, s31;
	v9 =	vld [tilespmem:s30+$0x0]  }
0xa1: {  	s2 =	sadd.s32 $0x10, s2;
	v10 =	vld [tilespmem:s31+$0x0]  }
0xa2: {  	p2 =	slt.u32 s2, $0x1760;
	_ =	sdelay $0x2  }
0xa3: {  	v7 =	vadd.f32 v9, v7  }
0xa4: {  	vm5 =	vne.s32 v8, $0xFFFFFFFF  }
0xa5: {  	vm6 =	vmand vm5, vm3;
	(xrf2) =	vadd.seg.scan.f32 vm5, v7;
	_ =	sdelay $0x5  }
0xa6: {  	vm7 =	veq.s32 v8, v5;
	vm5 =	veq.s32 v8, v3  }
0xa7: {  	vm8 =	vgt.u32 v8, $0xFFFFFFFD;
	vm4 =	vmor vm4, vm5;
	vm7 =	vmor vm7, vm5  }
0xa8: {  	vm7 =	vmor vm7, vm8  }
0xa9: {  	v8 =	vsel vm7, $0xFFFFFFFF, v8  }
.Ltmp5:
0xaa: {  	v7 =	vsel vm5, $0x0, v10;
	v9, _, _ =	vpop (xrf2);
	(pc) =	sbr.rel @p2 .LBB2_7-.Ltmp5, $4  }
0xab: {  	v6 =	vsel vm5, v9, v6;
	v10 =	vadd.f32 v9, v7;
	v7 =	vsel vm6, $0x0, v9  }
0xac: {  	s0 =	sadd.s32 $0x10, s0;
	v7 =	vshift.insert v7, v0, s21  }
0xad: {  	s22 =	sadd.s32 $0x10, s22;
	[tilespmem:s0+$0x0] =	vst v10;
	(ifvalue) =	ssetifvalue $0xFFFFFFFF  }
0xae: {  	[hbm4b:s1+s16] =	stream.indirect_vreg.scatter [tilespmem:s0], [sflag:$0x2], $0x1, v8, vm0, $0x4038;
	[tilespmem:$0xD410] =	vst v63  }
0xaf: {  	v3 =	vld [tilespmem:s28+$0xBC70];
	_ =	sdelay $0x4  }
0xb0: {  	v3 =	vshift.insert v3, v0, s21  }
0xb1: {  	s0 =	simm.s32 $0x30  }
0xb2: {  	[tilespmem:s0+$0x0] =	vst.msk $0x1, v3  }
0xb3: {  	v3 =	vsel vm4, $0x1, v1;
	[tilespmem:$0x90] =	vst v6  }
0xb4: {  	s0 =	sadd.s32 @!p1 $0xBC7F, s28;
	[tilespmem:$0xA0] =	vst v3  }
0xb5: {  	[spmem:s14] =	stream.linear.scatter @!p1 [tilespmem:s0], [sflag:$0x1], $0x1, $0x38;
	[tilespmem:$0xD410] =	vst v63  }
0xb6: {  	s0 =	simm.s32 @!p1 $0x1  }
0xb7: {  	v3 =	vmctz.xlane @!p1 vm4;
	_ =	swait.ge @!p1 [sflag:s0], $0x1  }
0xb8: {  	(v2sf) =	vpush @!p1 v4, $0x0  }
0xb9: {  	(v2sf) =	vpush @!p1 v3, $0x0;
	_ =	sdelay $0xd  }
0xba: {  	s2 =	spop @!p1 (v2sf)  }
0xbb: {  	s3 =	spop @!p1 (v2sf)  }
0xbc: {  	p2 =	sne.s32 @!p1 s26, s2;
	p3 =	slt.s32 @!p1 s3, $0xF  }
0xbd: {  	[sflag:s0] =	ssyncset.done @!p1 $0x0;
	p2 =	por p2, p1;
	p3 =	por !p3, p1  }
0xbe: {  	[sflag:s0] =	ssyncadd.s32 @!p1 $0xFFFFFFFF;
	v3 =	vimm.s32 @!p2 $0xFFFFFFFF;
	s3 =	simm.s32 @p3 $0xF  }
0xbf: {  	[tilespmem:$0x80] =	vst @!p2 v3;
	s2 =	sadd.s32 @!p1 $0x90, s3  }
0xc0: {  	[spmem:s10] =	stream.linear.scatter @!p1 [tilespmem:s2], [sflag:$0x1], $0x1, $0x38;
	[tilespmem:$0xD410] =	vst v63  }
0xc1: {  	_ =	swait.ge @!p1 [sflag:s0], $0x1  }
0xc2: {  	[sflag:s0] =	ssyncset.done @!p1 $0x0  }
0xc3: {  	s2 =	simm.s32 @!p1 $0x80;
	[sflag:s0] =	ssyncadd.s32 @!p1 $0xFFFFFFFF  }
0xc4: {  	[spmem:s15] =	stream.linear.scatter @!p1 [tilespmem:s2], [sflag:$0x1], $0x1, $0x38;
	[tilespmem:$0xD410] =	vst v63  }
0xc5: {  	_ =	swait.ge @!p1 [sflag:s0], $0x1  }
0xc6: {  	[sflag:s0] =	ssyncset.done @!p1 $0x0  }
0xc7: {  	[sflag:s0] =	ssyncadd.s32 @!p1 $0xFFFFFFFF;
	(ifvalue) =	ssetifvalue $0xFFFFFFFF;
	v3 =	vld [tilespmem:s25+$0x10];
	_ =	sdelay $0x3  }
.Ltmp6:
0xc8: {  	_ = 	snop;
	(pc) =	sbr.rel .LBB2_9-.Ltmp6, $3  }
0xc9: {  	_ =	sdelay $0x1  }
0xca: {  	(ifvalue) =	ssetifvalue $0xFFFFFFFF  }
0xcb: {  	[hbm4b:s1+s16] =	stream.indirect_vreg.scatter [tilespmem:s29], [sflag:$0x9], $0x1, v3, vm0, $0x4038;
	[tilespmem:$0xD410] =	vst v63  }
.LBB2_10:
0xcc: {  	_ =	sfence.sel $0x180000  }
0xcd: {  	s0 =	simm.s32 $0x7;
	[bflag:$0x0] =	sbarrier.arrive $0xFFFF  }
0xce: {  	s26 =	simm.s32 $0x8;
	[sflag:s0] =	ssyncpa.u1 $0x1  }
0xcf: {  	s28 =	simm.s32 $0x9;
	[sflag:s26] =	ssyncpa.u1 $0x1  }
0xd0: {  	[sflag:s28] =	ssyncpa.u1 $0x1  }
0xd1: {  	_ =	sfence.stream.spmem  }
0xd2: {  	s29 =	simm.s32 $0x3;
	[bflag:$0x0] =	sbarrier.arrive $0xFFFF  }
0xd3: {  	s30 =	simm.s32 $0x4;
	[sflag:s29] =	ssyncpa.u1 $0x1  }
0xd4: {  	s31 =	simm.s32 $0x3C;
	s2 =	stileid.u32;
	[sflag:s30] =	ssyncpa.u1 $0x1  }
0xd5: {  	p0 =	sne.s32 s2, $0x0;
	[sflag:s31] =	ssyncpa.u1 $0x1  }
0xd6: {  	s0 =	simm.s32 @p0 $0x1;
	_ =	sfence @p0  }
0xd7: {  	[sflag:s0] =	ssyncpa.u1 @p0 $0x1;
	s0 =	simm.s32 @p0 $0x2  }
0xd8: {  	[sflag:s0] =	ssyncpa.u1 @p0 $0x1  }
0xd9: {  	_ =	strace @p0 $0x90000047  }
0xda: {  	[bflag:$0x2] =	sbarrier.arrive @p0 $0xFFFF  }
0xdb: {  	_ =	shalt @p0  }
.LBB2_11:
0xdc: {  	_ =	sfence.stream.spmem;
	s0 =	simm.s32 $0x5  }
0xdd: {  	s2 =	simm.s32 $0x80;
	s3 =	simm.s32 $0xC0;
	[sflag:s0] =	ssyncpa.u1 $0x0  }
0xde: {  	[tilespmem:s3], [sflag:$0x5] =	stream.linear.gather [spmem:s2], $0x20, $0x38;
	[tilespmem:$0xD410] =	vst v63  }
0xdf: {  	s2 =	simm.s32 $0x0;
	s3 =	simm.s32 $0xE0  }
0xe0: {  	[tilespmem:s3], [sflag:$0x5] =	stream.linear.gather [spmem:s2], $0x20, $0x38;
	[tilespmem:$0xD410] =	vst v63  }
.Ltmp7:
0xe1: {  	_ = 	snop;
	(pc) =	sbr.rel .LBB2_12-.Ltmp7, $4  }
0xe2: {  	_ =	swait.ge [sflag:s0], $0x40  }
0xe3: {  	[sflag:s0] =	ssyncset.done $0x0  }
0xe4: {  	s31 =	simm.s32 $0x6;
	[sflag:s0] =	ssyncadd.s32 $0xFFFFFFC0  }
0xe5: {  	s4 =	simm.s32 $0x0;
	[sflag:s31] =	ssyncpa.u1 $0x0  }
.LBB2_17:
0xe6: {  	p0 =	sgt.u32 s5, $0x27FF  }
0xe7: {  	s0 =	sshrl.u32 @!p0 s5, $0x3  }
0xe8: {  	s5 =	sand.u32 @!p0 $0x7, s5;
	s6 =	simm.s32 @!p0 $0xB0;
	s0 =	sadd.s32 @!p0 s1, s0  }
0xe9: {  	[tilespmem:s6], [sflag:$0x6] =	stream.linear.gather @!p0 [hbm4b:s0+s5], $0x1, $0x38;
	[tilespmem:$0xD410] =	vst v63  }
0xea: {  	s0 =	simm.s32 @!p0 $0x6  }
0xeb: {  	_ =	swait.ge @!p0 [sflag:s0], $0x1  }
0xec: {  	[sflag:s0] =	ssyncset.done @!p0 $0x0  }
0xed: {  	[sflag:s0] =	ssyncadd.s32 @!p0 $0xFFFFFFFF  }
0xee: {  	v2 =	vmov @!p0 s4;
	v1 =	vld.msk @!p0 [tilespmem:$0xB0], $0x1;
	_ =	sdelay $0x3  }
0xef: {  	s0 =	simm.s32 @!p0 $0xE0  }
0xf0: {  	[tilespmem:v2+s0+$0x0], v1 =	vst.idx.ret.add.f32.msk @!p0 $0x1, v1  }
0xf1: {  	[tilespmem:s2+$0xC0] =	vst.msk $0x1, v0  }
0xf2: {  	v0 =	vld.msk [tilespmem:s4+$0xE0], $0x1;
	_ =	sdelay $0x4  }
0xf3: {  	[tilespmem:s2+$0xE0] =	vst.msk $0x1, v0;
	s2 =	sadd.s32 $0x1, s2  }
.LBB2_19:
0xf4: {  	s4 =	sadd.s32 $0x1, s4  }
0xf5: {  	p0 =	sne.s32 s4, $0x20  }
.Ltmp8:
0xf6: {  	_ = 	snop;
	(pc) =	sbr.rel @!p0 .LBB2_20-.Ltmp8, $1  }
0xf7: {  	_ =	sdelay $0x3  }
.LBB2_12:
0xf8: {  	v0 =	vld.msk [tilespmem:s4+$0xC0], $0x1;
	_ =	sdelay $0x4  }
0xf9: {  	(v2sf) =	vpush v0, $0x0;
	_ =	sdelay $0xe  }
0xfa: {  	s5 =	spop (v2sf)  }
0xfb: {  	p0 =	seq.s32 s5, $0xFFFFFFFF  }
.Ltmp9:
0xfc: {  	_ = 	snop;
	(pc) =	sbr.rel @p0 .LBB2_19-.Ltmp9, $1  }
0xfd: {  	_ =	sdelay $0x3  }
0xfe: {  	p0 =	slt.s32 s2, $0x1  }
.Ltmp10:
0xff: {  	_ = 	snop;
	(pc) =	sbr.rel @p0 .LBB2_17-.Ltmp10, $1  }
0x100: {  	_ =	sdelay $0x3  }
0x101: {  	s0 =	simm.s32 $0xC0;
	p0 =	por $0x0, $0x0  }
0x102: {  	v1 =	vld.msk @!p0 [tilespmem:s0+$0x0], $0x1;
	_ =	sdelay $0x4  }
0x103: {  	(v2sf) =	vpush @!p0 v1, $0x0;
	_ =	sdelay $0xd  }
0x104: {  	p2 =	sne.s32 s2, $0x1  }
.Ltmp11:
0x105: {  	s6 =	spop @!p0 (v2sf);
	(pc) =	sbr.rel @!p2 .LBB2_16-.Ltmp11, $4  }
0x106: {  	p1 =	seq.s32 @!p0 s5, s6  }
0x107: {  	s6 =	simm.s32 $0x0;
	p1 =	por !p1, p0  }
0x108: {  	s8 =	simm.s32 $0xFFFFFFFF;
	s6 =	simm.s32 @p1 $0xFFFFFFFF  }
0x109: {  	s7 =	simm.s32 $0x1;
	s6 =	smov.u32 @p0 s8  }
.LBB2_15:
0x10a: {  	s8 =	smov.u32 s6;
	p0 =	sne.s32 s6, $0xFFFFFFFF  }
0x10b: {  	s0 =	sadd.s32 $0x1, s0;
	s6 =	smov.u32 s7;
	s7 =	sadd.s32 $0x1, s7  }
0x10c: {  	p1 =	sne.s32 s2, s7;
	v1 =	vld.msk @!p0 [tilespmem:s0+$0x0], $0x1;
	_ =	sdelay $0x4  }
0x10d: {  	(v2sf) =	vpush @!p0 v1, $0x0;
	_ =	sdelay $0xe  }
.Ltmp12:
0x10e: {  	s9 =	spop @!p0 (v2sf);
	(pc) =	sbr.rel @p1 .LBB2_15-.Ltmp12, $4  }
0x10f: {  	p2 =	seq.s32 @!p0 s5, s9  }
0x110: {  	p2 =	por !p2, p0  }
0x111: {  	s6 =	simm.s32 @p2 $0xFFFFFFFF  }
0x112: {  	s6 =	smov.u32 @p0 s8  }
.LBB2_16:
0x113: {  	p0 =	sne.s32 s6, $0xFFFFFFFF  }
.Ltmp13:
0x114: {  	_ = 	snop;
	(pc) =	sbr.rel @!p0 .LBB2_17-.Ltmp13, $1  }
0x115: {  	_ =	sdelay $0x3  }
0x116: {  	v0 =	vld.msk [tilespmem:s4+$0xE0], $0x1;
	v1 =	vmov s6  }
.Ltmp14:
0x117: {  	_ = 	snop;
	(pc) =	sbr.rel .LBB2_19-.Ltmp14, $2  }
0x118: {  	_ =	sdelay $0x2  }
0x119: {  	[tilespmem:v1+s3+$0x0], v0 =	vst.idx.ret.add.f32.msk $0x1, v0  }
.LBB2_20:
0x11a: {  	p0 =	slt.s32 s2, $0x1  }
.Ltmp15:
0x11b: {  	_ = 	snop;
	(pc) =	sbr.rel @p0 .LBB2_24-.Ltmp15, $3  }
0x11c: {  	_ =	sdelay $0x1  }
0x11d: {  	s0 =	simm.s32 $0x6  }
0x11e: {  	s3 =	simm.s32 $0x0;
	[sflag:s0] =	ssyncpa.u1 $0x1  }
0x11f: {  	s0 =	simm.s32 $0xC0  }
0x120: {  	v0 =	vld.msk [tilespmem:s0+$0x0], $0x1;
	_ =	sdelay $0x4  }
0x121: {  	(v2sf) =	vpush v0, $0x0;
	_ =	sdelay $0xe  }
0x122: {  	s2 =	sadd.s32 $0xFFFFFFFF, s2;
	s4 =	spop (v2sf)  }
0x123: {  	p1 =	sne.s32 s2, $0x0;
	p0 =	sgt.u32 s4, $0x27FF  }
.Ltmp16:
0x124: {  	s5 =	sshrl.u32 @!p0 s4, $0x3;
	(pc) =	sbr.rel @!p1 .LBB2_23-.Ltmp16, $4  }
0x125: {  	s0 =	simm.s32 $0xE0;
	s4 =	sand.u32 @!p0 $0x7, s4;
	s5 =	sadd.s32 @!p0 s1, s5  }
0x126: {  	[hbm4b:s5+s4] =	stream.linear.scatter @!p0 [tilespmem:s0], [sflag:$0x5], $0x1, $0x38;
	[tilespmem:$0xD410] =	vst v63  }
0x127: {  	s5 =	simm.s32 $0x0  }
0x128: {  	s4 =	simm.s32 $0xC1;
	s5 =	simm.s32 @!p0 $0x4  }
.LBB2_22:
0x129: {  	v0 =	vld.msk [tilespmem:s4+$0x0], $0x1;
	s2 =	sadd.s32 $0xFFFFFFFF, s2;
	s3 =	sadd.s32 s3, s5  }
0x12a: {  	p0 =	sne.s32 s2, $0x0;
	_ =	sdelay $0x3  }
0x12b: {  	(v2sf) =	vpush v0, $0x0;
	_ =	sdelay $0xe  }
.Ltmp17:
0x12c: {  	s6 =	spop (v2sf);
	(pc) =	sbr.rel @p0 .LBB2_22-.Ltmp17, $4  }
0x12d: {  	s5 =	simm.s32 $0x0;
	p1 =	sgt.u32 s6, $0x27FF  }
0x12e: {  	s0 =	sadd.s32 $0x1, s0;
	s5 =	simm.s32 @!p1 $0x4;
	s7 =	sshrl.u32 @!p1 s6, $0x3  }
0x12f: {  	s4 =	sadd.s32 $0x1, s4;
	s6 =	sand.u32 @!p1 $0x7, s6;
	s7 =	sadd.s32 @!p1 s1, s7  }
0x130: {  	[hbm4b:s7+s6] =	stream.linear.scatter @!p1 [tilespmem:s0], [sflag:$0x5], $0x1, $0x38;
	[tilespmem:$0xD410] =	vst v63  }
.LBB2_23:
0x131: {  	s0 =	sadd.s32 s3, s5  }
0x132: {  	s3 =	sshrl.u32 s0, $0x2  }
.LBB2_24:
0x133: {  	s0 =	simm.s32 $0x5  }
0x134: {  	_ =	swait.ge [sflag:s0], s3  }
0x135: {  	s1 =	ssub.s32 $0x0, s3;
	[sflag:s0] =	ssyncset.done $0x0  }
0x136: {  	[sflag:s0] =	ssyncadd.s32 s1  }
0x137: {  	[sflag:s0] =	ssyncpa.u1 $0x1  }
0x138: {  	s29 =	simm.s32 $0x1;
	_ =	sfence  }
0x139: {  	s30 =	simm.s32 $0x2;
	[sflag:s29] =	ssyncpa.u1 $0x1  }
0x13a: {  	[sflag:s30] =	ssyncpa.u1 $0x1  }
0x13b: {  	_ =	strace $0x90000047  }
0x13c: {  	[bflag:$0x2] =	sbarrier.arrive $0xFFFF  }
0x13d: {  	s31 =	rddreg [dreg:$0x2]  }
0x13e: {  	s0 =	sadd.s32 $0x100000, s31  }
0x13f: {  	[sflag:s0] =	ssyncadd.tile.s32 $0x1;
	_ =	shalt  }
.Lfunc_end2:
_tile_overlayer_lowered:
.L_overlay_start_2:
0x140: {  	(tag) =	ssettag $0x2  }
0x141: {  	s0 =	rddreg [dreg:$0x0];
	s2 =	stileid.u32  }
0x142: {  	s1 =	rddreg [dreg:$0x1];
	p0 =	sne.s32 s2, $0x0  }
0x143: {  	s3 =	rddreg [dreg:$0x2];
	[bflag:$0x3] =	sbarrier.arrive $0xFFFF;
	s2 =	simm.s32 @!p0 $0x1C01  }
0x144: {  	[timem:s3], [sflag:s2] =	dma.local @!p0 [hbm:s0], s1  }
0x145: {  	s0 =	simm.s32 @!p0 $0x1  }
0x146: {  	_ =	swait.ge @!p0 [sflag:s0], s1  }
0x147: {  	s1 =	ssub.s32 @!p0 $0x0, s1;
	[sflag:s0] =	ssyncset.done @!p0 $0x0  }
0x148: {  	[sflag:s0] =	ssyncadd.s32 @!p0 s1  }
0x149: {  	[bflag:$0x3] =	sbarrier.arrive $0xFFFF  }
0x14a: {  	_ =	shalt  }

</sc_bundles>
